<compile_context>
chip_gen: v7x
topology: tpu7x:2x2x1
jax: 0.10.2.dev20260603
libtpu: 0.0.44.dev20260713+nightly
codegen_flags: <defaults>
</compile_context>

<pallas_src>
import functools

import jax
import jax.numpy as jnp
import numpy as np
from jax.experimental import pallas as pl
from jax.experimental.pallas import tpu as pltpu
from jax.experimental.pallas import tpu_sc as plsc

_LOG2 = float(np.log(2.0))

_SC_CORES = 2
_SC_SUBCORES = 16


_LOG2E = 1.4426950408889634


def _ssp(x):
    u = jnp.exp2(jnp.abs(x) * (-_LOG2E))
    return jnp.maximum(x, 0.0) + _LOG2 * (jnp.log2(1.0 + u) - 1.0)



def _sc_gather(table, idx):
    K = idx.shape[0]
    D = table.shape[1]
    W = 256
    mesh = plsc.VectorSubcoreMesh(core_axis_name="core", subcore_axis_name="subcore")

    @pl.kernel(out_type=jax.ShapeDtypeStruct((K, D), table.dtype), mesh=mesh)
    def k(t_hbm, i_hbm, o_hbm):
        def body(i_vmem, o_vmem):
            pltpu.sync_copy(t_hbm.at[i_vmem.at[0]], o_vmem)

        pltpu.emit_pipeline(
            body,
            grid=(K // W,),
            in_specs=[pl.BlockSpec((1, W), lambda i: (0, i))],
            out_specs=[pl.BlockSpec((W, D), lambda i: (i, 0))],
            core_axis_name=("core", "subcore"),
            dimension_semantics=(pltpu.PARALLEL,),
        )(i_hbm, o_hbm)

    return k(table, idx.reshape(1, K))


def _sc_scatter_add(ep, idx, n_rows):
    E, H = ep.shape
    CHUNK = 128
    n_pad = ((n_rows + 8 * _SC_SUBCORES - 1) // (8 * _SC_SUBCORES)) * (8 * _SC_SUBCORES)
    RPT = n_pad // _SC_SUBCORES
    mesh = plsc.VectorSubcoreMesh(core_axis_name="core", subcore_axis_name="subcore")
    zeros = jnp.zeros((RPT, H), dtype=ep.dtype)

    @pl.kernel(
        out_type=jax.ShapeDtypeStruct((_SC_CORES, n_pad, H), ep.dtype),
        mesh=mesh,
        scratch_types=[pltpu.VMEM_SHARED((n_pad, H), ep.dtype)],
    )
    def k(ep_hbm, i_hbm, z_hbm, o_hbm, acc):
        core = jax.lax.axis_index("core")
        sub = jax.lax.axis_index("subcore")
        pltpu.sync_copy(z_hbm, acc.at[pl.ds(sub * RPT, RPT)])
        plsc.subcore_barrier()

        def body(ep_vmem, i_vmem):
            pltpu.sync_copy(ep_vmem, acc.at[i_vmem.at[0]], add=True)

        pltpu.emit_pipeline(
            body,
            grid=(E // CHUNK,),
            in_specs=[
                pl.BlockSpec((CHUNK, H), lambda i: (i, 0)),
                pl.BlockSpec((1, CHUNK), lambda i: (0, i)),
            ],
            out_specs=[],
            core_axis_name=("core", "subcore"),
            dimension_semantics=(pltpu.PARALLEL,),
        )(ep_hbm, i_hbm)
        plsc.subcore_barrier()
        pltpu.sync_copy(
            acc.at[pl.ds(sub * RPT, RPT)],
            o_hbm.at[core].at[pl.ds(sub * RPT, RPT)],
        )

    return k(ep, idx.reshape(1, E), zeros)



def _k0_body(state_ref, wu1_ref, bu1_ref, wu2_ref, bu2_ref, wfeu_ref, wfvu_ref,
             u_ref, gu1_ref, gv1_ref):
    t = _ssp(state_ref[...] @ wu1_ref[...] + bu1_ref[...])
    u = _ssp(t @ wu2_ref[...] + bu2_ref[...])
    u_ref[...] = u
    gu1_ref[...] = u @ wfeu_ref[...]
    gv1_ref[...] = u @ wfvu_ref[...]


def _k1_body(nodes_ref, wv1_ref, bv1_ref, wv2_ref, bv2_ref, v_ref):
    t = _ssp(nodes_ref[...] @ wv1_ref[...] + bv1_ref[...])
    v_ref[...] = _ssp(t @ wv2_ref[...] + bv2_ref[...])


def _bdot(a, b_ref):
    return jax.lax.dot(a.astype(jnp.bfloat16), b_ref[...],
                       preferred_element_type=jnp.float32)


def _k2_body(edges_ref, we1_ref, be1_ref, we2_ref, be2_ref, wfee_ref,
             epre_ref):
    t = _ssp(_bdot(edges_ref[...], we1_ref) + be1_ref[...])
    e = _ssp(_bdot(t, we2_ref) + be2_ref[...])
    epre_ref[...] = _bdot(e, wfee_ref).astype(jnp.bfloat16)


def _k3_body(epre_ref, gc_ref, gn_ref, edges_ref, gu1_ref, eidx_ref,
             wfec_ref, wfen_ref,
             bfe1_ref, wfe2_ref, bfe2_ref, wfe3_ref, bfe3_ref,
             eout_ref, ep_ref, acc_ref):
    g = pl.program_id(0)
    B = epre_ref.shape[0]
    h1 = _ssp(epre_ref[...].astype(jnp.float32)
              + _bdot(gc_ref[...], wfec_ref)
              + _bdot(gn_ref[...], wfen_ref) + gu1_ref[0]
              + bfe1_ref[...])
    h2 = _ssp(_bdot(h1, wfe2_ref) + bfe2_ref[...])
    ep = _ssp(_bdot(h2, wfe3_ref) + bfe3_ref[...])
    ep_ref[...] = ep
    eout_ref[...] = edges_ref[...] + ep
    eidx = eidx_ref[0]
    oh = (jax.lax.broadcasted_iota(jnp.int32, (128, B), 0) == eidx
          ).astype(jnp.float32)
    contrib = jax.lax.dot(oh, ep)

    @pl.when(g == 0)
    def _():
        acc_ref[...] = contrib

    @pl.when(g > 0)
    def _():
        acc_ref[...] += contrib


def _k4_body(p0_ref, p1_ref, v_ref, nodes_ref, gv1_ref, nidx_ref,
             wfva_ref, wfvb_ref, bfv1_ref, wfv2_ref, bfv2_ref, wfv3_ref,
             bfv3_ref, vout_ref, acc_ref, *, npg, gpb):
    g = pl.program_id(0)
    B = v_ref.shape[0]
    row_graph = g * gpb + jax.lax.broadcasted_iota(jnp.int32, (B, 128), 0) // npg
    ohu = (row_graph == jax.lax.broadcasted_iota(jnp.int32, (B, 128), 1)
           ).astype(jnp.float32)
    uv = jax.lax.dot(ohu, gv1_ref[...])
    epav = p0_ref[0] + p1_ref[0]
    h1 = _ssp(_bdot(epav, wfva_ref) + _bdot(v_ref[...], wfvb_ref)
              + uv + bfv1_ref[...])
    h2 = _ssp(_bdot(h1, wfv2_ref) + bfv2_ref[...])
    vp = _ssp(_bdot(h2, wfv3_ref) + bfv3_ref[...])
    vout_ref[...] = nodes_ref[...] + vp
    nidx = nidx_ref[0]
    oh = (jax.lax.broadcasted_iota(jnp.int32, (128, B), 0) == nidx
          ).astype(jnp.float32)
    contrib = jax.lax.dot(oh, vp)

    @pl.when(g == 0)
    def _():
        acc_ref[...] = contrib

    @pl.when(g > 0)
    def _():
        acc_ref[...] += contrib


def _k5_body(epau_ref, vpau_ref, u_ref, state_ref,
             wfua_ref, wfub_ref, wfuc_ref, bfu1_ref, wfu2_ref, bfu2_ref,
             wfu3_ref, bfu3_ref, uout_ref):
    h1 = _ssp(jax.lax.dot(epau_ref[...], wfua_ref[...])
              + jax.lax.dot(vpau_ref[...], wfub_ref[...])
              + jax.lax.dot(u_ref[...], wfuc_ref[...]) + bfu1_ref[...])
    h2 = _ssp(h1 @ wfu2_ref[...] + bfu2_ref[...])
    up = _ssp(h2 @ wfu3_ref[...] + bfu3_ref[...])
    uout_ref[...] = state_ref[...] + up


def _row2(b):
    return b.reshape(1, -1)


def kernel(nodes, num_atoms, node_index, state, max_num_nbrs, num_pairs,
           edge_index, index, edges, params):
    N, H = nodes.shape
    E = edges.shape[0]
    G = state.shape[0]
    NPG = N // G
    PPG = E // G
    H2 = 2 * H

    (wv1, bv1), (wv2, bv2) = params["pv"]
    (we1, be1), (we2, be2) = params["pe"]
    (wu1, bu1), (wu2, bu2) = params["pu"]
    (wfe1, bfe1), (wfe2, bfe2), (wfe3, bfe3) = params["fe"]
    (wfv1, bfv1), (wfv2, bfv2), (wfv3, bfv3) = params["fv"]
    (wfu1, bfu1), (wfu2, bfu2), (wfu3, bfu3) = params["fu"]

    bf16 = jnp.bfloat16
    wfe_c, wfe_e, wfe_n, wfe_u = (wfe1[0:H].astype(bf16),
                                  wfe1[H:2 * H].astype(bf16),
                                  wfe1[2 * H:3 * H].astype(bf16),
                                  wfe1[3 * H:4 * H])
    wfv_a, wfv_b, wfv_u = (wfv1[0:H].astype(bf16), wfv1[H:2 * H].astype(bf16),
                           wfv1[2 * H:3 * H])
    wfu_a, wfu_b, wfu_c = wfu1[0:H], wfu1[H:2 * H], wfu1[2 * H:3 * H]

    GP = 128
    state_p = jnp.zeros((GP, H), jnp.float32).at[:G].set(state)

    u_p, gu1, gv1 = pl.pallas_call(
        _k0_body,
        out_shape=[
            jax.ShapeDtypeStruct((GP, H), jnp.float32),
            jax.ShapeDtypeStruct((GP, H2), jnp.float32),
            jax.ShapeDtypeStruct((GP, H2), jnp.float32),
        ],
    )(state_p, wu1, _row2(bu1), wu2, _row2(bu2), wfe_u, wfv_u)

    BN = 1000
    v = pl.pallas_call(
        _k1_body,
        grid=(N // BN,),
        in_specs=[
            pl.BlockSpec((BN, H), lambda i: (i, 0)),
            pl.BlockSpec((H, H2), lambda i: (0, 0)),
            pl.BlockSpec((1, H2), lambda i: (0, 0)),
            pl.BlockSpec((H2, H), lambda i: (0, 0)),
            pl.BlockSpec((1, H), lambda i: (0, 0)),
        ],
        out_specs=[pl.BlockSpec((BN, H), lambda i: (i, 0))],
        out_shape=[jax.ShapeDtypeStruct((N, H), jnp.float32)],
    )(nodes, wv1, _row2(bv1), wv2, _row2(bv2))[0]

    BE = 3200
    epre = pl.pallas_call(
        _k2_body,
        grid=(E // BE,),
        in_specs=[
            pl.BlockSpec((BE, H), lambda i: (i, 0)),
            pl.BlockSpec((H, H2), lambda i: (0, 0)),
            pl.BlockSpec((1, H2), lambda i: (0, 0)),
            pl.BlockSpec((H2, H), lambda i: (0, 0)),
            pl.BlockSpec((1, H), lambda i: (0, 0)),
            pl.BlockSpec((H, H2), lambda i: (0, 0)),
        ],
        out_specs=[pl.BlockSpec((BE, H2), lambda i: (i, 0))],
        out_shape=[jax.ShapeDtypeStruct((E, H2), jnp.bfloat16)],
    )(edges, we1.astype(bf16), _row2(be1), we2.astype(bf16), _row2(be2),
      wfe_e)[0]

    gidx = jnp.concatenate([index[:, 0], index[:, 1]]).astype(jnp.int32)
    gcn = _sc_gather(v, gidx)

    gu1_3d = gu1.reshape(GP, 1, H2)
    eidx_3d = edge_index.astype(jnp.int32).reshape(G, 1, PPG)
    e_out, ep, epau = pl.pallas_call(
        _k3_body,
        grid=(G,),
        in_specs=[
            pl.BlockSpec((PPG, H2), lambda g: (g, 0)),
            pl.BlockSpec((PPG, H), lambda g: (g, 0)),
            pl.BlockSpec((PPG, H), lambda g, _G=G: (g + _G, 0)),
            pl.BlockSpec((PPG, H), lambda g: (g, 0)),
            pl.BlockSpec((1, 1, H2), lambda g: (g, 0, 0)),
            pl.BlockSpec((1, 1, PPG), lambda g: (g, 0, 0)),
            pl.BlockSpec((H, H2), lambda g: (0, 0)),
            pl.BlockSpec((H, H2), lambda g: (0, 0)),
            pl.BlockSpec((1, H2), lambda g: (0, 0)),
            pl.BlockSpec((H2, H2), lambda g: (0, 0)),
            pl.BlockSpec((1, H2), lambda g: (0, 0)),
            pl.BlockSpec((H2, H), lambda g: (0, 0)),
            pl.BlockSpec((1, H), lambda g: (0, 0)),
        ],
        out_specs=[
            pl.BlockSpec((PPG, H), lambda g: (g, 0)),
            pl.BlockSpec((PPG, H), lambda g: (g, 0)),
            pl.BlockSpec((GP, H), lambda g: (0, 0)),
        ],
        out_shape=[
            jax.ShapeDtypeStruct((E, H), jnp.float32),
            jax.ShapeDtypeStruct((E, H), jnp.float32),
            jax.ShapeDtypeStruct((GP, H), jnp.float32),
        ],
    )(epre, gcn, gcn, edges, gu1_3d, eidx_3d, wfe_c, wfe_n, _row2(bfe1),
      wfe2.astype(bf16), _row2(bfe2), wfe3.astype(bf16), _row2(bfe3))

    parts = _sc_scatter_add(ep, index[:, 0].astype(jnp.int32), N)

    nidx_3d = node_index.astype(jnp.int32).reshape(N // BN, 1, BN)
    v_out, vpau = pl.pallas_call(
        functools.partial(_k4_body, npg=NPG, gpb=BN // NPG),
        grid=(N // BN,),
        in_specs=[
            pl.BlockSpec((1, BN, H), lambda i: (0, i, 0)),
            pl.BlockSpec((1, BN, H), lambda i: (1, i, 0)),
            pl.BlockSpec((BN, H), lambda i: (i, 0)),
            pl.BlockSpec((BN, H), lambda i: (i, 0)),
            pl.BlockSpec((GP, H2), lambda i: (0, 0)),
            pl.BlockSpec((1, 1, BN), lambda i: (i, 0, 0)),
            pl.BlockSpec((H, H2), lambda i: (0, 0)),
            pl.BlockSpec((H, H2), lambda i: (0, 0)),
            pl.BlockSpec((1, H2), lambda i: (0, 0)),
            pl.BlockSpec((H2, H2), lambda i: (0, 0)),
            pl.BlockSpec((1, H2), lambda i: (0, 0)),
            pl.BlockSpec((H2, H), lambda i: (0, 0)),
            pl.BlockSpec((1, H), lambda i: (0, 0)),
        ],
        out_specs=[
            pl.BlockSpec((BN, H), lambda i: (i, 0)),
            pl.BlockSpec((GP, H), lambda i: (0, 0)),
        ],
        out_shape=[
            jax.ShapeDtypeStruct((N, H), jnp.float32),
            jax.ShapeDtypeStruct((GP, H), jnp.float32),
        ],
    )(parts, parts, v, nodes, gv1, nidx_3d, wfv_a, wfv_b, _row2(bfv1),
      wfv2.astype(bf16), _row2(bfv2), wfv3.astype(bf16), _row2(bfv3))

    u_out_p = pl.pallas_call(
        _k5_body,
        out_shape=[jax.ShapeDtypeStruct((GP, H), jnp.float32)],
    )(epau, vpau, u_p, state_p, wfu_a, wfu_b, wfu_c, _row2(bfu1), wfu2,
      _row2(bfu2), wfu3, _row2(bfu3))[0]

    return (e_out, v_out, u_out_p[:G])

# --- scband reference (transcript-rebuilt; emitter-appended) ---
"""Pipeline reference for scband-meg-block-76879914598809 (READ-ONLY COPY).

The authoritative reference and input builder live on the scoring server;
editing this copy changes nothing except your own understanding.
"""

import jax, jax.numpy as jnp
import numpy as np

_LOG2 = float(np.log(2.0))

def _ssp(x):
    return jax.nn.softplus(x) - _LOG2

def _mlp(x, layers):
    for W, b in layers:
        x = _ssp(x @ W + b)
    return x

def _init_linear(key, din, dout):
    kW, kb = jax.random.split(key)
    s = 1.0 / np.sqrt(din)
    W = jax.random.uniform(kW, (din, dout), minval=-s, maxval=s, dtype=jnp.float32)
    b = jax.random.uniform(kb, (dout,), minval=-s, maxval=s, dtype=jnp.float32)
    return (W, b)

def _make_mlp(key, dims):
    layers = []
    for din, dout in dims:
        key, sub = jax.random.split(key)
        layers.append(_init_linear(sub, din, dout))
    return layers

def setup_inputs(seed: int = 0):
    key = jax.random.key(seed)
    G, NPG, PPG, H = 100, 100, 1600, 128
    N, E = G * NPG, G * PPG
    ks = jax.random.split(key, 12)
    nodes = jax.random.normal(ks[0], (N, H), dtype=jnp.float32)
    state = jax.random.normal(ks[1], (G, H), dtype=jnp.float32)
    edges = jax.random.normal(ks[2], (E, H), dtype=jnp.float32)
    node_index = jnp.sort(jax.random.randint(ks[3], (N,), 0, G, dtype=jnp.int32))
    edge_index = jnp.sort(jax.random.randint(ks[4], (E,), 0, G, dtype=jnp.int32))
    index = jax.random.randint(ks[5], (E, 2), 0, N, dtype=jnp.int32)
    params = {
        "pe": _make_mlp(ks[6], [(H, 2 * H), (2 * H, H)]),
        "pv": _make_mlp(ks[7], [(H, 2 * H), (2 * H, H)]),
        "pu": _make_mlp(ks[8], [(H, 2 * H), (2 * H, H)]),
        "fe": _make_mlp(ks[9], [(4 * H, 2 * H), (2 * H, 2 * H), (2 * H, H)]),
        "fv": _make_mlp(ks[10], [(3 * H, 2 * H), (2 * H, 2 * H), (2 * H, H)]),
        "fu": _make_mlp(ks[11], [(3 * H, 2 * H), (2 * H, 2 * H), (2 * H, H)]),
    }
    return {"nodes": nodes, "num_atoms": NPG, "node_index": node_index, "state": state,
            "max_num_nbrs": 32, "num_pairs": PPG, "edge_index": edge_index, "index": index,
            "edges": edges, "params": params}

def reference(nodes, num_atoms, node_index, state, max_num_nbrs, num_pairs, edge_index, index, edges, params):
    # inner_skip=False, pool_method='sum'
    e_skip, v_skip, u_skip = edges, nodes, state
    e = _mlp(edges, params["pe"])
    v = _mlp(nodes, params["pv"])
    u = _mlp(state, params["pu"])
    nodes_center = v[index[:, 0]]
    nodes_nbr = v[index[:, 1]]
    u_e = jnp.repeat(u, num_pairs, axis=0, total_repeat_length=edges.shape[0])
    concated_e = jnp.concatenate([nodes_center, e, nodes_nbr, u_e], axis=-1)
    e_p = _mlp(concated_e, params["fe"])
    e_p_av = jnp.zeros_like(v).at[index[:, 0]].add(e_p)
    u_v = jnp.repeat(u, num_atoms, axis=0, total_repeat_length=nodes.shape[0])
    concated_v = jnp.concatenate([e_p_av, v, u_v], axis=-1)
    v_p = _mlp(concated_v, params["fv"])
    e_p_au = jnp.zeros_like(u).at[edge_index].add(e_p)
    v_p_au = jnp.zeros_like(u).at[node_index].add(v_p)
    concated_u = jnp.concatenate([e_p_au, v_p_au, u], axis=-1)
    u_p = _mlp(concated_u, params["fu"])
    return (e_skip + e_p, v_skip + v_p, u_skip + u_p)

if __name__ == "__main__":
    import jax
    _d = setup_inputs()
    print(jax.jit(kernel)(*tuple(_d.values())))

</pallas_src>

<mosaic_0001>
#map = affine_map<(d0, d1) -> (0, 0)>
#map1 = affine_map<(d0, d1) -> (0, 0, 0)>
module attributes {stable_mosaic.version = 14 : i64} {
  func.func @k(%arg0: i32, %arg1: i32, %arg2: memref<160000x128xf32, #tpu.memory_space<hbm>>, %arg3: memref<1x160000xi32, #tpu.memory_space<hbm>>, %arg4: memref<632x128xf32, #tpu.memory_space<hbm>>, %arg5: memref<2x10112x128xf32, #tpu.memory_space<hbm>>, %arg6: memref<10112x128xf32, #tpu.memory_space<vmem_shared>>) attributes {dimension_semantics = [#tpu.dimension_semantics<core_parallel>, #tpu.dimension_semantics<subcore_parallel>], iteration_bounds = array<i64: 2, 16>, scalar_prefetch = 0 : i64, scratch_operands = 1 : i64, tpu.core_type = #tpu.core_type<sc_vector_subcore>, window_params = [{transform_indices = #map}, {transform_indices = #map}, {transform_indices = #map}, {transform_indices = #map1}]} {
    %mul3A = arith.constant 632 : i32
    %mul3A_0 = arith.muli %arg1, %mul3A : i32
    "tpu.region"() ({
      %run_scoped3A = tpu.sem_alloc : memref<!tpu.dma_semaphore, #tpu.memory_space<semaphore_mem>>
      %dma_start3A = arith.constant 0 : i32
      %dma_start3A_24 = tpu.memref_slice %arg6[%mul3A_0, %dma_start3A] : memref<10112x128xf32, #tpu.memory_space<vmem_shared>> -> memref<632x128xf32, #tpu.memory_space<vmem_shared>>
      tpu.enqueue_dma source(%arg4 : memref<632x128xf32, #tpu.memory_space<hbm>>) target(%dma_start3A_24 : memref<632x128xf32, #tpu.memory_space<vmem_shared>>) target_semaphore(%run_scoped3A : memref<!tpu.dma_semaphore, #tpu.memory_space<semaphore_mem>>)
      %dma_wait3A = arith.constant 0 : i32
      %dma_wait3A_25 = tpu.memref_slice %arg6[%mul3A_0, %dma_wait3A] : memref<10112x128xf32, #tpu.memory_space<vmem_shared>> -> memref<632x128xf32, #tpu.memory_space<vmem_shared>>
      tpu.wait_dma2 semaphore(%run_scoped3A : memref<!tpu.dma_semaphore, #tpu.memory_space<semaphore_mem>>) src(%arg4 : memref<632x128xf32, #tpu.memory_space<hbm>>) dst(%dma_wait3A_25 : memref<632x128xf32, #tpu.memory_space<vmem_shared>>)
      tpu.yield
    }) : () -> ()
    %barrier3A = arith.constant 0 : index
    tpu.barrier barrier_id(%barrier3A)
    %mul3A_1 = arith.constant 1 : i32
    %mul3A_2 = arith.muli %arg1, %mul3A_1 : i32
    %add3A = arith.constant 0 : i32
    %add3A_3 = arith.addi %add3A, %mul3A_2 : i32
    %mul3A_4 = arith.constant 16 : i32
    %mul3A_5 = arith.muli %arg0, %mul3A_4 : i32
    %add3A_6 = arith.addi %add3A_3, %mul3A_5 : i32
    %lt3A = arith.constant 2 : i32
    %lt3A_7 = arith.cmpi slt, %add3A_6, %lt3A : i32
    %jit3A = arith.constant 40 : i32
    %jit3A_8 = arith.constant 39 : i32
    %select_n3A = arith.select %lt3A_7, %jit3A, %jit3A_8 : i32
    %lt3A_9 = arith.constant 2 : i32
    %lt3A_10 = arith.cmpi slt, %add3A_6, %lt3A_9 : i32
    %mul3A_11 = arith.muli %add3A_6, %select_n3A : i32
    %mul3A_12 = arith.constant 39 : i32
    %mul3A_13 = arith.muli %add3A_6, %mul3A_12 : i32
    %add3A_14 = arith.constant 2 : i32
    %add3A_15 = arith.addi %mul3A_13, %add3A_14 : i32
    %select_n3A_16 = arith.select %lt3A_10, %mul3A_11, %add3A_15 : i32
    %mul3A_17 = arith.constant 1 : i32
    %mul3A_18 = arith.muli %mul3A_17, %select_n3A : i32
    "tpu.region"() ({
      %run_scoped3A = memref.alloca() : memref<2x128x128xf32, #tpu.memory_space<vmem>>
      %run_scoped3A_24 = tpu.sem_alloc : memref<2x!tpu.dma_semaphore, #tpu.memory_space<semaphore_mem>>
      %run_scoped3A_25 = memref.alloca() : memref<2x1x128xi32, #tpu.memory_space<vmem>>
      %run_scoped3A_26 = tpu.sem_alloc : memref<2x!tpu.dma_semaphore, #tpu.memory_space<semaphore_mem>>
      %gt3A = arith.constant 0 : i32
      %gt3A_27 = arith.cmpi sgt, %mul3A_18, %gt3A : i32
      %convert_element_type3A = arith.extui %gt3A_27 : i1 to i32
      %cond3A = arith.constant 0 : i32
      %cond3A_28 = arith.cmpi ne, %convert_element_type3A, %cond3A : i32
      scf.if %cond3A_28 {
        %mul3A_29 = arith.constant 1 : i32
        %mul3A_30 = arith.muli %mul3A_29, %select_n3A : i32
        %sub3A = arith.constant 1 : i32
        %sub3A_31 = arith.subi %mul3A_30, %sub3A : i32
        %eq3A = arith.constant 0 : i32
        %eq3A_32 = arith.cmpi eq, %sub3A_31, %eq3A : i32
        %add3A_33 = arith.constant 0 : i32
        %add3A_34 = arith.addi %add3A_33, %select_n3A_16 : i32
        %select_n3A_35 = arith.constant true
        %select_n3A_36 = arith.constant 0 : i32
        %select_n3A_37 = arith.constant -1 : i32
        %select_n3A_38 = arith.select %select_n3A_35, %select_n3A_37, %select_n3A_36 : i32
        %eq3A_39 = arith.constant -1 : i32
        %eq3A_40 = arith.cmpi eq, %select_n3A_38, %eq3A_39 : i32
        %sub3A_41 = arith.constant 1 : i32
        %sub3A_42 = arith.subi %select_n3A, %sub3A_41 : i32
        %select_n3A_43 = arith.select %eq3A_40, %sub3A_42, %select_n3A_38 : i32
        %add3A_44 = arith.addi %select_n3A_43, %select_n3A_16 : i32
        %select_n3A_45 = arith.constant true
        %select_n3A_46 = arith.constant 0 : i32
        %select_n3A_47 = arith.constant 1 : i32
        %select_n3A_48 = arith.select %select_n3A_45, %select_n3A_47, %select_n3A_46 : i32
        %eq3A_49 = arith.cmpi eq, %select_n3A_48, %select_n3A : i32
        %select_n3A_50 = arith.constant 0 : i32
        %select_n3A_51 = arith.select %eq3A_49, %select_n3A_50, %select_n3A_48 : i32
        %add3A_52 = arith.addi %select_n3A_51, %select_n3A_16 : i32
        %add3A_53 = arith.constant 1 : i32
        %add3A_54 = arith.addi %select_n3A_51, %add3A_53 : i32
        %select_n3A_55 = arith.constant true
        %select_n3A_56 = arith.select %select_n3A_55, %add3A_54, %select_n3A_51 : i32
        %eq3A_57 = arith.cmpi eq, %select_n3A_56, %select_n3A : i32
        %select_n3A_58 = arith.constant 0 : i32
        %select_n3A_59 = arith.select %eq3A_57, %select_n3A_58, %select_n3A_56 : i32
        %add3A_60 = arith.addi %select_n3A_59, %select_n3A_16 : i32
        "tpu.trace_start"() <{level = 10 : i32, message = "ep_initialize_0"}> : () -> ()
        %rem3A = arith.constant 0 : i32
        %rem3A_61 = arith.constant 2 : i32
        %rem3A_62 = arith.remui %rem3A, %rem3A_61 : i32
        %mul3A_63 = arith.constant 128 : i32
        %mul3A_64 = arith.muli %mul3A_63, %add3A_34 : i32
        %dma_start3A = arith.constant 0 : i32
        %dma_start3A_65 = arith.constant 0 : i32
        %dma_start3A_66 = tpu.memref_slice %run_scoped3A[%rem3A_62, %dma_start3A, %dma_start3A_65] : memref<2x128x128xf32, #tpu.memory_space<vmem>> -> memref<1x128x128xf32, #tpu.memory_space<vmem>>
        %dma_start3A_67 = tpu.memref_squeeze %dma_start3A_66 : memref<1x128x128xf32, #tpu.memory_space<vmem>> -> memref<128x128xf32, #tpu.memory_space<vmem>>
        %dma_start3A_68 = arith.constant 0 : i32
        %dma_start3A_69 = tpu.memref_slice %arg2[%mul3A_64, %dma_start3A_68] : memref<160000x128xf32, #tpu.memory_space<hbm>> -> memref<128x128xf32, #tpu.memory_space<hbm>>
        %dma_start3A_70 = tpu.memref_slice %run_scoped3A_24[%rem3A_62] : memref<2x!tpu.dma_semaphore, #tpu.memory_space<semaphore_mem>> -> memref<1x!tpu.dma_semaphore, #tpu.memory_space<semaphore_mem>>
        %dma_start3A_71 = tpu.memref_squeeze %dma_start3A_70 : memref<1x!tpu.dma_semaphore, #tpu.memory_space<semaphore_mem>> -> memref<!tpu.dma_semaphore, #tpu.memory_space<semaphore_mem>>
        %dma_start3A_72 = arith.constant 0 : i32
        %dma_start3A_73 = arith.constant 0 : i32
        %dma_start3A_74 = tpu.memref_slice %run_scoped3A[%rem3A_62, %dma_start3A_72, %dma_start3A_73] : memref<2x128x128xf32, #tpu.memory_space<vmem>> -> memref<1x128x128xf32, #tpu.memory_space<vmem>>
        %dma_start3A_75 = tpu.memref_squeeze %dma_start3A_74 : memref<1x128x128xf32, #tpu.memory_space<vmem>> -> memref<128x128xf32, #tpu.memory_space<vmem>>
        %dma_start3A_76 = arith.constant 0 : i32
        %dma_start3A_77 = tpu.memref_slice %arg2[%mul3A_64, %dma_start3A_76] : memref<160000x128xf32, #tpu.memory_space<hbm>> -> memref<128x128xf32, #tpu.memory_space<hbm>>
        tpu.enqueue_dma source(%dma_start3A_77 : memref<128x128xf32, #tpu.memory_space<hbm>>) target(%dma_start3A_75 : memref<128x128xf32, #tpu.memory_space<vmem>>) target_semaphore(%dma_start3A_71 : memref<!tpu.dma_semaphore, #tpu.memory_space<semaphore_mem>>)
        %add3A_78 = arith.constant 0 : i32
        %add3A_79 = arith.constant 1 : i32
        %add3A_80 = arith.addi %add3A_78, %add3A_79 : i32
        %select_n3A_81 = arith.constant true
        %select_n3A_82 = arith.constant 0 : i32
        %select_n3A_83 = arith.select %select_n3A_81, %add3A_80, %select_n3A_82 : i32
        %rem3A_84 = arith.constant 0 : i32
        %rem3A_85 = arith.constant 2 : i32
        %rem3A_86 = arith.remui %rem3A_84, %rem3A_85 : i32
        %mul3A_87 = arith.constant 128 : i32
        %mul3A_88 = arith.muli %mul3A_87, %add3A_34 : i32
        %dma_start3A_89 = arith.constant 0 : i32
        %dma_start3A_90 = arith.constant 0 : i32
        %dma_start3A_91 = tpu.memref_slice %run_scoped3A_25[%rem3A_86, %dma_start3A_89, %dma_start3A_90] : memref<2x1x128xi32, #tpu.memory_space<vmem>> -> memref<1x1x128xi32, #tpu.memory_space<vmem>>
        %dma_start3A_92 = tpu.memref_squeeze %dma_start3A_91 : memref<1x1x128xi32, #tpu.memory_space<vmem>> -> memref<1x128xi32, #tpu.memory_space<vmem>>
        %dma_start3A_93 = arith.constant 0 : i32
        %dma_start3A_94 = tpu.memref_slice %arg3[%dma_start3A_93, %mul3A_88] : memref<1x160000xi32, #tpu.memory_space<hbm>> -> memref<1x128xi32, #tpu.memory_space<hbm>>
        %dma_start3A_95 = tpu.memref_slice %run_scoped3A_26[%rem3A_86] : memref<2x!tpu.dma_semaphore, #tpu.memory_space<semaphore_mem>> -> memref<1x!tpu.dma_semaphore, #tpu.memory_space<semaphore_mem>>
        %dma_start3A_96 = tpu.memref_squeeze %dma_start3A_95 : memref<1x!tpu.dma_semaphore, #tpu.memory_space<semaphore_mem>> -> memref<!tpu.dma_semaphore, #tpu.memory_space<semaphore_mem>>
        %dma_start3A_97 = arith.constant 0 : i32
        %dma_start3A_98 = arith.constant 0 : i32
        %dma_start3A_99 = tpu.memref_slice %run_scoped3A_25[%rem3A_86, %dma_start3A_97, %dma_start3A_98] : memref<2x1x128xi32, #tpu.memory_space<vmem>> -> memref<1x1x128xi32, #tpu.memory_space<vmem>>
        %dma_start3A_100 = tpu.memref_squeeze %dma_start3A_99 : memref<1x1x128xi32, #tpu.memory_space<vmem>> -> memref<1x128xi32, #tpu.memory_space<vmem>>
        %dma_start3A_101 = arith.constant 0 : i32
        %dma_start3A_102 = tpu.memref_slice %arg3[%dma_start3A_101, %mul3A_88] : memref<1x160000xi32, #tpu.memory_space<hbm>> -> memref<1x128xi32, #tpu.memory_space<hbm>>
        tpu.enqueue_dma source(%dma_start3A_102 : memref<1x128xi32, #tpu.memory_space<hbm>>) target(%dma_start3A_100 : memref<1x128xi32, #tpu.memory_space<vmem>>) target_semaphore(%dma_start3A_96 : memref<!tpu.dma_semaphore, #tpu.memory_space<semaphore_mem>>)
        %add3A_103 = arith.constant 0 : i32
        %add3A_104 = arith.constant 1 : i32
        %add3A_105 = arith.addi %add3A_103, %add3A_104 : i32
        %select_n3A_106 = arith.constant true
        %select_n3A_107 = arith.constant 0 : i32
        %select_n3A_108 = arith.select %select_n3A_106, %add3A_105, %select_n3A_107 : i32
        %while3A = arith.constant 0 : i32
        %while3A_109 = arith.constant 0 : i32
        %while3A_110 = arith.constant 0 : i32
        %while3A_111 = arith.constant 0 : i32
        "tpu.trace_stop"() : () -> ()
        %while3A_112 = arith.subi %mul3A_18, %while3A : i32
        %while3A_113 = arith.addi %while3A, %while3A_112 : i32
        %while3A_114 = arith.constant 1 : i32
        %while3A_115 = arith.divsi %while3A_112, %while3A_114 : i32
        %while3A_116 = arith.muli %while3A_115, %while3A_114 : i32
        %while3A_117 = arith.addi %while3A, %while3A_116 : i32
        %while3A_118 = arith.constant 1 : i32
        %while3A_119:5 = scf.for %while3A_173 = %while3A to %while3A_117 step %while3A_118 iter_args(%while3A_174 = %select_n3A_83, %while3A_175 = %while3A_109, %while3A_176 = %select_n3A_108, %while3A_177 = %while3A_110, %while3A_178 = %while3A_111) -> (i32, i32, i32, i32, i32)  : i32 {
          %mul3A_179 = arith.constant 1 : i32
          %mul3A_180 = arith.muli %mul3A_179, %select_n3A : i32
          %eq3A_181 = arith.constant 0 : i32
          %eq3A_182 = arith.cmpi eq, %while3A_173, %eq3A_181 : i32
          %sub3A_183 = arith.constant 1 : i32
          %sub3A_184 = arith.subi %mul3A_180, %sub3A_183 : i32
          %eq3A_185 = arith.cmpi eq, %while3A_173, %sub3A_184 : i32
          %add3A_186 = arith.addi %while3A_178, %select_n3A_16 : i32
          %sub3A_187 = arith.constant 1 : i32
          %sub3A_188 = arith.subi %while3A_178, %sub3A_187 : i32
          %select_n3A_189 = arith.constant true
          %select_n3A_190 = arith.select %select_n3A_189, %sub3A_188, %while3A_178 : i32
          %eq3A_191 = arith.constant -1 : i32
          %eq3A_192 = arith.cmpi eq, %select_n3A_190, %eq3A_191 : i32
          %sub3A_193 = arith.constant 1 : i32
          %sub3A_194 = arith.subi %select_n3A, %sub3A_193 : i32
          %select_n3A_195 = arith.select %eq3A_192, %sub3A_194, %select_n3A_190 : i32
          %add3A_196 = arith.addi %select_n3A_195, %select_n3A_16 : i32
          %add3A_197 = arith.constant 1 : i32
          %add3A_198 = arith.addi %while3A_178, %add3A_197 : i32
          %select_n3A_199 = arith.constant true
          %select_n3A_200 = arith.select %select_n3A_199, %add3A_198, %while3A_178 : i32
          %eq3A_201 = arith.cmpi eq, %select_n3A_200, %select_n3A : i32
          %select_n3A_202 = arith.constant 0 : i32
          %select_n3A_203 = arith.select %eq3A_201, %select_n3A_202, %select_n3A_200 : i32
          %add3A_204 = arith.addi %select_n3A_203, %select_n3A_16 : i32
          %add3A_205 = arith.constant 1 : i32
          %add3A_206 = arith.addi %select_n3A_203, %add3A_205 : i32
          %select_n3A_207 = arith.constant true
          %select_n3A_208 = arith.select %select_n3A_207, %add3A_206, %select_n3A_203 : i32
          %eq3A_209 = arith.cmpi eq, %select_n3A_208, %select_n3A : i32
          %select_n3A_210 = arith.constant 0 : i32
          %select_n3A_211 = arith.select %eq3A_209, %select_n3A_210, %select_n3A_208 : i32
          %add3A_212 = arith.addi %select_n3A_211, %select_n3A_16 : i32
          %ne3A = arith.cmpi ne, %add3A_186, %add3A_204 : i32
          %or3A = arith.constant false
          %or3A_213 = arith.ori %or3A, %ne3A : i1
          %or3A_214 = arith.constant false
          %or3A_215 = arith.ori %or3A_213, %or3A_214 : i1
          %sub3A_216 = arith.constant 2 : i32
          %sub3A_217 = arith.subi %mul3A_180, %sub3A_216 : i32
          %add3A_218 = arith.constant 1 : i32
          %add3A_219 = arith.addi %sub3A_217, %add3A_218 : i32
          %ge3A = arith.cmpi sge, %while3A_173, %add3A_219 : i32
          %not3A = arith.constant true
          %not3A_220 = arith.xori %ge3A, %not3A : i1
          %and3A = arith.andi %or3A_215, %not3A_220 : i1
          %convert_element_type3A_221 = arith.extui %and3A : i1 to i32
          %cond3A_222 = arith.constant 0 : i32
          %cond3A_223 = arith.cmpi ne, %convert_element_type3A_221, %cond3A_222 : i32
          scf.if %cond3A_223 {
            "tpu.trace_start"() <{level = 10 : i32, message = "ep_copy_in"}> : () -> ()
            %rem3A_336 = arith.constant 2 : i32
            %rem3A_337 = arith.remui %while3A_174, %rem3A_336 : i32
            %mul3A_338 = arith.constant 128 : i32
            %mul3A_339 = arith.muli %mul3A_338, %add3A_204 : i32
            %dma_start3A_340 = arith.constant 0 : i32
            %dma_start3A_341 = arith.constant 0 : i32
            %dma_start3A_342 = tpu.memref_slice %run_scoped3A[%rem3A_337, %dma_start3A_340, %dma_start3A_341] : memref<2x128x128xf32, #tpu.memory_space<vmem>> -> memref<1x128x128xf32, #tpu.memory_space<vmem>>
            %dma_start3A_343 = tpu.memref_squeeze %dma_start3A_342 : memref<1x128x128xf32, #tpu.memory_space<vmem>> -> memref<128x128xf32, #tpu.memory_space<vmem>>
            %dma_start3A_344 = arith.constant 0 : i32
            %dma_start3A_345 = tpu.memref_slice %arg2[%mul3A_339, %dma_start3A_344] : memref<160000x128xf32, #tpu.memory_space<hbm>> -> memref<128x128xf32, #tpu.memory_space<hbm>>
            %dma_start3A_346 = tpu.memref_slice %run_scoped3A_24[%rem3A_337] : memref<2x!tpu.dma_semaphore, #tpu.memory_space<semaphore_mem>> -> memref<1x!tpu.dma_semaphore, #tpu.memory_space<semaphore_mem>>
            %dma_start3A_347 = tpu.memref_squeeze %dma_start3A_346 : memref<1x!tpu.dma_semaphore, #tpu.memory_space<semaphore_mem>> -> memref<!tpu.dma_semaphore, #tpu.memory_space<semaphore_mem>>
            %dma_start3A_348 = arith.constant 0 : i32
            %dma_start3A_349 = arith.constant 0 : i32
            %dma_start3A_350 = tpu.memref_slice %run_scoped3A[%rem3A_337, %dma_start3A_348, %dma_start3A_349] : memref<2x128x128xf32, #tpu.memory_space<vmem>> -> memref<1x128x128xf32, #tpu.memory_space<vmem>>
            %dma_start3A_351 = tpu.memref_squeeze %dma_start3A_350 : memref<1x128x128xf32, #tpu.memory_space<vmem>> -> memref<128x128xf32, #tpu.memory_space<vmem>>
            %dma_start3A_352 = arith.constant 0 : i32
            %dma_start3A_353 = tpu.memref_slice %arg2[%mul3A_339, %dma_start3A_352] : memref<160000x128xf32, #tpu.memory_space<hbm>> -> memref<128x128xf32, #tpu.memory_space<hbm>>
            tpu.enqueue_dma source(%dma_start3A_353 : memref<128x128xf32, #tpu.memory_space<hbm>>) target(%dma_start3A_351 : memref<128x128xf32, #tpu.memory_space<vmem>>) target_semaphore(%dma_start3A_347 : memref<!tpu.dma_semaphore, #tpu.memory_space<semaphore_mem>>)
            "tpu.trace_stop"() : () -> ()
          } else {
          }
          %and3A_224 = arith.constant true
          %and3A_225 = arith.andi %and3A, %and3A_224 : i1
          %add3A_226 = arith.constant 1 : i32
          %add3A_227 = arith.addi %while3A_174, %add3A_226 : i32
          %select_n3A_228 = arith.select %and3A_225, %add3A_227, %while3A_174 : i32
          %ne3A_229 = arith.cmpi ne, %add3A_186, %add3A_204 : i32
          %or3A_230 = arith.constant false
          %or3A_231 = arith.ori %or3A_230, %ne3A_229 : i1
          %sub3A_232 = arith.constant 2 : i32
          %sub3A_233 = arith.subi %mul3A_180, %sub3A_232 : i32
          %add3A_234 = arith.constant 1 : i32
          %add3A_235 = arith.addi %sub3A_233, %add3A_234 : i32
          %ge3A_236 = arith.cmpi sge, %while3A_173, %add3A_235 : i32
          %not3A_237 = arith.constant true
          %not3A_238 = arith.xori %ge3A_236, %not3A_237 : i1
          %and3A_239 = arith.andi %or3A_231, %not3A_238 : i1
          %convert_element_type3A_240 = arith.extui %and3A_239 : i1 to i32
          %cond3A_241 = arith.constant 0 : i32
          %cond3A_242 = arith.cmpi ne, %convert_element_type3A_240, %cond3A_241 : i32
          scf.if %cond3A_242 {
            "tpu.trace_start"() <{level = 10 : i32, message = "ep_copy_in"}> : () -> ()
            %rem3A_336 = arith.constant 2 : i32
            %rem3A_337 = arith.remui %while3A_176, %rem3A_336 : i32
            %mul3A_338 = arith.constant 128 : i32
            %mul3A_339 = arith.muli %mul3A_338, %add3A_204 : i32
            %dma_start3A_340 = arith.constant 0 : i32
            %dma_start3A_341 = arith.constant 0 : i32
            %dma_start3A_342 = tpu.memref_slice %run_scoped3A_25[%rem3A_337, %dma_start3A_340, %dma_start3A_341] : memref<2x1x128xi32, #tpu.memory_space<vmem>> -> memref<1x1x128xi32, #tpu.memory_space<vmem>>
            %dma_start3A_343 = tpu.memref_squeeze %dma_start3A_342 : memref<1x1x128xi32, #tpu.memory_space<vmem>> -> memref<1x128xi32, #tpu.memory_space<vmem>>
            %dma_start3A_344 = arith.constant 0 : i32
            %dma_start3A_345 = tpu.memref_slice %arg3[%dma_start3A_344, %mul3A_339] : memref<1x160000xi32, #tpu.memory_space<hbm>> -> memref<1x128xi32, #tpu.memory_space<hbm>>
            %dma_start3A_346 = tpu.memref_slice %run_scoped3A_26[%rem3A_337] : memref<2x!tpu.dma_semaphore, #tpu.memory_space<semaphore_mem>> -> memref<1x!tpu.dma_semaphore, #tpu.memory_space<semaphore_mem>>
            %dma_start3A_347 = tpu.memref_squeeze %dma_start3A_346 : memref<1x!tpu.dma_semaphore, #tpu.memory_space<semaphore_mem>> -> memref<!tpu.dma_semaphore, #tpu.memory_space<semaphore_mem>>
            %dma_start3A_348 = arith.constant 0 : i32
            %dma_start3A_349 = arith.constant 0 : i32
            %dma_start3A_350 = tpu.memref_slice %run_scoped3A_25[%rem3A_337, %dma_start3A_348, %dma_start3A_349] : memref<2x1x128xi32, #tpu.memory_space<vmem>> -> memref<1x1x128xi32, #tpu.memory_space<vmem>>
            %dma_start3A_351 = tpu.memref_squeeze %dma_start3A_350 : memref<1x1x128xi32, #tpu.memory_space<vmem>> -> memref<1x128xi32, #tpu.memory_space<vmem>>
            %dma_start3A_352 = arith.constant 0 : i32
            %dma_start3A_353 = tpu.memref_slice %arg3[%dma_start3A_352, %mul3A_339] : memref<1x160000xi32, #tpu.memory_space<hbm>> -> memref<1x128xi32, #tpu.memory_space<hbm>>
            tpu.enqueue_dma source(%dma_start3A_353 : memref<1x128xi32, #tpu.memory_space<hbm>>) target(%dma_start3A_351 : memref<1x128xi32, #tpu.memory_space<vmem>>) target_semaphore(%dma_start3A_347 : memref<!tpu.dma_semaphore, #tpu.memory_space<semaphore_mem>>)
            "tpu.trace_stop"() : () -> ()
          } else {
          }
          %and3A_243 = arith.constant true
          %and3A_244 = arith.andi %and3A_239, %and3A_243 : i1
          %add3A_245 = arith.constant 1 : i32
          %add3A_246 = arith.addi %while3A_176, %add3A_245 : i32
          %select_n3A_247 = arith.select %and3A_244, %add3A_246, %while3A_176 : i32
          %ne3A_248 = arith.cmpi ne, %add3A_186, %add3A_196 : i32
          %or3A_249 = arith.constant false
          %or3A_250 = arith.ori %or3A_249, %ne3A_248 : i1
          %or3A_251 = arith.constant false
          %or3A_252 = arith.ori %or3A_250, %or3A_251 : i1
          %or3A_253 = arith.ori %or3A_252, %eq3A_182 : i1
          %convert_element_type3A_254 = arith.extui %or3A_253 : i1 to i32
          %cond3A_255 = arith.constant 0 : i32
          %cond3A_256 = arith.cmpi ne, %convert_element_type3A_254, %cond3A_255 : i32
          scf.if %cond3A_256 {
            "tpu.trace_start"() <{level = 10 : i32, message = "ep_wait_in"}> : () -> ()
            %mul3A_336 = arith.constant 128 : i32
            %mul3A_337 = arith.muli %mul3A_336, %add3A_186 : i32
            %rem3A_338 = arith.constant 2 : i32
            %rem3A_339 = arith.remui %while3A_175, %rem3A_338 : i32
            %dma_wait3A = arith.constant 0 : i32
            %dma_wait3A_340 = arith.constant 0 : i32
            %dma_wait3A_341 = tpu.memref_slice %run_scoped3A[%rem3A_339, %dma_wait3A, %dma_wait3A_340] : memref<2x128x128xf32, #tpu.memory_space<vmem>> -> memref<1x128x128xf32, #tpu.memory_space<vmem>>
            %dma_wait3A_342 = tpu.memref_squeeze %dma_wait3A_341 : memref<1x128x128xf32, #tpu.memory_space<vmem>> -> memref<128x128xf32, #tpu.memory_space<vmem>>
            %dma_wait3A_343 = arith.constant 0 : i32
            %dma_wait3A_344 = tpu.memref_slice %arg2[%mul3A_337, %dma_wait3A_343] : memref<160000x128xf32, #tpu.memory_space<hbm>> -> memref<128x128xf32, #tpu.memory_space<hbm>>
            %dma_wait3A_345 = tpu.memref_slice %run_scoped3A_24[%rem3A_339] : memref<2x!tpu.dma_semaphore, #tpu.memory_space<semaphore_mem>> -> memref<1x!tpu.dma_semaphore, #tpu.memory_space<semaphore_mem>>
            %dma_wait3A_346 = tpu.memref_squeeze %dma_wait3A_345 : memref<1x!tpu.dma_semaphore, #tpu.memory_space<semaphore_mem>> -> memref<!tpu.dma_semaphore, #tpu.memory_space<semaphore_mem>>
            %dma_wait3A_347 = arith.constant 0 : i32
            %dma_wait3A_348 = arith.constant 0 : i32
            %dma_wait3A_349 = tpu.memref_slice %run_scoped3A[%rem3A_339, %dma_wait3A_347, %dma_wait3A_348] : memref<2x128x128xf32, #tpu.memory_space<vmem>> -> memref<1x128x128xf32, #tpu.memory_space<vmem>>
            %dma_wait3A_350 = tpu.memref_squeeze %dma_wait3A_349 : memref<1x128x128xf32, #tpu.memory_space<vmem>> -> memref<128x128xf32, #tpu.memory_space<vmem>>
            %dma_wait3A_351 = arith.constant 0 : i32
            %dma_wait3A_352 = tpu.memref_slice %arg2[%mul3A_337, %dma_wait3A_351] : memref<160000x128xf32, #tpu.memory_space<hbm>> -> memref<128x128xf32, #tpu.memory_space<hbm>>
            tpu.wait_dma2 semaphore(%dma_wait3A_346 : memref<!tpu.dma_semaphore, #tpu.memory_space<semaphore_mem>>) src(%dma_wait3A_352 : memref<128x128xf32, #tpu.memory_space<hbm>>) dst(%dma_wait3A_350 : memref<128x128xf32, #tpu.memory_space<vmem>>)
            "tpu.trace_stop"() : () -> ()
          } else {
          }
          %ne3A_257 = arith.cmpi ne, %add3A_186, %add3A_196 : i32
          %or3A_258 = arith.constant false
          %or3A_259 = arith.ori %or3A_258, %ne3A_257 : i1
          %or3A_260 = arith.ori %or3A_259, %eq3A_182 : i1
          %convert_element_type3A_261 = arith.extui %or3A_260 : i1 to i32
          %cond3A_262 = arith.constant 0 : i32
          %cond3A_263 = arith.cmpi ne, %convert_element_type3A_261, %cond3A_262 : i32
          scf.if %cond3A_263 {
            "tpu.trace_start"() <{level = 10 : i32, message = "ep_wait_in"}> : () -> ()
            %mul3A_336 = arith.constant 128 : i32
            %mul3A_337 = arith.muli %mul3A_336, %add3A_186 : i32
            %rem3A_338 = arith.constant 2 : i32
            %rem3A_339 = arith.remui %while3A_177, %rem3A_338 : i32
            %dma_wait3A = arith.constant 0 : i32
            %dma_wait3A_340 = arith.constant 0 : i32
            %dma_wait3A_341 = tpu.memref_slice %run_scoped3A_25[%rem3A_339, %dma_wait3A, %dma_wait3A_340] : memref<2x1x128xi32, #tpu.memory_space<vmem>> -> memref<1x1x128xi32, #tpu.memory_space<vmem>>
            %dma_wait3A_342 = tpu.memref_squeeze %dma_wait3A_341 : memref<1x1x128xi32, #tpu.memory_space<vmem>> -> memref<1x128xi32, #tpu.memory_space<vmem>>
            %dma_wait3A_343 = arith.constant 0 : i32
            %dma_wait3A_344 = tpu.memref_slice %arg3[%dma_wait3A_343, %mul3A_337] : memref<1x160000xi32, #tpu.memory_space<hbm>> -> memref<1x128xi32, #tpu.memory_space<hbm>>
            %dma_wait3A_345 = tpu.memref_slice %run_scoped3A_26[%rem3A_339] : memref<2x!tpu.dma_semaphore, #tpu.memory_space<semaphore_mem>> -> memref<1x!tpu.dma_semaphore, #tpu.memory_space<semaphore_mem>>
            %dma_wait3A_346 = tpu.memref_squeeze %dma_wait3A_345 : memref<1x!tpu.dma_semaphore, #tpu.memory_space<semaphore_mem>> -> memref<!tpu.dma_semaphore, #tpu.memory_space<semaphore_mem>>
            %dma_wait3A_347 = arith.constant 0 : i32
            %dma_wait3A_348 = arith.constant 0 : i32
            %dma_wait3A_349 = tpu.memref_slice %run_scoped3A_25[%rem3A_339, %dma_wait3A_347, %dma_wait3A_348] : memref<2x1x128xi32, #tpu.memory_space<vmem>> -> memref<1x1x128xi32, #tpu.memory_space<vmem>>
            %dma_wait3A_350 = tpu.memref_squeeze %dma_wait3A_349 : memref<1x1x128xi32, #tpu.memory_space<vmem>> -> memref<1x128xi32, #tpu.memory_space<vmem>>
            %dma_wait3A_351 = arith.constant 0 : i32
            %dma_wait3A_352 = tpu.memref_slice %arg3[%dma_wait3A_351, %mul3A_337] : memref<1x160000xi32, #tpu.memory_space<hbm>> -> memref<1x128xi32, #tpu.memory_space<hbm>>
            tpu.wait_dma2 semaphore(%dma_wait3A_346 : memref<!tpu.dma_semaphore, #tpu.memory_space<semaphore_mem>>) src(%dma_wait3A_352 : memref<1x128xi32, #tpu.memory_space<hbm>>) dst(%dma_wait3A_350 : memref<1x128xi32, #tpu.memory_space<vmem>>)
            "tpu.trace_stop"() : () -> ()
          } else {
          }
          %rem3A_264 = arith.constant 2 : i32
          %rem3A_265 = arith.remui %while3A_175, %rem3A_264 : i32
          %rem3A_266 = arith.constant 2 : i32
          %rem3A_267 = arith.remui %while3A_177, %rem3A_266 : i32
          %run_scoped3A_268 = arith.constant 0 : i32
          "tpu.trace_start"() <{level = 10 : i32, message = "ep_run_kernel"}> : () -> ()
          "tpu.region"() ({
            %run_scoped3A_336 = tpu.sem_alloc : memref<!tpu.dma_semaphore, #tpu.memory_space<semaphore_mem>>
            %dma_start3A_337 = arith.constant 0 : i32
            %dma_start3A_338 = arith.constant 0 : i32
            %dma_start3A_339 = tpu.memref_slice %run_scoped3A[%rem3A_265, %dma_start3A_337, %dma_start3A_338] : memref<2x128x128xf32, #tpu.memory_space<vmem>> -> memref<1x128x128xf32, #tpu.memory_space<vmem>>
            %dma_start3A_340 = tpu.memref_squeeze %dma_start3A_339 : memref<1x128x128xf32, #tpu.memory_space<vmem>> -> memref<128x128xf32, #tpu.memory_space<vmem>>
            %dma_start3A_341 = arith.constant 0 : i32
            %dma_start3A_342 = arith.constant 0 : i32
            %dma_start3A_343 = tpu.memref_slice %run_scoped3A_25[%rem3A_267, %dma_start3A_341, %dma_start3A_342] : memref<2x1x128xi32, #tpu.memory_space<vmem>> -> memref<1x1x128xi32, #tpu.memory_space<vmem>>
            %dma_start3A_344 = tpu.memref_squeeze %dma_start3A_343 : memref<1x1x128xi32, #tpu.memory_space<vmem>> -> memref<1x128xi32, #tpu.memory_space<vmem>>
            %dma_start3A_345 = arith.constant 0 : i32
            %dma_start3A_346 = tpu.memref_slice %dma_start3A_344[%run_scoped3A_268, %dma_start3A_345] : memref<1x128xi32, #tpu.memory_space<vmem>> -> memref<1x128xi32, #tpu.memory_space<vmem>>
            %dma_start3A_347 = tpu.memref_squeeze %dma_start3A_346 : memref<1x128xi32, #tpu.memory_space<vmem>> -> memref<128xi32, #tpu.memory_space<vmem>>
            %dma_start3A_348 = arith.constant 0 : i32
            %dma_start3A_349 = arith.constant 0 : i32
            %dma_start3A_350 = tpu.memref_slice %arg6[%dma_start3A_348, %dma_start3A_349] : memref<10112x128xf32, #tpu.memory_space<vmem_shared>> -> memref<10112x128xf32, #tpu.memory_space<vmem_shared>>
            tpu.enqueue_indirect_dma source(%dma_start3A_340 : memref<128x128xf32, #tpu.memory_space<vmem>>) target(%dma_start3A_350 : memref<10112x128xf32, #tpu.memory_space<vmem_shared>>) offsets(%dma_start3A_347 : memref<128xi32, #tpu.memory_space<vmem>>) semaphore(%run_scoped3A_336 : memref<!tpu.dma_semaphore, #tpu.memory_space<semaphore_mem>>) {add = true}
            %dma_wait3A = arith.constant 0 : i32
            %dma_wait3A_351 = arith.constant 0 : i32
            %dma_wait3A_352 = tpu.memref_slice %run_scoped3A[%rem3A_265, %dma_wait3A, %dma_wait3A_351] : memref<2x128x128xf32, #tpu.memory_space<vmem>> -> memref<1x128x128xf32, #tpu.memory_space<vmem>>
            %dma_wait3A_353 = tpu.memref_squeeze %dma_wait3A_352 : memref<1x128x128xf32, #tpu.memory_space<vmem>> -> memref<128x128xf32, #tpu.memory_space<vmem>>
            %dma_wait3A_354 = arith.constant 0 : i32
            %dma_wait3A_355 = arith.constant 0 : i32
            %dma_wait3A_356 = tpu.memref_slice %run_scoped3A_25[%rem3A_267, %dma_wait3A_354, %dma_wait3A_355] : memref<2x1x128xi32, #tpu.memory_space<vmem>> -> memref<1x1x128xi32, #tpu.memory_space<vmem>>
            %dma_wait3A_357 = tpu.memref_squeeze %dma_wait3A_356 : memref<1x1x128xi32, #tpu.memory_space<vmem>> -> memref<1x128xi32, #tpu.memory_space<vmem>>
            %dma_wait3A_358 = arith.constant 0 : i32
            %dma_wait3A_359 = tpu.memref_slice %dma_wait3A_357[%run_scoped3A_268, %dma_wait3A_358] : memref<1x128xi32, #tpu.memory_space<vmem>> -> memref<1x128xi32, #tpu.memory_space<vmem>>
            %dma_wait3A_360 = tpu.memref_squeeze %dma_wait3A_359 : memref<1x128xi32, #tpu.memory_space<vmem>> -> memref<128xi32, #tpu.memory_space<vmem>>
            %dma_wait3A_361 = arith.constant 0 : i32
            %dma_wait3A_362 = arith.constant 0 : i32
            %dma_wait3A_363 = tpu.memref_slice %arg6[%dma_wait3A_361, %dma_wait3A_362] : memref<10112x128xf32, #tpu.memory_space<vmem_shared>> -> memref<10112x128xf32, #tpu.memory_space<vmem_shared>>
            tpu.wait_indirect_dma semaphore(%run_scoped3A_336 : memref<!tpu.dma_semaphore, #tpu.memory_space<semaphore_mem>>) src(%dma_wait3A_353 : memref<128x128xf32, #tpu.memory_space<vmem>>) dst(%dma_wait3A_363 : memref<10112x128xf32, #tpu.memory_space<vmem_shared>>)
            tpu.yield
          }) : () -> ()
          "tpu.trace_stop"() : () -> ()
          %ne3A_269 = arith.cmpi ne, %add3A_186, %add3A_204 : i32
          %or3A_270 = arith.constant false
          %or3A_271 = arith.ori %or3A_270, %ne3A_269 : i1
          %or3A_272 = arith.constant false
          %or3A_273 = arith.ori %or3A_271, %or3A_272 : i1
          %or3A_274 = arith.ori %or3A_273, %eq3A_185 : i1
          %convert_element_type3A_275 = arith.extui %or3A_274 : i1 to i32
          %cond3A_276 = arith.constant 0 : i32
          %cond3A_277 = arith.cmpi ne, %convert_element_type3A_275, %cond3A_276 : i32
          scf.if %cond3A_277 {
          } else {
          }
          %and3A_278 = arith.constant false
          %and3A_279 = arith.andi %or3A_274, %and3A_278 : i1
          %ne3A_280 = arith.cmpi ne, %add3A_186, %add3A_204 : i32
          %or3A_281 = arith.constant false
          %or3A_282 = arith.ori %or3A_281, %ne3A_280 : i1
          %or3A_283 = arith.ori %or3A_282, %eq3A_185 : i1
          %convert_element_type3A_284 = arith.extui %or3A_283 : i1 to i32
          %cond3A_285 = arith.constant 0 : i32
          %cond3A_286 = arith.cmpi ne, %convert_element_type3A_284, %cond3A_285 : i32
          scf.if %cond3A_286 {
          } else {
          }
          %and3A_287 = arith.constant false
          %and3A_288 = arith.andi %or3A_283, %and3A_287 : i1
          %ne3A_289 = arith.cmpi ne, %add3A_186, %add3A_196 : i32
          %or3A_290 = arith.constant false
          %or3A_291 = arith.ori %or3A_290, %ne3A_289 : i1
          %or3A_292 = arith.constant false
          %or3A_293 = arith.ori %or3A_291, %or3A_292 : i1
          %not3A_294 = arith.constant true
          %not3A_295 = arith.xori %eq3A_182, %not3A_294 : i1
          %and3A_296 = arith.andi %or3A_293, %not3A_295 : i1
          %convert_element_type3A_297 = arith.extui %and3A_296 : i1 to i32
          %cond3A_298 = arith.constant 0 : i32
          %cond3A_299 = arith.cmpi ne, %convert_element_type3A_297, %cond3A_298 : i32
          scf.if %cond3A_299 {
          } else {
          }
          %and3A_300 = arith.constant false
          %and3A_301 = arith.andi %and3A_296, %and3A_300 : i1
          %ne3A_302 = arith.cmpi ne, %add3A_186, %add3A_196 : i32
          %or3A_303 = arith.constant false
          %or3A_304 = arith.ori %or3A_303, %ne3A_302 : i1
          %not3A_305 = arith.constant true
          %not3A_306 = arith.xori %eq3A_182, %not3A_305 : i1
          %and3A_307 = arith.andi %or3A_304, %not3A_306 : i1
          %convert_element_type3A_308 = arith.extui %and3A_307 : i1 to i32
          %cond3A_309 = arith.constant 0 : i32
          %cond3A_310 = arith.cmpi ne, %convert_element_type3A_308, %cond3A_309 : i32
          scf.if %cond3A_310 {
          } else {
          }
          %and3A_311 = arith.constant false
          %and3A_312 = arith.andi %and3A_307, %and3A_311 : i1
          %ne3A_313 = arith.cmpi ne, %add3A_186, %add3A_204 : i32
          %or3A_314 = arith.constant false
          %or3A_315 = arith.ori %or3A_314, %ne3A_313 : i1
          %or3A_316 = arith.constant false
          %or3A_317 = arith.ori %or3A_315, %or3A_316 : i1
          %or3A_318 = arith.ori %or3A_317, %eq3A_185 : i1
          %add3A_319 = arith.constant 1 : i32
          %add3A_320 = arith.addi %while3A_175, %add3A_319 : i32
          %select_n3A_321 = arith.select %or3A_318, %add3A_320, %while3A_175 : i32
          %ne3A_322 = arith.cmpi ne, %add3A_186, %add3A_204 : i32
          %or3A_323 = arith.constant false
          %or3A_324 = arith.ori %or3A_323, %ne3A_322 : i1
          %or3A_325 = arith.ori %or3A_324, %eq3A_185 : i1
          %add3A_326 = arith.constant 1 : i32
          %add3A_327 = arith.addi %while3A_177, %add3A_326 : i32
          %select_n3A_328 = arith.select %or3A_325, %add3A_327, %while3A_177 : i32
          %add3A_329 = arith.constant 1 : i32
          %add3A_330 = arith.addi %while3A_178, %add3A_329 : i32
          %select_n3A_331 = arith.constant true
          %select_n3A_332 = arith.select %select_n3A_331, %add3A_330, %while3A_178 : i32
          %eq3A_333 = arith.cmpi eq, %select_n3A_332, %select_n3A : i32
          %select_n3A_334 = arith.constant 0 : i32
          %select_n3A_335 = arith.select %eq3A_333, %select_n3A_334, %select_n3A_332 : i32
          scf.yield %select_n3A_228, %select_n3A_321, %select_n3A_247, %select_n3A_328, %select_n3A_335 : i32, i32, i32, i32, i32
        }
        %while3A_120 = arith.constant 1 : i32
        %while3A_121:5 = scf.for %while3A_173 = %while3A_117 to %while3A_113 step %while3A_120 iter_args(%while3A_174 = %while3A_119#0, %while3A_175 = %while3A_119#1, %while3A_176 = %while3A_119#2, %while3A_177 = %while3A_119#3, %while3A_178 = %while3A_119#4) -> (i32, i32, i32, i32, i32)  : i32 {
          %mul3A_179 = arith.constant 1 : i32
          %mul3A_180 = arith.muli %mul3A_179, %select_n3A : i32
          %eq3A_181 = arith.constant 0 : i32
          %eq3A_182 = arith.cmpi eq, %while3A_173, %eq3A_181 : i32
          %sub3A_183 = arith.constant 1 : i32
          %sub3A_184 = arith.subi %mul3A_180, %sub3A_183 : i32
          %eq3A_185 = arith.cmpi eq, %while3A_173, %sub3A_184 : i32
          %add3A_186 = arith.addi %while3A_178, %select_n3A_16 : i32
          %sub3A_187 = arith.constant 1 : i32
          %sub3A_188 = arith.subi %while3A_178, %sub3A_187 : i32
          %select_n3A_189 = arith.constant true
          %select_n3A_190 = arith.select %select_n3A_189, %sub3A_188, %while3A_178 : i32
          %eq3A_191 = arith.constant -1 : i32
          %eq3A_192 = arith.cmpi eq, %select_n3A_190, %eq3A_191 : i32
          %sub3A_193 = arith.constant 1 : i32
          %sub3A_194 = arith.subi %select_n3A, %sub3A_193 : i32
          %select_n3A_195 = arith.select %eq3A_192, %sub3A_194, %select_n3A_190 : i32
          %add3A_196 = arith.addi %select_n3A_195, %select_n3A_16 : i32
          %add3A_197 = arith.constant 1 : i32
          %add3A_198 = arith.addi %while3A_178, %add3A_197 : i32
          %select_n3A_199 = arith.constant true
          %select_n3A_200 = arith.select %select_n3A_199, %add3A_198, %while3A_178 : i32
          %eq3A_201 = arith.cmpi eq, %select_n3A_200, %select_n3A : i32
          %select_n3A_202 = arith.constant 0 : i32
          %select_n3A_203 = arith.select %eq3A_201, %select_n3A_202, %select_n3A_200 : i32
          %add3A_204 = arith.addi %select_n3A_203, %select_n3A_16 : i32
          %add3A_205 = arith.constant 1 : i32
          %add3A_206 = arith.addi %select_n3A_203, %add3A_205 : i32
          %select_n3A_207 = arith.constant true
          %select_n3A_208 = arith.select %select_n3A_207, %add3A_206, %select_n3A_203 : i32
          %eq3A_209 = arith.cmpi eq, %select_n3A_208, %select_n3A : i32
          %select_n3A_210 = arith.constant 0 : i32
          %select_n3A_211 = arith.select %eq3A_209, %select_n3A_210, %select_n3A_208 : i32
          %add3A_212 = arith.addi %select_n3A_211, %select_n3A_16 : i32
          %ne3A = arith.cmpi ne, %add3A_186, %add3A_204 : i32
          %or3A = arith.constant false
          %or3A_213 = arith.ori %or3A, %ne3A : i1
          %or3A_214 = arith.constant false
          %or3A_215 = arith.ori %or3A_213, %or3A_214 : i1
          %sub3A_216 = arith.constant 2 : i32
          %sub3A_217 = arith.subi %mul3A_180, %sub3A_216 : i32
          %add3A_218 = arith.constant 1 : i32
          %add3A_219 = arith.addi %sub3A_217, %add3A_218 : i32
          %ge3A = arith.cmpi sge, %while3A_173, %add3A_219 : i32
          %not3A = arith.constant true
          %not3A_220 = arith.xori %ge3A, %not3A : i1
          %and3A = arith.andi %or3A_215, %not3A_220 : i1
          %convert_element_type3A_221 = arith.extui %and3A : i1 to i32
          %cond3A_222 = arith.constant 0 : i32
          %cond3A_223 = arith.cmpi ne, %convert_element_type3A_221, %cond3A_222 : i32
          scf.if %cond3A_223 {
            "tpu.trace_start"() <{level = 10 : i32, message = "ep_copy_in"}> : () -> ()
            %rem3A_336 = arith.constant 2 : i32
            %rem3A_337 = arith.remui %while3A_174, %rem3A_336 : i32
            %mul3A_338 = arith.constant 128 : i32
            %mul3A_339 = arith.muli %mul3A_338, %add3A_204 : i32
            %dma_start3A_340 = arith.constant 0 : i32
            %dma_start3A_341 = arith.constant 0 : i32
            %dma_start3A_342 = tpu.memref_slice %run_scoped3A[%rem3A_337, %dma_start3A_340, %dma_start3A_341] : memref<2x128x128xf32, #tpu.memory_space<vmem>> -> memref<1x128x128xf32, #tpu.memory_space<vmem>>
            %dma_start3A_343 = tpu.memref_squeeze %dma_start3A_342 : memref<1x128x128xf32, #tpu.memory_space<vmem>> -> memref<128x128xf32, #tpu.memory_space<vmem>>
            %dma_start3A_344 = arith.constant 0 : i32
            %dma_start3A_345 = tpu.memref_slice %arg2[%mul3A_339, %dma_start3A_344] : memref<160000x128xf32, #tpu.memory_space<hbm>> -> memref<128x128xf32, #tpu.memory_space<hbm>>
            %dma_start3A_346 = tpu.memref_slice %run_scoped3A_24[%rem3A_337] : memref<2x!tpu.dma_semaphore, #tpu.memory_space<semaphore_mem>> -> memref<1x!tpu.dma_semaphore, #tpu.memory_space<semaphore_mem>>
            %dma_start3A_347 = tpu.memref_squeeze %dma_start3A_346 : memref<1x!tpu.dma_semaphore, #tpu.memory_space<semaphore_mem>> -> memref<!tpu.dma_semaphore, #tpu.memory_space<semaphore_mem>>
            %dma_start3A_348 = arith.constant 0 : i32
            %dma_start3A_349 = arith.constant 0 : i32
            %dma_start3A_350 = tpu.memref_slice %run_scoped3A[%rem3A_337, %dma_start3A_348, %dma_start3A_349] : memref<2x128x128xf32, #tpu.memory_space<vmem>> -> memref<1x128x128xf32, #tpu.memory_space<vmem>>
            %dma_start3A_351 = tpu.memref_squeeze %dma_start3A_350 : memref<1x128x128xf32, #tpu.memory_space<vmem>> -> memref<128x128xf32, #tpu.memory_space<vmem>>
            %dma_start3A_352 = arith.constant 0 : i32
            %dma_start3A_353 = tpu.memref_slice %arg2[%mul3A_339, %dma_start3A_352] : memref<160000x128xf32, #tpu.memory_space<hbm>> -> memref<128x128xf32, #tpu.memory_space<hbm>>
            tpu.enqueue_dma source(%dma_start3A_353 : memref<128x128xf32, #tpu.memory_space<hbm>>) target(%dma_start3A_351 : memref<128x128xf32, #tpu.memory_space<vmem>>) target_semaphore(%dma_start3A_347 : memref<!tpu.dma_semaphore, #tpu.memory_space<semaphore_mem>>)
            "tpu.trace_stop"() : () -> ()
          } else {
          }
          %and3A_224 = arith.constant true
          %and3A_225 = arith.andi %and3A, %and3A_224 : i1
          %add3A_226 = arith.constant 1 : i32
          %add3A_227 = arith.addi %while3A_174, %add3A_226 : i32
          %select_n3A_228 = arith.select %and3A_225, %add3A_227, %while3A_174 : i32
          %ne3A_229 = arith.cmpi ne, %add3A_186, %add3A_204 : i32
          %or3A_230 = arith.constant false
          %or3A_231 = arith.ori %or3A_230, %ne3A_229 : i1
          %sub3A_232 = arith.constant 2 : i32
          %sub3A_233 = arith.subi %mul3A_180, %sub3A_232 : i32
          %add3A_234 = arith.constant 1 : i32
          %add3A_235 = arith.addi %sub3A_233, %add3A_234 : i32
          %ge3A_236 = arith.cmpi sge, %while3A_173, %add3A_235 : i32
          %not3A_237 = arith.constant true
          %not3A_238 = arith.xori %ge3A_236, %not3A_237 : i1
          %and3A_239 = arith.andi %or3A_231, %not3A_238 : i1
          %convert_element_type3A_240 = arith.extui %and3A_239 : i1 to i32
          %cond3A_241 = arith.constant 0 : i32
          %cond3A_242 = arith.cmpi ne, %convert_element_type3A_240, %cond3A_241 : i32
          scf.if %cond3A_242 {
            "tpu.trace_start"() <{level = 10 : i32, message = "ep_copy_in"}> : () -> ()
            %rem3A_336 = arith.constant 2 : i32
            %rem3A_337 = arith.remui %while3A_176, %rem3A_336 : i32
            %mul3A_338 = arith.constant 128 : i32
            %mul3A_339 = arith.muli %mul3A_338, %add3A_204 : i32
            %dma_start3A_340 = arith.constant 0 : i32
            %dma_start3A_341 = arith.constant 0 : i32
            %dma_start3A_342 = tpu.memref_slice %run_scoped3A_25[%rem3A_337, %dma_start3A_340, %dma_start3A_341] : memref<2x1x128xi32, #tpu.memory_space<vmem>> -> memref<1x1x128xi32, #tpu.memory_space<vmem>>
            %dma_start3A_343 = tpu.memref_squeeze %dma_start3A_342 : memref<1x1x128xi32, #tpu.memory_space<vmem>> -> memref<1x128xi32, #tpu.memory_space<vmem>>
            %dma_start3A_344 = arith.constant 0 : i32
            %dma_start3A_345 = tpu.memref_slice %arg3[%dma_start3A_344, %mul3A_339] : memref<1x160000xi32, #tpu.memory_space<hbm>> -> memref<1x128xi32, #tpu.memory_space<hbm>>
            %dma_start3A_346 = tpu.memref_slice %run_scoped3A_26[%rem3A_337] : memref<2x!tpu.dma_semaphore, #tpu.memory_space<semaphore_mem>> -> memref<1x!tpu.dma_semaphore, #tpu.memory_space<semaphore_mem>>
            %dma_start3A_347 = tpu.memref_squeeze %dma_start3A_346 : memref<1x!tpu.dma_semaphore, #tpu.memory_space<semaphore_mem>> -> memref<!tpu.dma_semaphore, #tpu.memory_space<semaphore_mem>>
            %dma_start3A_348 = arith.constant 0 : i32
            %dma_start3A_349 = arith.constant 0 : i32
            %dma_start3A_350 = tpu.memref_slice %run_scoped3A_25[%rem3A_337, %dma_start3A_348, %dma_start3A_349] : memref<2x1x128xi32, #tpu.memory_space<vmem>> -> memref<1x1x128xi32, #tpu.memory_space<vmem>>
            %dma_start3A_351 = tpu.memref_squeeze %dma_start3A_350 : memref<1x1x128xi32, #tpu.memory_space<vmem>> -> memref<1x128xi32, #tpu.memory_space<vmem>>
            %dma_start3A_352 = arith.constant 0 : i32
            %dma_start3A_353 = tpu.memref_slice %arg3[%dma_start3A_352, %mul3A_339] : memref<1x160000xi32, #tpu.memory_space<hbm>> -> memref<1x128xi32, #tpu.memory_space<hbm>>
            tpu.enqueue_dma source(%dma_start3A_353 : memref<1x128xi32, #tpu.memory_space<hbm>>) target(%dma_start3A_351 : memref<1x128xi32, #tpu.memory_space<vmem>>) target_semaphore(%dma_start3A_347 : memref<!tpu.dma_semaphore, #tpu.memory_space<semaphore_mem>>)
            "tpu.trace_stop"() : () -> ()
          } else {
          }
          %and3A_243 = arith.constant true
          %and3A_244 = arith.andi %and3A_239, %and3A_243 : i1
          %add3A_245 = arith.constant 1 : i32
          %add3A_246 = arith.addi %while3A_176, %add3A_245 : i32
          %select_n3A_247 = arith.select %and3A_244, %add3A_246, %while3A_176 : i32
          %ne3A_248 = arith.cmpi ne, %add3A_186, %add3A_196 : i32
          %or3A_249 = arith.constant false
          %or3A_250 = arith.ori %or3A_249, %ne3A_248 : i1
          %or3A_251 = arith.constant false
          %or3A_252 = arith.ori %or3A_250, %or3A_251 : i1
          %or3A_253 = arith.ori %or3A_252, %eq3A_182 : i1
          %convert_element_type3A_254 = arith.extui %or3A_253 : i1 to i32
          %cond3A_255 = arith.constant 0 : i32
          %cond3A_256 = arith.cmpi ne, %convert_element_type3A_254, %cond3A_255 : i32
          scf.if %cond3A_256 {
            "tpu.trace_start"() <{level = 10 : i32, message = "ep_wait_in"}> : () -> ()
            %mul3A_336 = arith.constant 128 : i32
            %mul3A_337 = arith.muli %mul3A_336, %add3A_186 : i32
            %rem3A_338 = arith.constant 2 : i32
            %rem3A_339 = arith.remui %while3A_175, %rem3A_338 : i32
            %dma_wait3A = arith.constant 0 : i32
            %dma_wait3A_340 = arith.constant 0 : i32
            %dma_wait3A_341 = tpu.memref_slice %run_scoped3A[%rem3A_339, %dma_wait3A, %dma_wait3A_340] : memref<2x128x128xf32, #tpu.memory_space<vmem>> -> memref<1x128x128xf32, #tpu.memory_space<vmem>>
            %dma_wait3A_342 = tpu.memref_squeeze %dma_wait3A_341 : memref<1x128x128xf32, #tpu.memory_space<vmem>> -> memref<128x128xf32, #tpu.memory_space<vmem>>
            %dma_wait3A_343 = arith.constant 0 : i32
            %dma_wait3A_344 = tpu.memref_slice %arg2[%mul3A_337, %dma_wait3A_343] : memref<160000x128xf32, #tpu.memory_space<hbm>> -> memref<128x128xf32, #tpu.memory_space<hbm>>
            %dma_wait3A_345 = tpu.memref_slice %run_scoped3A_24[%rem3A_339] : memref<2x!tpu.dma_semaphore, #tpu.memory_space<semaphore_mem>> -> memref<1x!tpu.dma_semaphore, #tpu.memory_space<semaphore_mem>>
            %dma_wait3A_346 = tpu.memref_squeeze %dma_wait3A_345 : memref<1x!tpu.dma_semaphore, #tpu.memory_space<semaphore_mem>> -> memref<!tpu.dma_semaphore, #tpu.memory_space<semaphore_mem>>
            %dma_wait3A_347 = arith.constant 0 : i32
            %dma_wait3A_348 = arith.constant 0 : i32
            %dma_wait3A_349 = tpu.memref_slice %run_scoped3A[%rem3A_339, %dma_wait3A_347, %dma_wait3A_348] : memref<2x128x128xf32, #tpu.memory_space<vmem>> -> memref<1x128x128xf32, #tpu.memory_space<vmem>>
            %dma_wait3A_350 = tpu.memref_squeeze %dma_wait3A_349 : memref<1x128x128xf32, #tpu.memory_space<vmem>> -> memref<128x128xf32, #tpu.memory_space<vmem>>
            %dma_wait3A_351 = arith.constant 0 : i32
            %dma_wait3A_352 = tpu.memref_slice %arg2[%mul3A_337, %dma_wait3A_351] : memref<160000x128xf32, #tpu.memory_space<hbm>> -> memref<128x128xf32, #tpu.memory_space<hbm>>
            tpu.wait_dma2 semaphore(%dma_wait3A_346 : memref<!tpu.dma_semaphore, #tpu.memory_space<semaphore_mem>>) src(%dma_wait3A_352 : memref<128x128xf32, #tpu.memory_space<hbm>>) dst(%dma_wait3A_350 : memref<128x128xf32, #tpu.memory_space<vmem>>)
            "tpu.trace_stop"() : () -> ()
          } else {
          }
          %ne3A_257 = arith.cmpi ne, %add3A_186, %add3A_196 : i32
          %or3A_258 = arith.constant false
          %or3A_259 = arith.ori %or3A_258, %ne3A_257 : i1
          %or3A_260 = arith.ori %or3A_259, %eq3A_182 : i1
          %convert_element_type3A_261 = arith.extui %or3A_260 : i1 to i32
          %cond3A_262 = arith.constant 0 : i32
          %cond3A_263 = arith.cmpi ne, %convert_element_type3A_261, %cond3A_262 : i32
          scf.if %cond3A_263 {
            "tpu.trace_start"() <{level = 10 : i32, message = "ep_wait_in"}> : () -> ()
            %mul3A_336 = arith.constant 128 : i32
            %mul3A_337 = arith.muli %mul3A_336, %add3A_186 : i32
            %rem3A_338 = arith.constant 2 : i32
            %rem3A_339 = arith.remui %while3A_177, %rem3A_338 : i32
            %dma_wait3A = arith.constant 0 : i32
            %dma_wait3A_340 = arith.constant 0 : i32
            %dma_wait3A_341 = tpu.memref_slice %run_scoped3A_25[%rem3A_339, %dma_wait3A, %dma_wait3A_340] : memref<2x1x128xi32, #tpu.memory_space<vmem>> -> memref<1x1x128xi32, #tpu.memory_space<vmem>>
            %dma_wait3A_342 = tpu.memref_squeeze %dma_wait3A_341 : memref<1x1x128xi32, #tpu.memory_space<vmem>> -> memref<1x128xi32, #tpu.memory_space<vmem>>
            %dma_wait3A_343 = arith.constant 0 : i32
            %dma_wait3A_344 = tpu.memref_slice %arg3[%dma_wait3A_343, %mul3A_337] : memref<1x160000xi32, #tpu.memory_space<hbm>> -> memref<1x128xi32, #tpu.memory_space<hbm>>
            %dma_wait3A_345 = tpu.memref_slice %run_scoped3A_26[%rem3A_339] : memref<2x!tpu.dma_semaphore, #tpu.memory_space<semaphore_mem>> -> memref<1x!tpu.dma_semaphore, #tpu.memory_space<semaphore_mem>>
            %dma_wait3A_346 = tpu.memref_squeeze %dma_wait3A_345 : memref<1x!tpu.dma_semaphore, #tpu.memory_space<semaphore_mem>> -> memref<!tpu.dma_semaphore, #tpu.memory_space<semaphore_mem>>
            %dma_wait3A_347 = arith.constant 0 : i32
            %dma_wait3A_348 = arith.constant 0 : i32
            %dma_wait3A_349 = tpu.memref_slice %run_scoped3A_25[%rem3A_339, %dma_wait3A_347, %dma_wait3A_348] : memref<2x1x128xi32, #tpu.memory_space<vmem>> -> memref<1x1x128xi32, #tpu.memory_space<vmem>>
            %dma_wait3A_350 = tpu.memref_squeeze %dma_wait3A_349 : memref<1x1x128xi32, #tpu.memory_space<vmem>> -> memref<1x128xi32, #tpu.memory_space<vmem>>
            %dma_wait3A_351 = arith.constant 0 : i32
            %dma_wait3A_352 = tpu.memref_slice %arg3[%dma_wait3A_351, %mul3A_337] : memref<1x160000xi32, #tpu.memory_space<hbm>> -> memref<1x128xi32, #tpu.memory_space<hbm>>
            tpu.wait_dma2 semaphore(%dma_wait3A_346 : memref<!tpu.dma_semaphore, #tpu.memory_space<semaphore_mem>>) src(%dma_wait3A_352 : memref<1x128xi32, #tpu.memory_space<hbm>>) dst(%dma_wait3A_350 : memref<1x128xi32, #tpu.memory_space<vmem>>)
            "tpu.trace_stop"() : () -> ()
          } else {
          }
          %rem3A_264 = arith.constant 2 : i32
          %rem3A_265 = arith.remui %while3A_175, %rem3A_264 : i32
          %rem3A_266 = arith.constant 2 : i32
          %rem3A_267 = arith.remui %while3A_177, %rem3A_266 : i32
          %run_scoped3A_268 = arith.constant 0 : i32
          "tpu.trace_start"() <{level = 10 : i32, message = "ep_run_kernel"}> : () -> ()
          "tpu.region"() ({
            %run_scoped3A_336 = tpu.sem_alloc : memref<!tpu.dma_semaphore, #tpu.memory_space<semaphore_mem>>
            %dma_start3A_337 = arith.constant 0 : i32
            %dma_start3A_338 = arith.constant 0 : i32
            %dma_start3A_339 = tpu.memref_slice %run_scoped3A[%rem3A_265, %dma_start3A_337, %dma_start3A_338] : memref<2x128x128xf32, #tpu.memory_space<vmem>> -> memref<1x128x128xf32, #tpu.memory_space<vmem>>
            %dma_start3A_340 = tpu.memref_squeeze %dma_start3A_339 : memref<1x128x128xf32, #tpu.memory_space<vmem>> -> memref<128x128xf32, #tpu.memory_space<vmem>>
            %dma_start3A_341 = arith.constant 0 : i32
            %dma_start3A_342 = arith.constant 0 : i32
            %dma_start3A_343 = tpu.memref_slice %run_scoped3A_25[%rem3A_267, %dma_start3A_341, %dma_start3A_342] : memref<2x1x128xi32, #tpu.memory_space<vmem>> -> memref<1x1x128xi32, #tpu.memory_space<vmem>>
            %dma_start3A_344 = tpu.memref_squeeze %dma_start3A_343 : memref<1x1x128xi32, #tpu.memory_space<vmem>> -> memref<1x128xi32, #tpu.memory_space<vmem>>
            %dma_start3A_345 = arith.constant 0 : i32
            %dma_start3A_346 = tpu.memref_slice %dma_start3A_344[%run_scoped3A_268, %dma_start3A_345] : memref<1x128xi32, #tpu.memory_space<vmem>> -> memref<1x128xi32, #tpu.memory_space<vmem>>
            %dma_start3A_347 = tpu.memref_squeeze %dma_start3A_346 : memref<1x128xi32, #tpu.memory_space<vmem>> -> memref<128xi32, #tpu.memory_space<vmem>>
            %dma_start3A_348 = arith.constant 0 : i32
            %dma_start3A_349 = arith.constant 0 : i32
            %dma_start3A_350 = tpu.memref_slice %arg6[%dma_start3A_348, %dma_start3A_349] : memref<10112x128xf32, #tpu.memory_space<vmem_shared>> -> memref<10112x128xf32, #tpu.memory_space<vmem_shared>>
            tpu.enqueue_indirect_dma source(%dma_start3A_340 : memref<128x128xf32, #tpu.memory_space<vmem>>) target(%dma_start3A_350 : memref<10112x128xf32, #tpu.memory_space<vmem_shared>>) offsets(%dma_start3A_347 : memref<128xi32, #tpu.memory_space<vmem>>) semaphore(%run_scoped3A_336 : memref<!tpu.dma_semaphore, #tpu.memory_space<semaphore_mem>>) {add = true}
            %dma_wait3A = arith.constant 0 : i32
            %dma_wait3A_351 = arith.constant 0 : i32
            %dma_wait3A_352 = tpu.memref_slice %run_scoped3A[%rem3A_265, %dma_wait3A, %dma_wait3A_351] : memref<2x128x128xf32, #tpu.memory_space<vmem>> -> memref<1x128x128xf32, #tpu.memory_space<vmem>>
            %dma_wait3A_353 = tpu.memref_squeeze %dma_wait3A_352 : memref<1x128x128xf32, #tpu.memory_space<vmem>> -> memref<128x128xf32, #tpu.memory_space<vmem>>
            %dma_wait3A_354 = arith.constant 0 : i32
            %dma_wait3A_355 = arith.constant 0 : i32
            %dma_wait3A_356 = tpu.memref_slice %run_scoped3A_25[%rem3A_267, %dma_wait3A_354, %dma_wait3A_355] : memref<2x1x128xi32, #tpu.memory_space<vmem>> -> memref<1x1x128xi32, #tpu.memory_space<vmem>>
            %dma_wait3A_357 = tpu.memref_squeeze %dma_wait3A_356 : memref<1x1x128xi32, #tpu.memory_space<vmem>> -> memref<1x128xi32, #tpu.memory_space<vmem>>
            %dma_wait3A_358 = arith.constant 0 : i32
            %dma_wait3A_359 = tpu.memref_slice %dma_wait3A_357[%run_scoped3A_268, %dma_wait3A_358] : memref<1x128xi32, #tpu.memory_space<vmem>> -> memref<1x128xi32, #tpu.memory_space<vmem>>
            %dma_wait3A_360 = tpu.memref_squeeze %dma_wait3A_359 : memref<1x128xi32, #tpu.memory_space<vmem>> -> memref<128xi32, #tpu.memory_space<vmem>>
            %dma_wait3A_361 = arith.constant 0 : i32
            %dma_wait3A_362 = arith.constant 0 : i32
            %dma_wait3A_363 = tpu.memref_slice %arg6[%dma_wait3A_361, %dma_wait3A_362] : memref<10112x128xf32, #tpu.memory_space<vmem_shared>> -> memref<10112x128xf32, #tpu.memory_space<vmem_shared>>
            tpu.wait_indirect_dma semaphore(%run_scoped3A_336 : memref<!tpu.dma_semaphore, #tpu.memory_space<semaphore_mem>>) src(%dma_wait3A_353 : memref<128x128xf32, #tpu.memory_space<vmem>>) dst(%dma_wait3A_363 : memref<10112x128xf32, #tpu.memory_space<vmem_shared>>)
            tpu.yield
          }) : () -> ()
          "tpu.trace_stop"() : () -> ()
          %ne3A_269 = arith.cmpi ne, %add3A_186, %add3A_204 : i32
          %or3A_270 = arith.constant false
          %or3A_271 = arith.ori %or3A_270, %ne3A_269 : i1
          %or3A_272 = arith.constant false
          %or3A_273 = arith.ori %or3A_271, %or3A_272 : i1
          %or3A_274 = arith.ori %or3A_273, %eq3A_185 : i1
          %convert_element_type3A_275 = arith.extui %or3A_274 : i1 to i32
          %cond3A_276 = arith.constant 0 : i32
          %cond3A_277 = arith.cmpi ne, %convert_element_type3A_275, %cond3A_276 : i32
          scf.if %cond3A_277 {
          } else {
          }
          %and3A_278 = arith.constant false
          %and3A_279 = arith.andi %or3A_274, %and3A_278 : i1
          %ne3A_280 = arith.cmpi ne, %add3A_186, %add3A_204 : i32
          %or3A_281 = arith.constant false
          %or3A_282 = arith.ori %or3A_281, %ne3A_280 : i1
          %or3A_283 = arith.ori %or3A_282, %eq3A_185 : i1
          %convert_element_type3A_284 = arith.extui %or3A_283 : i1 to i32
          %cond3A_285 = arith.constant 0 : i32
          %cond3A_286 = arith.cmpi ne, %convert_element_type3A_284, %cond3A_285 : i32
          scf.if %cond3A_286 {
          } else {
          }
          %and3A_287 = arith.constant false
          %and3A_288 = arith.andi %or3A_283, %and3A_287 : i1
          %ne3A_289 = arith.cmpi ne, %add3A_186, %add3A_196 : i32
          %or3A_290 = arith.constant false
          %or3A_291 = arith.ori %or3A_290, %ne3A_289 : i1
          %or3A_292 = arith.constant false
          %or3A_293 = arith.ori %or3A_291, %or3A_292 : i1
          %not3A_294 = arith.constant true
          %not3A_295 = arith.xori %eq3A_182, %not3A_294 : i1
          %and3A_296 = arith.andi %or3A_293, %not3A_295 : i1
          %convert_element_type3A_297 = arith.extui %and3A_296 : i1 to i32
          %cond3A_298 = arith.constant 0 : i32
          %cond3A_299 = arith.cmpi ne, %convert_element_type3A_297, %cond3A_298 : i32
          scf.if %cond3A_299 {
          } else {
          }
          %and3A_300 = arith.constant false
          %and3A_301 = arith.andi %and3A_296, %and3A_300 : i1
          %ne3A_302 = arith.cmpi ne, %add3A_186, %add3A_196 : i32
          %or3A_303 = arith.constant false
          %or3A_304 = arith.ori %or3A_303, %ne3A_302 : i1
          %not3A_305 = arith.constant true
          %not3A_306 = arith.xori %eq3A_182, %not3A_305 : i1
          %and3A_307 = arith.andi %or3A_304, %not3A_306 : i1
          %convert_element_type3A_308 = arith.extui %and3A_307 : i1 to i32
          %cond3A_309 = arith.constant 0 : i32
          %cond3A_310 = arith.cmpi ne, %convert_element_type3A_308, %cond3A_309 : i32
          scf.if %cond3A_310 {
          } else {
          }
          %and3A_311 = arith.constant false
          %and3A_312 = arith.andi %and3A_307, %and3A_311 : i1
          %ne3A_313 = arith.cmpi ne, %add3A_186, %add3A_204 : i32
          %or3A_314 = arith.constant false
          %or3A_315 = arith.ori %or3A_314, %ne3A_313 : i1
          %or3A_316 = arith.constant false
          %or3A_317 = arith.ori %or3A_315, %or3A_316 : i1
          %or3A_318 = arith.ori %or3A_317, %eq3A_185 : i1
          %add3A_319 = arith.constant 1 : i32
          %add3A_320 = arith.addi %while3A_175, %add3A_319 : i32
          %select_n3A_321 = arith.select %or3A_318, %add3A_320, %while3A_175 : i32
          %ne3A_322 = arith.cmpi ne, %add3A_186, %add3A_204 : i32
          %or3A_323 = arith.constant false
          %or3A_324 = arith.ori %or3A_323, %ne3A_322 : i1
          %or3A_325 = arith.ori %or3A_324, %eq3A_185 : i1
          %add3A_326 = arith.constant 1 : i32
          %add3A_327 = arith.addi %while3A_177, %add3A_326 : i32
          %select_n3A_328 = arith.select %or3A_325, %add3A_327, %while3A_177 : i32
          %add3A_329 = arith.constant 1 : i32
          %add3A_330 = arith.addi %while3A_178, %add3A_329 : i32
          %select_n3A_331 = arith.constant true
          %select_n3A_332 = arith.select %select_n3A_331, %add3A_330, %while3A_178 : i32
          %eq3A_333 = arith.cmpi eq, %select_n3A_332, %select_n3A : i32
          %select_n3A_334 = arith.constant 0 : i32
          %select_n3A_335 = arith.select %eq3A_333, %select_n3A_334, %select_n3A_332 : i32
          scf.yield %select_n3A_228, %select_n3A_321, %select_n3A_247, %select_n3A_328, %select_n3A_335 : i32, i32, i32, i32, i32
        }
        %sub3A_122 = arith.constant 1 : i32
        %sub3A_123 = arith.subi %while3A_121#4, %sub3A_122 : i32
        %select_n3A_124 = arith.constant true
        %select_n3A_125 = arith.select %select_n3A_124, %sub3A_123, %while3A_121#4 : i32
        %eq3A_126 = arith.constant -1 : i32
        %eq3A_127 = arith.cmpi eq, %select_n3A_125, %eq3A_126 : i32
        %sub3A_128 = arith.constant 1 : i32
        %sub3A_129 = arith.subi %select_n3A, %sub3A_128 : i32
        %select_n3A_130 = arith.select %eq3A_127, %sub3A_129, %select_n3A_125 : i32
        %sub3A_131 = arith.constant 1 : i32
        %sub3A_132 = arith.subi %mul3A_18, %sub3A_131 : i32
        %mul3A_133 = arith.constant 1 : i32
        %mul3A_134 = arith.muli %mul3A_133, %select_n3A : i32
        %eq3A_135 = arith.constant 0 : i32
        %eq3A_136 = arith.cmpi eq, %sub3A_132, %eq3A_135 : i32
        %sub3A_137 = arith.constant 1 : i32
        %sub3A_138 = arith.subi %mul3A_134, %sub3A_137 : i32
        %eq3A_139 = arith.cmpi eq, %sub3A_132, %sub3A_138 : i32
        %add3A_140 = arith.addi %select_n3A_130, %select_n3A_16 : i32
        %sub3A_141 = arith.constant 1 : i32
        %sub3A_142 = arith.subi %select_n3A_130, %sub3A_141 : i32
        %select_n3A_143 = arith.constant true
        %select_n3A_144 = arith.select %select_n3A_143, %sub3A_142, %select_n3A_130 : i32
        %eq3A_145 = arith.constant -1 : i32
        %eq3A_146 = arith.cmpi eq, %select_n3A_144, %eq3A_145 : i32
        %sub3A_147 = arith.constant 1 : i32
        %sub3A_148 = arith.subi %select_n3A, %sub3A_147 : i32
        %select_n3A_149 = arith.select %eq3A_146, %sub3A_148, %select_n3A_144 : i32
        %add3A_150 = arith.addi %select_n3A_149, %select_n3A_16 : i32
        %add3A_151 = arith.constant 1 : i32
        %add3A_152 = arith.addi %select_n3A_130, %add3A_151 : i32
        %select_n3A_153 = arith.constant true
        %select_n3A_154 = arith.select %select_n3A_153, %add3A_152, %select_n3A_130 : i32
        %eq3A_155 = arith.cmpi eq, %select_n3A_154, %select_n3A : i32
        %select_n3A_156 = arith.constant 0 : i32
        %select_n3A_157 = arith.select %eq3A_155, %select_n3A_156, %select_n3A_154 : i32
        %add3A_158 = arith.addi %select_n3A_157, %select_n3A_16 : i32
        %add3A_159 = arith.constant 1 : i32
        %add3A_160 = arith.addi %select_n3A_157, %add3A_159 : i32
        %select_n3A_161 = arith.constant true
        %select_n3A_162 = arith.select %select_n3A_161, %add3A_160, %select_n3A_157 : i32
        %eq3A_163 = arith.cmpi eq, %select_n3A_162, %select_n3A : i32
        %select_n3A_164 = arith.constant 0 : i32
        %select_n3A_165 = arith.select %eq3A_163, %select_n3A_164, %select_n3A_162 : i32
        %add3A_166 = arith.addi %select_n3A_165, %select_n3A_16 : i32
        %convert_element_type3A_167 = arith.extui %eq3A_139 : i1 to i32
        %cond3A_168 = arith.constant 0 : i32
        %cond3A_169 = arith.cmpi ne, %convert_element_type3A_167, %cond3A_168 : i32
        scf.if %cond3A_169 {
        } else {
        }
        %convert_element_type3A_170 = arith.extui %eq3A_139 : i1 to i32
        %cond3A_171 = arith.constant 0 : i32
        %cond3A_172 = arith.cmpi ne, %convert_element_type3A_170, %cond3A_171 : i32
        scf.if %cond3A_172 {
        } else {
        }
      } else {
      }
      tpu.yield
    }) : () -> ()
    %barrier3A_19 = arith.constant 0 : index
    tpu.barrier barrier_id(%barrier3A_19)
    %mul3A_20 = arith.constant 632 : i32
    %mul3A_21 = arith.muli %arg1, %mul3A_20 : i32
    %mul3A_22 = arith.constant 632 : i32
    %mul3A_23 = arith.muli %arg1, %mul3A_22 : i32
    "tpu.region"() ({
      %run_scoped3A = tpu.sem_alloc : memref<!tpu.dma_semaphore, #tpu.memory_space<semaphore_mem>>
      %dma_start3A = arith.constant 0 : i32
      %dma_start3A_24 = arith.constant 0 : i32
      %dma_start3A_25 = tpu.memref_slice %arg5[%arg0, %dma_start3A, %dma_start3A_24] : memref<2x10112x128xf32, #tpu.memory_space<hbm>> -> memref<1x10112x128xf32, #tpu.memory_space<hbm>>
      %dma_start3A_26 = tpu.memref_squeeze %dma_start3A_25 : memref<1x10112x128xf32, #tpu.memory_space<hbm>> -> memref<10112x128xf32, #tpu.memory_space<hbm>>
      %dma_start3A_27 = arith.constant 0 : i32
      %dma_start3A_28 = tpu.memref_slice %dma_start3A_26[%mul3A_23, %dma_start3A_27] : memref<10112x128xf32, #tpu.memory_space<hbm>> -> memref<632x128xf32, #tpu.memory_space<hbm>>
      %dma_start3A_29 = arith.constant 0 : i32
      %dma_start3A_30 = tpu.memref_slice %arg6[%mul3A_21, %dma_start3A_29] : memref<10112x128xf32, #tpu.memory_space<vmem_shared>> -> memref<632x128xf32, #tpu.memory_space<vmem_shared>>
      tpu.enqueue_dma source(%dma_start3A_30 : memref<632x128xf32, #tpu.memory_space<vmem_shared>>) target(%dma_start3A_28 : memref<632x128xf32, #tpu.memory_space<hbm>>) target_semaphore(%run_scoped3A : memref<!tpu.dma_semaphore, #tpu.memory_space<semaphore_mem>>)
      %dma_wait3A = arith.constant 0 : i32
      %dma_wait3A_31 = arith.constant 0 : i32
      %dma_wait3A_32 = tpu.memref_slice %arg5[%arg0, %dma_wait3A, %dma_wait3A_31] : memref<2x10112x128xf32, #tpu.memory_space<hbm>> -> memref<1x10112x128xf32, #tpu.memory_space<hbm>>
      %dma_wait3A_33 = tpu.memref_squeeze %dma_wait3A_32 : memref<1x10112x128xf32, #tpu.memory_space<hbm>> -> memref<10112x128xf32, #tpu.memory_space<hbm>>
      %dma_wait3A_34 = arith.constant 0 : i32
      %dma_wait3A_35 = tpu.memref_slice %dma_wait3A_33[%mul3A_23, %dma_wait3A_34] : memref<10112x128xf32, #tpu.memory_space<hbm>> -> memref<632x128xf32, #tpu.memory_space<hbm>>
      %dma_wait3A_36 = arith.constant 0 : i32
      %dma_wait3A_37 = tpu.memref_slice %arg6[%mul3A_21, %dma_wait3A_36] : memref<10112x128xf32, #tpu.memory_space<vmem_shared>> -> memref<632x128xf32, #tpu.memory_space<vmem_shared>>
      tpu.wait_dma2 semaphore(%run_scoped3A : memref<!tpu.dma_semaphore, #tpu.memory_space<semaphore_mem>>) src(%dma_wait3A_37 : memref<632x128xf32, #tpu.memory_space<vmem_shared>>) dst(%dma_wait3A_35 : memref<632x128xf32, #tpu.memory_space<hbm>>)
      tpu.yield
    }) : () -> ()
    return
  }
}

#map = affine_map<(d0, d1) -> (0, 0)>
module attributes {stable_mosaic.version = 14 : i64} {
  func.func @k(%arg0: i32, %arg1: i32, %arg2: memref<10000x128xf32, #tpu.memory_space<hbm>>, %arg3: memref<1x320000xi32, #tpu.memory_space<hbm>>, %arg4: memref<320000x128xf32, #tpu.memory_space<hbm>>) attributes {dimension_semantics = [#tpu.dimension_semantics<core_parallel>, #tpu.dimension_semantics<subcore_parallel>], iteration_bounds = array<i64: 2, 16>, scalar_prefetch = 0 : i64, scratch_operands = 0 : i64, tpu.core_type = #tpu.core_type<sc_vector_subcore>, window_params = [{transform_indices = #map}, {transform_indices = #map}, {transform_indices = #map}]} {
    %mul3A = arith.constant 1 : i32
    %mul3A_0 = arith.muli %arg1, %mul3A : i32
    %add3A = arith.constant 0 : i32
    %add3A_1 = arith.addi %add3A, %mul3A_0 : i32
    %mul3A_2 = arith.constant 16 : i32
    %mul3A_3 = arith.muli %arg0, %mul3A_2 : i32
    %add3A_4 = arith.addi %add3A_1, %mul3A_3 : i32
    %lt3A = arith.constant 2 : i32
    %lt3A_5 = arith.cmpi slt, %add3A_4, %lt3A : i32
    %jit3A = arith.constant 40 : i32
    %jit3A_6 = arith.constant 39 : i32
    %select_n3A = arith.select %lt3A_5, %jit3A, %jit3A_6 : i32
    %lt3A_7 = arith.constant 2 : i32
    %lt3A_8 = arith.cmpi slt, %add3A_4, %lt3A_7 : i32
    %mul3A_9 = arith.muli %add3A_4, %select_n3A : i32
    %mul3A_10 = arith.constant 39 : i32
    %mul3A_11 = arith.muli %add3A_4, %mul3A_10 : i32
    %add3A_12 = arith.constant 2 : i32
    %add3A_13 = arith.addi %mul3A_11, %add3A_12 : i32
    %select_n3A_14 = arith.select %lt3A_8, %mul3A_9, %add3A_13 : i32
    %mul3A_15 = arith.constant 1 : i32
    %mul3A_16 = arith.muli %mul3A_15, %select_n3A : i32
    "tpu.region"() ({
      %run_scoped3A = memref.alloca() : memref<2x1x256xi32, #tpu.memory_space<vmem>>
      %run_scoped3A_17 = tpu.sem_alloc : memref<2x!tpu.dma_semaphore, #tpu.memory_space<semaphore_mem>>
      %run_scoped3A_18 = memref.alloca() : memref<2x256x128xf32, #tpu.memory_space<vmem>>
      %run_scoped3A_19 = tpu.sem_alloc : memref<2x!tpu.dma_semaphore, #tpu.memory_space<semaphore_mem>>
      %gt3A = arith.constant 0 : i32
      %gt3A_20 = arith.cmpi sgt, %mul3A_16, %gt3A : i32
      %convert_element_type3A = arith.extui %gt3A_20 : i1 to i32
      %cond3A = arith.constant 0 : i32
      %cond3A_21 = arith.cmpi ne, %convert_element_type3A, %cond3A : i32
      scf.if %cond3A_21 {
        %mul3A_22 = arith.constant 1 : i32
        %mul3A_23 = arith.muli %mul3A_22, %select_n3A : i32
        %sub3A = arith.constant 1 : i32
        %sub3A_24 = arith.subi %mul3A_23, %sub3A : i32
        %eq3A = arith.constant 0 : i32
        %eq3A_25 = arith.cmpi eq, %sub3A_24, %eq3A : i32
        %add3A_26 = arith.constant 0 : i32
        %add3A_27 = arith.addi %add3A_26, %select_n3A_14 : i32
        %select_n3A_28 = arith.constant true
        %select_n3A_29 = arith.constant 0 : i32
        %select_n3A_30 = arith.constant -1 : i32
        %select_n3A_31 = arith.select %select_n3A_28, %select_n3A_30, %select_n3A_29 : i32
        %eq3A_32 = arith.constant -1 : i32
        %eq3A_33 = arith.cmpi eq, %select_n3A_31, %eq3A_32 : i32
        %sub3A_34 = arith.constant 1 : i32
        %sub3A_35 = arith.subi %select_n3A, %sub3A_34 : i32
        %select_n3A_36 = arith.select %eq3A_33, %sub3A_35, %select_n3A_31 : i32
        %add3A_37 = arith.addi %select_n3A_36, %select_n3A_14 : i32
        %select_n3A_38 = arith.constant true
        %select_n3A_39 = arith.constant 0 : i32
        %select_n3A_40 = arith.constant 1 : i32
        %select_n3A_41 = arith.select %select_n3A_38, %select_n3A_40, %select_n3A_39 : i32
        %eq3A_42 = arith.cmpi eq, %select_n3A_41, %select_n3A : i32
        %select_n3A_43 = arith.constant 0 : i32
        %select_n3A_44 = arith.select %eq3A_42, %select_n3A_43, %select_n3A_41 : i32
        %add3A_45 = arith.addi %select_n3A_44, %select_n3A_14 : i32
        %add3A_46 = arith.constant 1 : i32
        %add3A_47 = arith.addi %select_n3A_44, %add3A_46 : i32
        %select_n3A_48 = arith.constant true
        %select_n3A_49 = arith.select %select_n3A_48, %add3A_47, %select_n3A_44 : i32
        %eq3A_50 = arith.cmpi eq, %select_n3A_49, %select_n3A : i32
        %select_n3A_51 = arith.constant 0 : i32
        %select_n3A_52 = arith.select %eq3A_50, %select_n3A_51, %select_n3A_49 : i32
        %add3A_53 = arith.addi %select_n3A_52, %select_n3A_14 : i32
        "tpu.trace_start"() <{level = 10 : i32, message = "ep_initialize_0"}> : () -> ()
        %rem3A = arith.constant 0 : i32
        %rem3A_54 = arith.constant 2 : i32
        %rem3A_55 = arith.remui %rem3A, %rem3A_54 : i32
        %mul3A_56 = arith.constant 256 : i32
        %mul3A_57 = arith.muli %mul3A_56, %add3A_27 : i32
        %dma_start3A = arith.constant 0 : i32
        %dma_start3A_58 = arith.constant 0 : i32
        %dma_start3A_59 = tpu.memref_slice %run_scoped3A[%rem3A_55, %dma_start3A, %dma_start3A_58] : memref<2x1x256xi32, #tpu.memory_space<vmem>> -> memref<1x1x256xi32, #tpu.memory_space<vmem>>
        %dma_start3A_60 = tpu.memref_squeeze %dma_start3A_59 : memref<1x1x256xi32, #tpu.memory_space<vmem>> -> memref<1x256xi32, #tpu.memory_space<vmem>>
        %dma_start3A_61 = arith.constant 0 : i32
        %dma_start3A_62 = tpu.memref_slice %arg3[%dma_start3A_61, %mul3A_57] : memref<1x320000xi32, #tpu.memory_space<hbm>> -> memref<1x256xi32, #tpu.memory_space<hbm>>
        %dma_start3A_63 = tpu.memref_slice %run_scoped3A_17[%rem3A_55] : memref<2x!tpu.dma_semaphore, #tpu.memory_space<semaphore_mem>> -> memref<1x!tpu.dma_semaphore, #tpu.memory_space<semaphore_mem>>
        %dma_start3A_64 = tpu.memref_squeeze %dma_start3A_63 : memref<1x!tpu.dma_semaphore, #tpu.memory_space<semaphore_mem>> -> memref<!tpu.dma_semaphore, #tpu.memory_space<semaphore_mem>>
        %dma_start3A_65 = arith.constant 0 : i32
        %dma_start3A_66 = arith.constant 0 : i32
        %dma_start3A_67 = tpu.memref_slice %run_scoped3A[%rem3A_55, %dma_start3A_65, %dma_start3A_66] : memref<2x1x256xi32, #tpu.memory_space<vmem>> -> memref<1x1x256xi32, #tpu.memory_space<vmem>>
        %dma_start3A_68 = tpu.memref_squeeze %dma_start3A_67 : memref<1x1x256xi32, #tpu.memory_space<vmem>> -> memref<1x256xi32, #tpu.memory_space<vmem>>
        %dma_start3A_69 = arith.constant 0 : i32
        %dma_start3A_70 = tpu.memref_slice %arg3[%dma_start3A_69, %mul3A_57] : memref<1x320000xi32, #tpu.memory_space<hbm>> -> memref<1x256xi32, #tpu.memory_space<hbm>>
        tpu.enqueue_dma source(%dma_start3A_70 : memref<1x256xi32, #tpu.memory_space<hbm>>) target(%dma_start3A_68 : memref<1x256xi32, #tpu.memory_space<vmem>>) target_semaphore(%dma_start3A_64 : memref<!tpu.dma_semaphore, #tpu.memory_space<semaphore_mem>>)
        %add3A_71 = arith.constant 0 : i32
        %add3A_72 = arith.constant 1 : i32
        %add3A_73 = arith.addi %add3A_71, %add3A_72 : i32
        %select_n3A_74 = arith.constant true
        %select_n3A_75 = arith.constant 0 : i32
        %select_n3A_76 = arith.select %select_n3A_74, %add3A_73, %select_n3A_75 : i32
        %while3A = arith.constant 0 : i32
        %while3A_77 = arith.constant 0 : i32
        %while3A_78 = arith.constant 0 : i32
        %while3A_79 = arith.constant 0 : i32
        %while3A_80 = arith.constant 0 : i32
        "tpu.trace_stop"() : () -> ()
        %while3A_81 = arith.subi %mul3A_16, %while3A : i32
        %while3A_82 = arith.addi %while3A, %while3A_81 : i32
        %while3A_83 = arith.constant 1 : i32
        %while3A_84 = arith.divsi %while3A_81, %while3A_83 : i32
        %while3A_85 = arith.muli %while3A_84, %while3A_83 : i32
        %while3A_86 = arith.addi %while3A, %while3A_85 : i32
        %while3A_87 = arith.constant 1 : i32
        %while3A_88:5 = scf.for %while3A_142 = %while3A to %while3A_86 step %while3A_87 iter_args(%while3A_143 = %select_n3A_76, %while3A_144 = %while3A_77, %while3A_145 = %while3A_78, %while3A_146 = %while3A_79, %while3A_147 = %while3A_80) -> (i32, i32, i32, i32, i32)  : i32 {
          %mul3A_148 = arith.constant 1 : i32
          %mul3A_149 = arith.muli %mul3A_148, %select_n3A : i32
          %eq3A_150 = arith.constant 0 : i32
          %eq3A_151 = arith.cmpi eq, %while3A_142, %eq3A_150 : i32
          %sub3A_152 = arith.constant 1 : i32
          %sub3A_153 = arith.subi %mul3A_149, %sub3A_152 : i32
          %eq3A_154 = arith.cmpi eq, %while3A_142, %sub3A_153 : i32
          %add3A_155 = arith.addi %while3A_147, %select_n3A_14 : i32
          %sub3A_156 = arith.constant 1 : i32
          %sub3A_157 = arith.subi %while3A_147, %sub3A_156 : i32
          %select_n3A_158 = arith.constant true
          %select_n3A_159 = arith.select %select_n3A_158, %sub3A_157, %while3A_147 : i32
          %eq3A_160 = arith.constant -1 : i32
          %eq3A_161 = arith.cmpi eq, %select_n3A_159, %eq3A_160 : i32
          %sub3A_162 = arith.constant 1 : i32
          %sub3A_163 = arith.subi %select_n3A, %sub3A_162 : i32
          %select_n3A_164 = arith.select %eq3A_161, %sub3A_163, %select_n3A_159 : i32
          %add3A_165 = arith.addi %select_n3A_164, %select_n3A_14 : i32
          %add3A_166 = arith.constant 1 : i32
          %add3A_167 = arith.addi %while3A_147, %add3A_166 : i32
          %select_n3A_168 = arith.constant true
          %select_n3A_169 = arith.select %select_n3A_168, %add3A_167, %while3A_147 : i32
          %eq3A_170 = arith.cmpi eq, %select_n3A_169, %select_n3A : i32
          %select_n3A_171 = arith.constant 0 : i32
          %select_n3A_172 = arith.select %eq3A_170, %select_n3A_171, %select_n3A_169 : i32
          %add3A_173 = arith.addi %select_n3A_172, %select_n3A_14 : i32
          %add3A_174 = arith.constant 1 : i32
          %add3A_175 = arith.addi %select_n3A_172, %add3A_174 : i32
          %select_n3A_176 = arith.constant true
          %select_n3A_177 = arith.select %select_n3A_176, %add3A_175, %select_n3A_172 : i32
          %eq3A_178 = arith.cmpi eq, %select_n3A_177, %select_n3A : i32
          %select_n3A_179 = arith.constant 0 : i32
          %select_n3A_180 = arith.select %eq3A_178, %select_n3A_179, %select_n3A_177 : i32
          %add3A_181 = arith.addi %select_n3A_180, %select_n3A_14 : i32
          %ne3A = arith.cmpi ne, %add3A_155, %add3A_173 : i32
          %or3A = arith.constant false
          %or3A_182 = arith.ori %or3A, %ne3A : i1
          %sub3A_183 = arith.constant 2 : i32
          %sub3A_184 = arith.subi %mul3A_149, %sub3A_183 : i32
          %add3A_185 = arith.constant 1 : i32
          %add3A_186 = arith.addi %sub3A_184, %add3A_185 : i32
          %ge3A = arith.cmpi sge, %while3A_142, %add3A_186 : i32
          %not3A = arith.constant true
          %not3A_187 = arith.xori %ge3A, %not3A : i1
          %and3A = arith.andi %or3A_182, %not3A_187 : i1
          %convert_element_type3A_188 = arith.extui %and3A : i1 to i32
          %cond3A_189 = arith.constant 0 : i32
          %cond3A_190 = arith.cmpi ne, %convert_element_type3A_188, %cond3A_189 : i32
          scf.if %cond3A_190 {
            "tpu.trace_start"() <{level = 10 : i32, message = "ep_copy_in"}> : () -> ()
            %rem3A_294 = arith.constant 2 : i32
            %rem3A_295 = arith.remui %while3A_143, %rem3A_294 : i32
            %mul3A_296 = arith.constant 256 : i32
            %mul3A_297 = arith.muli %mul3A_296, %add3A_173 : i32
            %dma_start3A_298 = arith.constant 0 : i32
            %dma_start3A_299 = arith.constant 0 : i32
            %dma_start3A_300 = tpu.memref_slice %run_scoped3A[%rem3A_295, %dma_start3A_298, %dma_start3A_299] : memref<2x1x256xi32, #tpu.memory_space<vmem>> -> memref<1x1x256xi32, #tpu.memory_space<vmem>>
            %dma_start3A_301 = tpu.memref_squeeze %dma_start3A_300 : memref<1x1x256xi32, #tpu.memory_space<vmem>> -> memref<1x256xi32, #tpu.memory_space<vmem>>
            %dma_start3A_302 = arith.constant 0 : i32
            %dma_start3A_303 = tpu.memref_slice %arg3[%dma_start3A_302, %mul3A_297] : memref<1x320000xi32, #tpu.memory_space<hbm>> -> memref<1x256xi32, #tpu.memory_space<hbm>>
            %dma_start3A_304 = tpu.memref_slice %run_scoped3A_17[%rem3A_295] : memref<2x!tpu.dma_semaphore, #tpu.memory_space<semaphore_mem>> -> memref<1x!tpu.dma_semaphore, #tpu.memory_space<semaphore_mem>>
            %dma_start3A_305 = tpu.memref_squeeze %dma_start3A_304 : memref<1x!tpu.dma_semaphore, #tpu.memory_space<semaphore_mem>> -> memref<!tpu.dma_semaphore, #tpu.memory_space<semaphore_mem>>
            %dma_start3A_306 = arith.constant 0 : i32
            %dma_start3A_307 = arith.constant 0 : i32
            %dma_start3A_308 = tpu.memref_slice %run_scoped3A[%rem3A_295, %dma_start3A_306, %dma_start3A_307] : memref<2x1x256xi32, #tpu.memory_space<vmem>> -> memref<1x1x256xi32, #tpu.memory_space<vmem>>
            %dma_start3A_309 = tpu.memref_squeeze %dma_start3A_308 : memref<1x1x256xi32, #tpu.memory_space<vmem>> -> memref<1x256xi32, #tpu.memory_space<vmem>>
            %dma_start3A_310 = arith.constant 0 : i32
            %dma_start3A_311 = tpu.memref_slice %arg3[%dma_start3A_310, %mul3A_297] : memref<1x320000xi32, #tpu.memory_space<hbm>> -> memref<1x256xi32, #tpu.memory_space<hbm>>
            tpu.enqueue_dma source(%dma_start3A_311 : memref<1x256xi32, #tpu.memory_space<hbm>>) target(%dma_start3A_309 : memref<1x256xi32, #tpu.memory_space<vmem>>) target_semaphore(%dma_start3A_305 : memref<!tpu.dma_semaphore, #tpu.memory_space<semaphore_mem>>)
            "tpu.trace_stop"() : () -> ()
          } else {
          }
          %and3A_191 = arith.constant true
          %and3A_192 = arith.andi %and3A, %and3A_191 : i1
          %add3A_193 = arith.constant 1 : i32
          %add3A_194 = arith.addi %while3A_143, %add3A_193 : i32
          %select_n3A_195 = arith.select %and3A_192, %add3A_194, %while3A_143 : i32
          %ne3A_196 = arith.cmpi ne, %add3A_155, %add3A_173 : i32
          %or3A_197 = arith.constant false
          %or3A_198 = arith.ori %or3A_197, %ne3A_196 : i1
          %or3A_199 = arith.constant false
          %or3A_200 = arith.ori %or3A_198, %or3A_199 : i1
          %sub3A_201 = arith.constant 2 : i32
          %sub3A_202 = arith.subi %mul3A_149, %sub3A_201 : i32
          %add3A_203 = arith.constant 1 : i32
          %add3A_204 = arith.addi %sub3A_202, %add3A_203 : i32
          %ge3A_205 = arith.cmpi sge, %while3A_142, %add3A_204 : i32
          %not3A_206 = arith.constant true
          %not3A_207 = arith.xori %ge3A_205, %not3A_206 : i1
          %and3A_208 = arith.andi %or3A_200, %not3A_207 : i1
          %ne3A_209 = arith.cmpi ne, %add3A_155, %add3A_165 : i32
          %or3A_210 = arith.constant false
          %or3A_211 = arith.ori %or3A_210, %ne3A_209 : i1
          %or3A_212 = arith.ori %or3A_211, %eq3A_151 : i1
          %convert_element_type3A_213 = arith.extui %or3A_212 : i1 to i32
          %cond3A_214 = arith.constant 0 : i32
          %cond3A_215 = arith.cmpi ne, %convert_element_type3A_213, %cond3A_214 : i32
          scf.if %cond3A_215 {
            "tpu.trace_start"() <{level = 10 : i32, message = "ep_wait_in"}> : () -> ()
            %mul3A_294 = arith.constant 256 : i32
            %mul3A_295 = arith.muli %mul3A_294, %add3A_155 : i32
            %rem3A_296 = arith.constant 2 : i32
            %rem3A_297 = arith.remui %while3A_144, %rem3A_296 : i32
            %dma_wait3A = arith.constant 0 : i32
            %dma_wait3A_298 = arith.constant 0 : i32
            %dma_wait3A_299 = tpu.memref_slice %run_scoped3A[%rem3A_297, %dma_wait3A, %dma_wait3A_298] : memref<2x1x256xi32, #tpu.memory_space<vmem>> -> memref<1x1x256xi32, #tpu.memory_space<vmem>>
            %dma_wait3A_300 = tpu.memref_squeeze %dma_wait3A_299 : memref<1x1x256xi32, #tpu.memory_space<vmem>> -> memref<1x256xi32, #tpu.memory_space<vmem>>
            %dma_wait3A_301 = arith.constant 0 : i32
            %dma_wait3A_302 = tpu.memref_slice %arg3[%dma_wait3A_301, %mul3A_295] : memref<1x320000xi32, #tpu.memory_space<hbm>> -> memref<1x256xi32, #tpu.memory_space<hbm>>
            %dma_wait3A_303 = tpu.memref_slice %run_scoped3A_17[%rem3A_297] : memref<2x!tpu.dma_semaphore, #tpu.memory_space<semaphore_mem>> -> memref<1x!tpu.dma_semaphore, #tpu.memory_space<semaphore_mem>>
            %dma_wait3A_304 = tpu.memref_squeeze %dma_wait3A_303 : memref<1x!tpu.dma_semaphore, #tpu.memory_space<semaphore_mem>> -> memref<!tpu.dma_semaphore, #tpu.memory_space<semaphore_mem>>
            %dma_wait3A_305 = arith.constant 0 : i32
            %dma_wait3A_306 = arith.constant 0 : i32
            %dma_wait3A_307 = tpu.memref_slice %run_scoped3A[%rem3A_297, %dma_wait3A_305, %dma_wait3A_306] : memref<2x1x256xi32, #tpu.memory_space<vmem>> -> memref<1x1x256xi32, #tpu.memory_space<vmem>>
            %dma_wait3A_308 = tpu.memref_squeeze %dma_wait3A_307 : memref<1x1x256xi32, #tpu.memory_space<vmem>> -> memref<1x256xi32, #tpu.memory_space<vmem>>
            %dma_wait3A_309 = arith.constant 0 : i32
            %dma_wait3A_310 = tpu.memref_slice %arg3[%dma_wait3A_309, %mul3A_295] : memref<1x320000xi32, #tpu.memory_space<hbm>> -> memref<1x256xi32, #tpu.memory_space<hbm>>
            tpu.wait_dma2 semaphore(%dma_wait3A_304 : memref<!tpu.dma_semaphore, #tpu.memory_space<semaphore_mem>>) src(%dma_wait3A_310 : memref<1x256xi32, #tpu.memory_space<hbm>>) dst(%dma_wait3A_308 : memref<1x256xi32, #tpu.memory_space<vmem>>)
            "tpu.trace_stop"() : () -> ()
          } else {
          }
          %ne3A_216 = arith.cmpi ne, %add3A_155, %add3A_165 : i32
          %or3A_217 = arith.constant false
          %or3A_218 = arith.ori %or3A_217, %ne3A_216 : i1
          %or3A_219 = arith.constant false
          %or3A_220 = arith.ori %or3A_218, %or3A_219 : i1
          %or3A_221 = arith.ori %or3A_220, %eq3A_151 : i1
          %convert_element_type3A_222 = arith.extui %or3A_221 : i1 to i32
          %cond3A_223 = arith.constant 0 : i32
          %cond3A_224 = arith.cmpi ne, %convert_element_type3A_222, %cond3A_223 : i32
          scf.if %cond3A_224 {
          } else {
          }
          %rem3A_225 = arith.constant 2 : i32
          %rem3A_226 = arith.remui %while3A_144, %rem3A_225 : i32
          %rem3A_227 = arith.constant 2 : i32
          %rem3A_228 = arith.remui %while3A_145, %rem3A_227 : i32
          %run_scoped3A_229 = arith.constant 0 : i32
          "tpu.trace_start"() <{level = 10 : i32, message = "ep_run_kernel"}> : () -> ()
          "tpu.region"() ({
            %run_scoped3A_294 = tpu.sem_alloc : memref<!tpu.dma_semaphore, #tpu.memory_space<semaphore_mem>>
            %dma_start3A_295 = arith.constant 0 : i32
            %dma_start3A_296 = arith.constant 0 : i32
            %dma_start3A_297 = tpu.memref_slice %run_scoped3A_18[%rem3A_228, %dma_start3A_295, %dma_start3A_296] : memref<2x256x128xf32, #tpu.memory_space<vmem>> -> memref<1x256x128xf32, #tpu.memory_space<vmem>>
            %dma_start3A_298 = tpu.memref_squeeze %dma_start3A_297 : memref<1x256x128xf32, #tpu.memory_space<vmem>> -> memref<256x128xf32, #tpu.memory_space<vmem>>
            %dma_start3A_299 = arith.constant 0 : i32
            %dma_start3A_300 = arith.constant 0 : i32
            %dma_start3A_301 = tpu.memref_slice %run_scoped3A[%rem3A_226, %dma_start3A_299, %dma_start3A_300] : memref<2x1x256xi32, #tpu.memory_space<vmem>> -> memref<1x1x256xi32, #tpu.memory_space<vmem>>
            %dma_start3A_302 = tpu.memref_squeeze %dma_start3A_301 : memref<1x1x256xi32, #tpu.memory_space<vmem>> -> memref<1x256xi32, #tpu.memory_space<vmem>>
            %dma_start3A_303 = arith.constant 0 : i32
            %dma_start3A_304 = tpu.memref_slice %dma_start3A_302[%run_scoped3A_229, %dma_start3A_303] : memref<1x256xi32, #tpu.memory_space<vmem>> -> memref<1x256xi32, #tpu.memory_space<vmem>>
            %dma_start3A_305 = tpu.memref_squeeze %dma_start3A_304 : memref<1x256xi32, #tpu.memory_space<vmem>> -> memref<256xi32, #tpu.memory_space<vmem>>
            %dma_start3A_306 = arith.constant 0 : i32
            %dma_start3A_307 = arith.constant 0 : i32
            %dma_start3A_308 = tpu.memref_slice %arg2[%dma_start3A_306, %dma_start3A_307] : memref<10000x128xf32, #tpu.memory_space<hbm>> -> memref<10000x128xf32, #tpu.memory_space<hbm>>
            tpu.enqueue_indirect_dma source(%dma_start3A_308 : memref<10000x128xf32, #tpu.memory_space<hbm>>) target(%dma_start3A_298 : memref<256x128xf32, #tpu.memory_space<vmem>>) offsets(%dma_start3A_305 : memref<256xi32, #tpu.memory_space<vmem>>) semaphore(%run_scoped3A_294 : memref<!tpu.dma_semaphore, #tpu.memory_space<semaphore_mem>>)
            %dma_wait3A = arith.constant 0 : i32
            %dma_wait3A_309 = arith.constant 0 : i32
            %dma_wait3A_310 = tpu.memref_slice %run_scoped3A_18[%rem3A_228, %dma_wait3A, %dma_wait3A_309] : memref<2x256x128xf32, #tpu.memory_space<vmem>> -> memref<1x256x128xf32, #tpu.memory_space<vmem>>
            %dma_wait3A_311 = tpu.memref_squeeze %dma_wait3A_310 : memref<1x256x128xf32, #tpu.memory_space<vmem>> -> memref<256x128xf32, #tpu.memory_space<vmem>>
            %dma_wait3A_312 = arith.constant 0 : i32
            %dma_wait3A_313 = arith.constant 0 : i32
            %dma_wait3A_314 = tpu.memref_slice %run_scoped3A[%rem3A_226, %dma_wait3A_312, %dma_wait3A_313] : memref<2x1x256xi32, #tpu.memory_space<vmem>> -> memref<1x1x256xi32, #tpu.memory_space<vmem>>
            %dma_wait3A_315 = tpu.memref_squeeze %dma_wait3A_314 : memref<1x1x256xi32, #tpu.memory_space<vmem>> -> memref<1x256xi32, #tpu.memory_space<vmem>>
            %dma_wait3A_316 = arith.constant 0 : i32
            %dma_wait3A_317 = tpu.memref_slice %dma_wait3A_315[%run_scoped3A_229, %dma_wait3A_316] : memref<1x256xi32, #tpu.memory_space<vmem>> -> memref<1x256xi32, #tpu.memory_space<vmem>>
            %dma_wait3A_318 = tpu.memref_squeeze %dma_wait3A_317 : memref<1x256xi32, #tpu.memory_space<vmem>> -> memref<256xi32, #tpu.memory_space<vmem>>
            %dma_wait3A_319 = arith.constant 0 : i32
            %dma_wait3A_320 = arith.constant 0 : i32
            %dma_wait3A_321 = tpu.memref_slice %arg2[%dma_wait3A_319, %dma_wait3A_320] : memref<10000x128xf32, #tpu.memory_space<hbm>> -> memref<10000x128xf32, #tpu.memory_space<hbm>>
            tpu.wait_indirect_dma semaphore(%run_scoped3A_294 : memref<!tpu.dma_semaphore, #tpu.memory_space<semaphore_mem>>) src(%dma_wait3A_321 : memref<10000x128xf32, #tpu.memory_space<hbm>>) dst(%dma_wait3A_311 : memref<256x128xf32, #tpu.memory_space<vmem>>)
            tpu.yield
          }) : () -> ()
          "tpu.trace_stop"() : () -> ()
          %ne3A_230 = arith.cmpi ne, %add3A_155, %add3A_173 : i32
          %or3A_231 = arith.constant false
          %or3A_232 = arith.ori %or3A_231, %ne3A_230 : i1
          %or3A_233 = arith.ori %or3A_232, %eq3A_154 : i1
          %convert_element_type3A_234 = arith.extui %or3A_233 : i1 to i32
          %cond3A_235 = arith.constant 0 : i32
          %cond3A_236 = arith.cmpi ne, %convert_element_type3A_234, %cond3A_235 : i32
          scf.if %cond3A_236 {
          } else {
          }
          %and3A_237 = arith.constant false
          %and3A_238 = arith.andi %or3A_233, %and3A_237 : i1
          %ne3A_239 = arith.cmpi ne, %add3A_155, %add3A_173 : i32
          %or3A_240 = arith.constant false
          %or3A_241 = arith.ori %or3A_240, %ne3A_239 : i1
          %or3A_242 = arith.constant false
          %or3A_243 = arith.ori %or3A_241, %or3A_242 : i1
          %or3A_244 = arith.ori %or3A_243, %eq3A_154 : i1
          %convert_element_type3A_245 = arith.extui %or3A_244 : i1 to i32
          %cond3A_246 = arith.constant 0 : i32
          %cond3A_247 = arith.cmpi ne, %convert_element_type3A_245, %cond3A_246 : i32
          scf.if %cond3A_247 {
            "tpu.trace_start"() <{level = 10 : i32, message = "ep_copy_out"}> : () -> ()
            %rem3A_294 = arith.constant 2 : i32
            %rem3A_295 = arith.remui %while3A_145, %rem3A_294 : i32
            %mul3A_296 = arith.constant 256 : i32
            %mul3A_297 = arith.muli %mul3A_296, %add3A_155 : i32
            %dma_start3A_298 = arith.constant 0 : i32
            %dma_start3A_299 = arith.constant 0 : i32
            %dma_start3A_300 = tpu.memref_slice %run_scoped3A_18[%rem3A_295, %dma_start3A_298, %dma_start3A_299] : memref<2x256x128xf32, #tpu.memory_space<vmem>> -> memref<1x256x128xf32, #tpu.memory_space<vmem>>
            %dma_start3A_301 = tpu.memref_squeeze %dma_start3A_300 : memref<1x256x128xf32, #tpu.memory_space<vmem>> -> memref<256x128xf32, #tpu.memory_space<vmem>>
            %dma_start3A_302 = arith.constant 0 : i32
            %dma_start3A_303 = tpu.memref_slice %arg4[%mul3A_297, %dma_start3A_302] : memref<320000x128xf32, #tpu.memory_space<hbm>> -> memref<256x128xf32, #tpu.memory_space<hbm>>
            %dma_start3A_304 = tpu.memref_slice %run_scoped3A_19[%rem3A_295] : memref<2x!tpu.dma_semaphore, #tpu.memory_space<semaphore_mem>> -> memref<1x!tpu.dma_semaphore, #tpu.memory_space<semaphore_mem>>
            %dma_start3A_305 = tpu.memref_squeeze %dma_start3A_304 : memref<1x!tpu.dma_semaphore, #tpu.memory_space<semaphore_mem>> -> memref<!tpu.dma_semaphore, #tpu.memory_space<semaphore_mem>>
            %dma_start3A_306 = arith.constant 0 : i32
            %dma_start3A_307 = tpu.memref_slice %arg4[%mul3A_297, %dma_start3A_306] : memref<320000x128xf32, #tpu.memory_space<hbm>> -> memref<256x128xf32, #tpu.memory_space<hbm>>
            %dma_start3A_308 = arith.constant 0 : i32
            %dma_start3A_309 = arith.constant 0 : i32
            %dma_start3A_310 = tpu.memref_slice %run_scoped3A_18[%rem3A_295, %dma_start3A_308, %dma_start3A_309] : memref<2x256x128xf32, #tpu.memory_space<vmem>> -> memref<1x256x128xf32, #tpu.memory_space<vmem>>
            %dma_start3A_311 = tpu.memref_squeeze %dma_start3A_310 : memref<1x256x128xf32, #tpu.memory_space<vmem>> -> memref<256x128xf32, #tpu.memory_space<vmem>>
            tpu.enqueue_dma source(%dma_start3A_311 : memref<256x128xf32, #tpu.memory_space<vmem>>) target(%dma_start3A_307 : memref<256x128xf32, #tpu.memory_space<hbm>>) target_semaphore(%dma_start3A_305 : memref<!tpu.dma_semaphore, #tpu.memory_space<semaphore_mem>>)
            "tpu.trace_stop"() : () -> ()
          } else {
          }
          %and3A_248 = arith.constant true
          %and3A_249 = arith.andi %or3A_244, %and3A_248 : i1
          %add3A_250 = arith.constant 1 : i32
          %add3A_251 = arith.addi %while3A_145, %add3A_250 : i32
          %select_n3A_252 = arith.select %and3A_249, %add3A_251, %while3A_145 : i32
          %ne3A_253 = arith.cmpi ne, %add3A_155, %add3A_165 : i32
          %or3A_254 = arith.constant false
          %or3A_255 = arith.ori %or3A_254, %ne3A_253 : i1
          %not3A_256 = arith.constant true
          %not3A_257 = arith.xori %eq3A_151, %not3A_256 : i1
          %and3A_258 = arith.andi %or3A_255, %not3A_257 : i1
          %convert_element_type3A_259 = arith.extui %and3A_258 : i1 to i32
          %cond3A_260 = arith.constant 0 : i32
          %cond3A_261 = arith.cmpi ne, %convert_element_type3A_259, %cond3A_260 : i32
          scf.if %cond3A_261 {
          } else {
          }
          %and3A_262 = arith.constant false
          %and3A_263 = arith.andi %and3A_258, %and3A_262 : i1
          %ne3A_264 = arith.cmpi ne, %add3A_155, %add3A_165 : i32
          %or3A_265 = arith.constant false
          %or3A_266 = arith.ori %or3A_265, %ne3A_264 : i1
          %or3A_267 = arith.constant false
          %or3A_268 = arith.ori %or3A_266, %or3A_267 : i1
          %not3A_269 = arith.constant true
          %not3A_270 = arith.xori %eq3A_151, %not3A_269 : i1
          %and3A_271 = arith.andi %or3A_268, %not3A_270 : i1
          %convert_element_type3A_272 = arith.extui %and3A_271 : i1 to i32
          %cond3A_273 = arith.constant 0 : i32
          %cond3A_274 = arith.cmpi ne, %convert_element_type3A_272, %cond3A_273 : i32
          scf.if %cond3A_274 {
            "tpu.trace_start"() <{level = 10 : i32, message = "ep_wait_out"}> : () -> ()
            %rem3A_294 = arith.constant 2 : i32
            %rem3A_295 = arith.remui %while3A_146, %rem3A_294 : i32
            %mul3A_296 = arith.constant 256 : i32
            %mul3A_297 = arith.muli %mul3A_296, %add3A_165 : i32
            %dma_wait3A = arith.constant 0 : i32
            %dma_wait3A_298 = arith.constant 0 : i32
            %dma_wait3A_299 = tpu.memref_slice %run_scoped3A_18[%rem3A_295, %dma_wait3A, %dma_wait3A_298] : memref<2x256x128xf32, #tpu.memory_space<vmem>> -> memref<1x256x128xf32, #tpu.memory_space<vmem>>
            %dma_wait3A_300 = tpu.memref_squeeze %dma_wait3A_299 : memref<1x256x128xf32, #tpu.memory_space<vmem>> -> memref<256x128xf32, #tpu.memory_space<vmem>>
            %dma_wait3A_301 = arith.constant 0 : i32
            %dma_wait3A_302 = tpu.memref_slice %arg4[%mul3A_297, %dma_wait3A_301] : memref<320000x128xf32, #tpu.memory_space<hbm>> -> memref<256x128xf32, #tpu.memory_space<hbm>>
            %dma_wait3A_303 = tpu.memref_slice %run_scoped3A_19[%rem3A_295] : memref<2x!tpu.dma_semaphore, #tpu.memory_space<semaphore_mem>> -> memref<1x!tpu.dma_semaphore, #tpu.memory_space<semaphore_mem>>
            %dma_wait3A_304 = tpu.memref_squeeze %dma_wait3A_303 : memref<1x!tpu.dma_semaphore, #tpu.memory_space<semaphore_mem>> -> memref<!tpu.dma_semaphore, #tpu.memory_space<semaphore_mem>>
            %dma_wait3A_305 = arith.constant 0 : i32
            %dma_wait3A_306 = tpu.memref_slice %arg4[%mul3A_297, %dma_wait3A_305] : memref<320000x128xf32, #tpu.memory_space<hbm>> -> memref<256x128xf32, #tpu.memory_space<hbm>>
            %dma_wait3A_307 = arith.constant 0 : i32
            %dma_wait3A_308 = arith.constant 0 : i32
            %dma_wait3A_309 = tpu.memref_slice %run_scoped3A_18[%rem3A_295, %dma_wait3A_307, %dma_wait3A_308] : memref<2x256x128xf32, #tpu.memory_space<vmem>> -> memref<1x256x128xf32, #tpu.memory_space<vmem>>
            %dma_wait3A_310 = tpu.memref_squeeze %dma_wait3A_309 : memref<1x256x128xf32, #tpu.memory_space<vmem>> -> memref<256x128xf32, #tpu.memory_space<vmem>>
            tpu.wait_dma2 semaphore(%dma_wait3A_304 : memref<!tpu.dma_semaphore, #tpu.memory_space<semaphore_mem>>) src(%dma_wait3A_310 : memref<256x128xf32, #tpu.memory_space<vmem>>) dst(%dma_wait3A_306 : memref<256x128xf32, #tpu.memory_space<hbm>>)
            "tpu.trace_stop"() : () -> ()
          } else {
          }
          %and3A_275 = arith.constant true
          %and3A_276 = arith.andi %and3A_271, %and3A_275 : i1
          %add3A_277 = arith.constant 1 : i32
          %add3A_278 = arith.addi %while3A_146, %add3A_277 : i32
          %select_n3A_279 = arith.select %and3A_276, %add3A_278, %while3A_146 : i32
          %ne3A_280 = arith.cmpi ne, %add3A_155, %add3A_173 : i32
          %or3A_281 = arith.constant false
          %or3A_282 = arith.ori %or3A_281, %ne3A_280 : i1
          %or3A_283 = arith.ori %or3A_282, %eq3A_154 : i1
          %add3A_284 = arith.constant 1 : i32
          %add3A_285 = arith.addi %while3A_144, %add3A_284 : i32
          %select_n3A_286 = arith.select %or3A_283, %add3A_285, %while3A_144 : i32
          %add3A_287 = arith.constant 1 : i32
          %add3A_288 = arith.addi %while3A_147, %add3A_287 : i32
          %select_n3A_289 = arith.constant true
          %select_n3A_290 = arith.select %select_n3A_289, %add3A_288, %while3A_147 : i32
          %eq3A_291 = arith.cmpi eq, %select_n3A_290, %select_n3A : i32
          %select_n3A_292 = arith.constant 0 : i32
          %select_n3A_293 = arith.select %eq3A_291, %select_n3A_292, %select_n3A_290 : i32
          scf.yield %select_n3A_195, %select_n3A_286, %select_n3A_252, %select_n3A_279, %select_n3A_293 : i32, i32, i32, i32, i32
        }
        %while3A_89 = arith.constant 1 : i32
        %while3A_90:5 = scf.for %while3A_142 = %while3A_86 to %while3A_82 step %while3A_89 iter_args(%while3A_143 = %while3A_88#0, %while3A_144 = %while3A_88#1, %while3A_145 = %while3A_88#2, %while3A_146 = %while3A_88#3, %while3A_147 = %while3A_88#4) -> (i32, i32, i32, i32, i32)  : i32 {
          %mul3A_148 = arith.constant 1 : i32
          %mul3A_149 = arith.muli %mul3A_148, %select_n3A : i32
          %eq3A_150 = arith.constant 0 : i32
          %eq3A_151 = arith.cmpi eq, %while3A_142, %eq3A_150 : i32
          %sub3A_152 = arith.constant 1 : i32
          %sub3A_153 = arith.subi %mul3A_149, %sub3A_152 : i32
          %eq3A_154 = arith.cmpi eq, %while3A_142, %sub3A_153 : i32
          %add3A_155 = arith.addi %while3A_147, %select_n3A_14 : i32
          %sub3A_156 = arith.constant 1 : i32
          %sub3A_157 = arith.subi %while3A_147, %sub3A_156 : i32
          %select_n3A_158 = arith.constant true
          %select_n3A_159 = arith.select %select_n3A_158, %sub3A_157, %while3A_147 : i32
          %eq3A_160 = arith.constant -1 : i32
          %eq3A_161 = arith.cmpi eq, %select_n3A_159, %eq3A_160 : i32
          %sub3A_162 = arith.constant 1 : i32
          %sub3A_163 = arith.subi %select_n3A, %sub3A_162 : i32
          %select_n3A_164 = arith.select %eq3A_161, %sub3A_163, %select_n3A_159 : i32
          %add3A_165 = arith.addi %select_n3A_164, %select_n3A_14 : i32
          %add3A_166 = arith.constant 1 : i32
          %add3A_167 = arith.addi %while3A_147, %add3A_166 : i32
          %select_n3A_168 = arith.constant true
          %select_n3A_169 = arith.select %select_n3A_168, %add3A_167, %while3A_147 : i32
          %eq3A_170 = arith.cmpi eq, %select_n3A_169, %select_n3A : i32
          %select_n3A_171 = arith.constant 0 : i32
          %select_n3A_172 = arith.select %eq3A_170, %select_n3A_171, %select_n3A_169 : i32
          %add3A_173 = arith.addi %select_n3A_172, %select_n3A_14 : i32
          %add3A_174 = arith.constant 1 : i32
          %add3A_175 = arith.addi %select_n3A_172, %add3A_174 : i32
          %select_n3A_176 = arith.constant true
          %select_n3A_177 = arith.select %select_n3A_176, %add3A_175, %select_n3A_172 : i32
          %eq3A_178 = arith.cmpi eq, %select_n3A_177, %select_n3A : i32
          %select_n3A_179 = arith.constant 0 : i32
          %select_n3A_180 = arith.select %eq3A_178, %select_n3A_179, %select_n3A_177 : i32
          %add3A_181 = arith.addi %select_n3A_180, %select_n3A_14 : i32
          %ne3A = arith.cmpi ne, %add3A_155, %add3A_173 : i32
          %or3A = arith.constant false
          %or3A_182 = arith.ori %or3A, %ne3A : i1
          %sub3A_183 = arith.constant 2 : i32
          %sub3A_184 = arith.subi %mul3A_149, %sub3A_183 : i32
          %add3A_185 = arith.constant 1 : i32
          %add3A_186 = arith.addi %sub3A_184, %add3A_185 : i32
          %ge3A = arith.cmpi sge, %while3A_142, %add3A_186 : i32
          %not3A = arith.constant true
          %not3A_187 = arith.xori %ge3A, %not3A : i1
          %and3A = arith.andi %or3A_182, %not3A_187 : i1
          %convert_element_type3A_188 = arith.extui %and3A : i1 to i32
          %cond3A_189 = arith.constant 0 : i32
          %cond3A_190 = arith.cmpi ne, %convert_element_type3A_188, %cond3A_189 : i32
          scf.if %cond3A_190 {
            "tpu.trace_start"() <{level = 10 : i32, message = "ep_copy_in"}> : () -> ()
            %rem3A_294 = arith.constant 2 : i32
            %rem3A_295 = arith.remui %while3A_143, %rem3A_294 : i32
            %mul3A_296 = arith.constant 256 : i32
            %mul3A_297 = arith.muli %mul3A_296, %add3A_173 : i32
            %dma_start3A_298 = arith.constant 0 : i32
            %dma_start3A_299 = arith.constant 0 : i32
            %dma_start3A_300 = tpu.memref_slice %run_scoped3A[%rem3A_295, %dma_start3A_298, %dma_start3A_299] : memref<2x1x256xi32, #tpu.memory_space<vmem>> -> memref<1x1x256xi32, #tpu.memory_space<vmem>>
            %dma_start3A_301 = tpu.memref_squeeze %dma_start3A_300 : memref<1x1x256xi32, #tpu.memory_space<vmem>> -> memref<1x256xi32, #tpu.memory_space<vmem>>
            %dma_start3A_302 = arith.constant 0 : i32
            %dma_start3A_303 = tpu.memref_slice %arg3[%dma_start3A_302, %mul3A_297] : memref<1x320000xi32, #tpu.memory_space<hbm>> -> memref<1x256xi32, #tpu.memory_space<hbm>>
            %dma_start3A_304 = tpu.memref_slice %run_scoped3A_17[%rem3A_295] : memref<2x!tpu.dma_semaphore, #tpu.memory_space<semaphore_mem>> -> memref<1x!tpu.dma_semaphore, #tpu.memory_space<semaphore_mem>>
            %dma_start3A_305 = tpu.memref_squeeze %dma_start3A_304 : memref<1x!tpu.dma_semaphore, #tpu.memory_space<semaphore_mem>> -> memref<!tpu.dma_semaphore, #tpu.memory_space<semaphore_mem>>
            %dma_start3A_306 = arith.constant 0 : i32
            %dma_start3A_307 = arith.constant 0 : i32
            %dma_start3A_308 = tpu.memref_slice %run_scoped3A[%rem3A_295, %dma_start3A_306, %dma_start3A_307] : memref<2x1x256xi32, #tpu.memory_space<vmem>> -> memref<1x1x256xi32, #tpu.memory_space<vmem>>
            %dma_start3A_309 = tpu.memref_squeeze %dma_start3A_308 : memref<1x1x256xi32, #tpu.memory_space<vmem>> -> memref<1x256xi32, #tpu.memory_space<vmem>>
            %dma_start3A_310 = arith.constant 0 : i32
            %dma_start3A_311 = tpu.memref_slice %arg3[%dma_start3A_310, %mul3A_297] : memref<1x320000xi32, #tpu.memory_space<hbm>> -> memref<1x256xi32, #tpu.memory_space<hbm>>
            tpu.enqueue_dma source(%dma_start3A_311 : memref<1x256xi32, #tpu.memory_space<hbm>>) target(%dma_start3A_309 : memref<1x256xi32, #tpu.memory_space<vmem>>) target_semaphore(%dma_start3A_305 : memref<!tpu.dma_semaphore, #tpu.memory_space<semaphore_mem>>)
            "tpu.trace_stop"() : () -> ()
          } else {
          }
          %and3A_191 = arith.constant true
          %and3A_192 = arith.andi %and3A, %and3A_191 : i1
          %add3A_193 = arith.constant 1 : i32
          %add3A_194 = arith.addi %while3A_143, %add3A_193 : i32
          %select_n3A_195 = arith.select %and3A_192, %add3A_194, %while3A_143 : i32
          %ne3A_196 = arith.cmpi ne, %add3A_155, %add3A_173 : i32
          %or3A_197 = arith.constant false
          %or3A_198 = arith.ori %or3A_197, %ne3A_196 : i1
          %or3A_199 = arith.constant false
          %or3A_200 = arith.ori %or3A_198, %or3A_199 : i1
          %sub3A_201 = arith.constant 2 : i32
          %sub3A_202 = arith.subi %mul3A_149, %sub3A_201 : i32
          %add3A_203 = arith.constant 1 : i32
          %add3A_204 = arith.addi %sub3A_202, %add3A_203 : i32
          %ge3A_205 = arith.cmpi sge, %while3A_142, %add3A_204 : i32
          %not3A_206 = arith.constant true
          %not3A_207 = arith.xori %ge3A_205, %not3A_206 : i1
          %and3A_208 = arith.andi %or3A_200, %not3A_207 : i1
          %ne3A_209 = arith.cmpi ne, %add3A_155, %add3A_165 : i32
          %or3A_210 = arith.constant false
          %or3A_211 = arith.ori %or3A_210, %ne3A_209 : i1
          %or3A_212 = arith.ori %or3A_211, %eq3A_151 : i1
          %convert_element_type3A_213 = arith.extui %or3A_212 : i1 to i32
          %cond3A_214 = arith.constant 0 : i32
          %cond3A_215 = arith.cmpi ne, %convert_element_type3A_213, %cond3A_214 : i32
          scf.if %cond3A_215 {
            "tpu.trace_start"() <{level = 10 : i32, message = "ep_wait_in"}> : () -> ()
            %mul3A_294 = arith.constant 256 : i32
            %mul3A_295 = arith.muli %mul3A_294, %add3A_155 : i32
            %rem3A_296 = arith.constant 2 : i32
            %rem3A_297 = arith.remui %while3A_144, %rem3A_296 : i32
            %dma_wait3A = arith.constant 0 : i32
            %dma_wait3A_298 = arith.constant 0 : i32
            %dma_wait3A_299 = tpu.memref_slice %run_scoped3A[%rem3A_297, %dma_wait3A, %dma_wait3A_298] : memref<2x1x256xi32, #tpu.memory_space<vmem>> -> memref<1x1x256xi32, #tpu.memory_space<vmem>>
            %dma_wait3A_300 = tpu.memref_squeeze %dma_wait3A_299 : memref<1x1x256xi32, #tpu.memory_space<vmem>> -> memref<1x256xi32, #tpu.memory_space<vmem>>
            %dma_wait3A_301 = arith.constant 0 : i32
            %dma_wait3A_302 = tpu.memref_slice %arg3[%dma_wait3A_301, %mul3A_295] : memref<1x320000xi32, #tpu.memory_space<hbm>> -> memref<1x256xi32, #tpu.memory_space<hbm>>
            %dma_wait3A_303 = tpu.memref_slice %run_scoped3A_17[%rem3A_297] : memref<2x!tpu.dma_semaphore, #tpu.memory_space<semaphore_mem>> -> memref<1x!tpu.dma_semaphore, #tpu.memory_space<semaphore_mem>>
            %dma_wait3A_304 = tpu.memref_squeeze %dma_wait3A_303 : memref<1x!tpu.dma_semaphore, #tpu.memory_space<semaphore_mem>> -> memref<!tpu.dma_semaphore, #tpu.memory_space<semaphore_mem>>
            %dma_wait3A_305 = arith.constant 0 : i32
            %dma_wait3A_306 = arith.constant 0 : i32
            %dma_wait3A_307 = tpu.memref_slice %run_scoped3A[%rem3A_297, %dma_wait3A_305, %dma_wait3A_306] : memref<2x1x256xi32, #tpu.memory_space<vmem>> -> memref<1x1x256xi32, #tpu.memory_space<vmem>>
            %dma_wait3A_308 = tpu.memref_squeeze %dma_wait3A_307 : memref<1x1x256xi32, #tpu.memory_space<vmem>> -> memref<1x256xi32, #tpu.memory_space<vmem>>
            %dma_wait3A_309 = arith.constant 0 : i32
            %dma_wait3A_310 = tpu.memref_slice %arg3[%dma_wait3A_309, %mul3A_295] : memref<1x320000xi32, #tpu.memory_space<hbm>> -> memref<1x256xi32, #tpu.memory_space<hbm>>
            tpu.wait_dma2 semaphore(%dma_wait3A_304 : memref<!tpu.dma_semaphore, #tpu.memory_space<semaphore_mem>>) src(%dma_wait3A_310 : memref<1x256xi32, #tpu.memory_space<hbm>>) dst(%dma_wait3A_308 : memref<1x256xi32, #tpu.memory_space<vmem>>)
            "tpu.trace_stop"() : () -> ()
          } else {
          }
          %ne3A_216 = arith.cmpi ne, %add3A_155, %add3A_165 : i32
          %or3A_217 = arith.constant false
          %or3A_218 = arith.ori %or3A_217, %ne3A_216 : i1
          %or3A_219 = arith.constant false
          %or3A_220 = arith.ori %or3A_218, %or3A_219 : i1
          %or3A_221 = arith.ori %or3A_220, %eq3A_151 : i1
          %convert_element_type3A_222 = arith.extui %or3A_221 : i1 to i32
          %cond3A_223 = arith.constant 0 : i32
          %cond3A_224 = arith.cmpi ne, %convert_element_type3A_222, %cond3A_223 : i32
          scf.if %cond3A_224 {
          } else {
          }
          %rem3A_225 = arith.constant 2 : i32
          %rem3A_226 = arith.remui %while3A_144, %rem3A_225 : i32
          %rem3A_227 = arith.constant 2 : i32
          %rem3A_228 = arith.remui %while3A_145, %rem3A_227 : i32
          %run_scoped3A_229 = arith.constant 0 : i32
          "tpu.trace_start"() <{level = 10 : i32, message = "ep_run_kernel"}> : () -> ()
          "tpu.region"() ({
            %run_scoped3A_294 = tpu.sem_alloc : memref<!tpu.dma_semaphore, #tpu.memory_space<semaphore_mem>>
            %dma_start3A_295 = arith.constant 0 : i32
            %dma_start3A_296 = arith.constant 0 : i32
            %dma_start3A_297 = tpu.memref_slice %run_scoped3A_18[%rem3A_228, %dma_start3A_295, %dma_start3A_296] : memref<2x256x128xf32, #tpu.memory_space<vmem>> -> memref<1x256x128xf32, #tpu.memory_space<vmem>>
            %dma_start3A_298 = tpu.memref_squeeze %dma_start3A_297 : memref<1x256x128xf32, #tpu.memory_space<vmem>> -> memref<256x128xf32, #tpu.memory_space<vmem>>
            %dma_start3A_299 = arith.constant 0 : i32
            %dma_start3A_300 = arith.constant 0 : i32
            %dma_start3A_301 = tpu.memref_slice %run_scoped3A[%rem3A_226, %dma_start3A_299, %dma_start3A_300] : memref<2x1x256xi32, #tpu.memory_space<vmem>> -> memref<1x1x256xi32, #tpu.memory_space<vmem>>
            %dma_start3A_302 = tpu.memref_squeeze %dma_start3A_301 : memref<1x1x256xi32, #tpu.memory_space<vmem>> -> memref<1x256xi32, #tpu.memory_space<vmem>>
            %dma_start3A_303 = arith.constant 0 : i32
            %dma_start3A_304 = tpu.memref_slice %dma_start3A_302[%run_scoped3A_229, %dma_start3A_303] : memref<1x256xi32, #tpu.memory_space<vmem>> -> memref<1x256xi32, #tpu.memory_space<vmem>>
            %dma_start3A_305 = tpu.memref_squeeze %dma_start3A_304 : memref<1x256xi32, #tpu.memory_space<vmem>> -> memref<256xi32, #tpu.memory_space<vmem>>
            %dma_start3A_306 = arith.constant 0 : i32
            %dma_start3A_307 = arith.constant 0 : i32
            %dma_start3A_308 = tpu.memref_slice %arg2[%dma_start3A_306, %dma_start3A_307] : memref<10000x128xf32, #tpu.memory_space<hbm>> -> memref<10000x128xf32, #tpu.memory_space<hbm>>
            tpu.enqueue_indirect_dma source(%dma_start3A_308 : memref<10000x128xf32, #tpu.memory_space<hbm>>) target(%dma_start3A_298 : memref<256x128xf32, #tpu.memory_space<vmem>>) offsets(%dma_start3A_305 : memref<256xi32, #tpu.memory_space<vmem>>) semaphore(%run_scoped3A_294 : memref<!tpu.dma_semaphore, #tpu.memory_space<semaphore_mem>>)
            %dma_wait3A = arith.constant 0 : i32
            %dma_wait3A_309 = arith.constant 0 : i32
            %dma_wait3A_310 = tpu.memref_slice %run_scoped3A_18[%rem3A_228, %dma_wait3A, %dma_wait3A_309] : memref<2x256x128xf32, #tpu.memory_space<vmem>> -> memref<1x256x128xf32, #tpu.memory_space<vmem>>
            %dma_wait3A_311 = tpu.memref_squeeze %dma_wait3A_310 : memref<1x256x128xf32, #tpu.memory_space<vmem>> -> memref<256x128xf32, #tpu.memory_space<vmem>>
            %dma_wait3A_312 = arith.constant 0 : i32
            %dma_wait3A_313 = arith.constant 0 : i32
            %dma_wait3A_314 = tpu.memref_slice %run_scoped3A[%rem3A_226, %dma_wait3A_312, %dma_wait3A_313] : memref<2x1x256xi32, #tpu.memory_space<vmem>> -> memref<1x1x256xi32, #tpu.memory_space<vmem>>
            %dma_wait3A_315 = tpu.memref_squeeze %dma_wait3A_314 : memref<1x1x256xi32, #tpu.memory_space<vmem>> -> memref<1x256xi32, #tpu.memory_space<vmem>>
            %dma_wait3A_316 = arith.constant 0 : i32
            %dma_wait3A_317 = tpu.memref_slice %dma_wait3A_315[%run_scoped3A_229, %dma_wait3A_316] : memref<1x256xi32, #tpu.memory_space<vmem>> -> memref<1x256xi32, #tpu.memory_space<vmem>>
            %dma_wait3A_318 = tpu.memref_squeeze %dma_wait3A_317 : memref<1x256xi32, #tpu.memory_space<vmem>> -> memref<256xi32, #tpu.memory_space<vmem>>
            %dma_wait3A_319 = arith.constant 0 : i32
            %dma_wait3A_320 = arith.constant 0 : i32
            %dma_wait3A_321 = tpu.memref_slice %arg2[%dma_wait3A_319, %dma_wait3A_320] : memref<10000x128xf32, #tpu.memory_space<hbm>> -> memref<10000x128xf32, #tpu.memory_space<hbm>>
            tpu.wait_indirect_dma semaphore(%run_scoped3A_294 : memref<!tpu.dma_semaphore, #tpu.memory_space<semaphore_mem>>) src(%dma_wait3A_321 : memref<10000x128xf32, #tpu.memory_space<hbm>>) dst(%dma_wait3A_311 : memref<256x128xf32, #tpu.memory_space<vmem>>)
            tpu.yield
          }) : () -> ()
          "tpu.trace_stop"() : () -> ()
          %ne3A_230 = arith.cmpi ne, %add3A_155, %add3A_173 : i32
          %or3A_231 = arith.constant false
          %or3A_232 = arith.ori %or3A_231, %ne3A_230 : i1
          %or3A_233 = arith.ori %or3A_232, %eq3A_154 : i1
          %convert_element_type3A_234 = arith.extui %or3A_233 : i1 to i32
          %cond3A_235 = arith.constant 0 : i32
          %cond3A_236 = arith.cmpi ne, %convert_element_type3A_234, %cond3A_235 : i32
          scf.if %cond3A_236 {
          } else {
          }
          %and3A_237 = arith.constant false
          %and3A_238 = arith.andi %or3A_233, %and3A_237 : i1
          %ne3A_239 = arith.cmpi ne, %add3A_155, %add3A_173 : i32
          %or3A_240 = arith.constant false
          %or3A_241 = arith.ori %or3A_240, %ne3A_239 : i1
          %or3A_242 = arith.constant false
          %or3A_243 = arith.ori %or3A_241, %or3A_242 : i1
          %or3A_244 = arith.ori %or3A_243, %eq3A_154 : i1
          %convert_element_type3A_245 = arith.extui %or3A_244 : i1 to i32
          %cond3A_246 = arith.constant 0 : i32
          %cond3A_247 = arith.cmpi ne, %convert_element_type3A_245, %cond3A_246 : i32
          scf.if %cond3A_247 {
            "tpu.trace_start"() <{level = 10 : i32, message = "ep_copy_out"}> : () -> ()
            %rem3A_294 = arith.constant 2 : i32
            %rem3A_295 = arith.remui %while3A_145, %rem3A_294 : i32
            %mul3A_296 = arith.constant 256 : i32
            %mul3A_297 = arith.muli %mul3A_296, %add3A_155 : i32
            %dma_start3A_298 = arith.constant 0 : i32
            %dma_start3A_299 = arith.constant 0 : i32
            %dma_start3A_300 = tpu.memref_slice %run_scoped3A_18[%rem3A_295, %dma_start3A_298, %dma_start3A_299] : memref<2x256x128xf32, #tpu.memory_space<vmem>> -> memref<1x256x128xf32, #tpu.memory_space<vmem>>
            %dma_start3A_301 = tpu.memref_squeeze %dma_start3A_300 : memref<1x256x128xf32, #tpu.memory_space<vmem>> -> memref<256x128xf32, #tpu.memory_space<vmem>>
            %dma_start3A_302 = arith.constant 0 : i32
            %dma_start3A_303 = tpu.memref_slice %arg4[%mul3A_297, %dma_start3A_302] : memref<320000x128xf32, #tpu.memory_space<hbm>> -> memref<256x128xf32, #tpu.memory_space<hbm>>
            %dma_start3A_304 = tpu.memref_slice %run_scoped3A_19[%rem3A_295] : memref<2x!tpu.dma_semaphore, #tpu.memory_space<semaphore_mem>> -> memref<1x!tpu.dma_semaphore, #tpu.memory_space<semaphore_mem>>
            %dma_start3A_305 = tpu.memref_squeeze %dma_start3A_304 : memref<1x!tpu.dma_semaphore, #tpu.memory_space<semaphore_mem>> -> memref<!tpu.dma_semaphore, #tpu.memory_space<semaphore_mem>>
            %dma_start3A_306 = arith.constant 0 : i32
            %dma_start3A_307 = tpu.memref_slice %arg4[%mul3A_297, %dma_start3A_306] : memref<320000x128xf32, #tpu.memory_space<hbm>> -> memref<256x128xf32, #tpu.memory_space<hbm>>
            %dma_start3A_308 = arith.constant 0 : i32
            %dma_start3A_309 = arith.constant 0 : i32
            %dma_start3A_310 = tpu.memref_slice %run_scoped3A_18[%rem3A_295, %dma_start3A_308, %dma_start3A_309] : memref<2x256x128xf32, #tpu.memory_space<vmem>> -> memref<1x256x128xf32, #tpu.memory_space<vmem>>
            %dma_start3A_311 = tpu.memref_squeeze %dma_start3A_310 : memref<1x256x128xf32, #tpu.memory_space<vmem>> -> memref<256x128xf32, #tpu.memory_space<vmem>>
            tpu.enqueue_dma source(%dma_start3A_311 : memref<256x128xf32, #tpu.memory_space<vmem>>) target(%dma_start3A_307 : memref<256x128xf32, #tpu.memory_space<hbm>>) target_semaphore(%dma_start3A_305 : memref<!tpu.dma_semaphore, #tpu.memory_space<semaphore_mem>>)
            "tpu.trace_stop"() : () -> ()
          } else {
          }
          %and3A_248 = arith.constant true
          %and3A_249 = arith.andi %or3A_244, %and3A_248 : i1
          %add3A_250 = arith.constant 1 : i32
          %add3A_251 = arith.addi %while3A_145, %add3A_250 : i32
          %select_n3A_252 = arith.select %and3A_249, %add3A_251, %while3A_145 : i32
          %ne3A_253 = arith.cmpi ne, %add3A_155, %add3A_165 : i32
          %or3A_254 = arith.constant false
          %or3A_255 = arith.ori %or3A_254, %ne3A_253 : i1
          %not3A_256 = arith.constant true
          %not3A_257 = arith.xori %eq3A_151, %not3A_256 : i1
          %and3A_258 = arith.andi %or3A_255, %not3A_257 : i1
          %convert_element_type3A_259 = arith.extui %and3A_258 : i1 to i32
          %cond3A_260 = arith.constant 0 : i32
          %cond3A_261 = arith.cmpi ne, %convert_element_type3A_259, %cond3A_260 : i32
          scf.if %cond3A_261 {
          } else {
          }
          %and3A_262 = arith.constant false
          %and3A_263 = arith.andi %and3A_258, %and3A_262 : i1
          %ne3A_264 = arith.cmpi ne, %add3A_155, %add3A_165 : i32
          %or3A_265 = arith.constant false
          %or3A_266 = arith.ori %or3A_265, %ne3A_264 : i1
          %or3A_267 = arith.constant false
          %or3A_268 = arith.ori %or3A_266, %or3A_267 : i1
          %not3A_269 = arith.constant true
          %not3A_270 = arith.xori %eq3A_151, %not3A_269 : i1
          %and3A_271 = arith.andi %or3A_268, %not3A_270 : i1
          %convert_element_type3A_272 = arith.extui %and3A_271 : i1 to i32
          %cond3A_273 = arith.constant 0 : i32
          %cond3A_274 = arith.cmpi ne, %convert_element_type3A_272, %cond3A_273 : i32
          scf.if %cond3A_274 {
            "tpu.trace_start"() <{level = 10 : i32, message = "ep_wait_out"}> : () -> ()
            %rem3A_294 = arith.constant 2 : i32
            %rem3A_295 = arith.remui %while3A_146, %rem3A_294 : i32
            %mul3A_296 = arith.constant 256 : i32
            %mul3A_297 = arith.muli %mul3A_296, %add3A_165 : i32
            %dma_wait3A = arith.constant 0 : i32
            %dma_wait3A_298 = arith.constant 0 : i32
            %dma_wait3A_299 = tpu.memref_slice %run_scoped3A_18[%rem3A_295, %dma_wait3A, %dma_wait3A_298] : memref<2x256x128xf32, #tpu.memory_space<vmem>> -> memref<1x256x128xf32, #tpu.memory_space<vmem>>
            %dma_wait3A_300 = tpu.memref_squeeze %dma_wait3A_299 : memref<1x256x128xf32, #tpu.memory_space<vmem>> -> memref<256x128xf32, #tpu.memory_space<vmem>>
            %dma_wait3A_301 = arith.constant 0 : i32
            %dma_wait3A_302 = tpu.memref_slice %arg4[%mul3A_297, %dma_wait3A_301] : memref<320000x128xf32, #tpu.memory_space<hbm>> -> memref<256x128xf32, #tpu.memory_space<hbm>>
            %dma_wait3A_303 = tpu.memref_slice %run_scoped3A_19[%rem3A_295] : memref<2x!tpu.dma_semaphore, #tpu.memory_space<semaphore_mem>> -> memref<1x!tpu.dma_semaphore, #tpu.memory_space<semaphore_mem>>
            %dma_wait3A_304 = tpu.memref_squeeze %dma_wait3A_303 : memref<1x!tpu.dma_semaphore, #tpu.memory_space<semaphore_mem>> -> memref<!tpu.dma_semaphore, #tpu.memory_space<semaphore_mem>>
            %dma_wait3A_305 = arith.constant 0 : i32
            %dma_wait3A_306 = tpu.memref_slice %arg4[%mul3A_297, %dma_wait3A_305] : memref<320000x128xf32, #tpu.memory_space<hbm>> -> memref<256x128xf32, #tpu.memory_space<hbm>>
            %dma_wait3A_307 = arith.constant 0 : i32
            %dma_wait3A_308 = arith.constant 0 : i32
            %dma_wait3A_309 = tpu.memref_slice %run_scoped3A_18[%rem3A_295, %dma_wait3A_307, %dma_wait3A_308] : memref<2x256x128xf32, #tpu.memory_space<vmem>> -> memref<1x256x128xf32, #tpu.memory_space<vmem>>
            %dma_wait3A_310 = tpu.memref_squeeze %dma_wait3A_309 : memref<1x256x128xf32, #tpu.memory_space<vmem>> -> memref<256x128xf32, #tpu.memory_space<vmem>>
            tpu.wait_dma2 semaphore(%dma_wait3A_304 : memref<!tpu.dma_semaphore, #tpu.memory_space<semaphore_mem>>) src(%dma_wait3A_310 : memref<256x128xf32, #tpu.memory_space<vmem>>) dst(%dma_wait3A_306 : memref<256x128xf32, #tpu.memory_space<hbm>>)
            "tpu.trace_stop"() : () -> ()
          } else {
          }
          %and3A_275 = arith.constant true
          %and3A_276 = arith.andi %and3A_271, %and3A_275 : i1
          %add3A_277 = arith.constant 1 : i32
          %add3A_278 = arith.addi %while3A_146, %add3A_277 : i32
          %select_n3A_279 = arith.select %and3A_276, %add3A_278, %while3A_146 : i32
          %ne3A_280 = arith.cmpi ne, %add3A_155, %add3A_173 : i32
          %or3A_281 = arith.constant false
          %or3A_282 = arith.ori %or3A_281, %ne3A_280 : i1
          %or3A_283 = arith.ori %or3A_282, %eq3A_154 : i1
          %add3A_284 = arith.constant 1 : i32
          %add3A_285 = arith.addi %while3A_144, %add3A_284 : i32
          %select_n3A_286 = arith.select %or3A_283, %add3A_285, %while3A_144 : i32
          %add3A_287 = arith.constant 1 : i32
          %add3A_288 = arith.addi %while3A_147, %add3A_287 : i32
          %select_n3A_289 = arith.constant true
          %select_n3A_290 = arith.select %select_n3A_289, %add3A_288, %while3A_147 : i32
          %eq3A_291 = arith.cmpi eq, %select_n3A_290, %select_n3A : i32
          %select_n3A_292 = arith.constant 0 : i32
          %select_n3A_293 = arith.select %eq3A_291, %select_n3A_292, %select_n3A_290 : i32
          scf.yield %select_n3A_195, %select_n3A_286, %select_n3A_252, %select_n3A_279, %select_n3A_293 : i32, i32, i32, i32, i32
        }
        %sub3A_91 = arith.constant 1 : i32
        %sub3A_92 = arith.subi %while3A_90#4, %sub3A_91 : i32
        %select_n3A_93 = arith.constant true
        %select_n3A_94 = arith.select %select_n3A_93, %sub3A_92, %while3A_90#4 : i32
        %eq3A_95 = arith.constant -1 : i32
        %eq3A_96 = arith.cmpi eq, %select_n3A_94, %eq3A_95 : i32
        %sub3A_97 = arith.constant 1 : i32
        %sub3A_98 = arith.subi %select_n3A, %sub3A_97 : i32
        %select_n3A_99 = arith.select %eq3A_96, %sub3A_98, %select_n3A_94 : i32
        %sub3A_100 = arith.constant 1 : i32
        %sub3A_101 = arith.subi %mul3A_16, %sub3A_100 : i32
        %mul3A_102 = arith.constant 1 : i32
        %mul3A_103 = arith.muli %mul3A_102, %select_n3A : i32
        %eq3A_104 = arith.constant 0 : i32
        %eq3A_105 = arith.cmpi eq, %sub3A_101, %eq3A_104 : i32
        %sub3A_106 = arith.constant 1 : i32
        %sub3A_107 = arith.subi %mul3A_103, %sub3A_106 : i32
        %eq3A_108 = arith.cmpi eq, %sub3A_101, %sub3A_107 : i32
        %add3A_109 = arith.addi %select_n3A_99, %select_n3A_14 : i32
        %sub3A_110 = arith.constant 1 : i32
        %sub3A_111 = arith.subi %select_n3A_99, %sub3A_110 : i32
        %select_n3A_112 = arith.constant true
        %select_n3A_113 = arith.select %select_n3A_112, %sub3A_111, %select_n3A_99 : i32
        %eq3A_114 = arith.constant -1 : i32
        %eq3A_115 = arith.cmpi eq, %select_n3A_113, %eq3A_114 : i32
        %sub3A_116 = arith.constant 1 : i32
        %sub3A_117 = arith.subi %select_n3A, %sub3A_116 : i32
        %select_n3A_118 = arith.select %eq3A_115, %sub3A_117, %select_n3A_113 : i32
        %add3A_119 = arith.addi %select_n3A_118, %select_n3A_14 : i32
        %add3A_120 = arith.constant 1 : i32
        %add3A_121 = arith.addi %select_n3A_99, %add3A_120 : i32
        %select_n3A_122 = arith.constant true
        %select_n3A_123 = arith.select %select_n3A_122, %add3A_121, %select_n3A_99 : i32
        %eq3A_124 = arith.cmpi eq, %select_n3A_123, %select_n3A : i32
        %select_n3A_125 = arith.constant 0 : i32
        %select_n3A_126 = arith.select %eq3A_124, %select_n3A_125, %select_n3A_123 : i32
        %add3A_127 = arith.addi %select_n3A_126, %select_n3A_14 : i32
        %add3A_128 = arith.constant 1 : i32
        %add3A_129 = arith.addi %select_n3A_126, %add3A_128 : i32
        %select_n3A_130 = arith.constant true
        %select_n3A_131 = arith.select %select_n3A_130, %add3A_129, %select_n3A_126 : i32
        %eq3A_132 = arith.cmpi eq, %select_n3A_131, %select_n3A : i32
        %select_n3A_133 = arith.constant 0 : i32
        %select_n3A_134 = arith.select %eq3A_132, %select_n3A_133, %select_n3A_131 : i32
        %add3A_135 = arith.addi %select_n3A_134, %select_n3A_14 : i32
        %convert_element_type3A_136 = arith.extui %eq3A_108 : i1 to i32
        %cond3A_137 = arith.constant 0 : i32
        %cond3A_138 = arith.cmpi ne, %convert_element_type3A_136, %cond3A_137 : i32
        scf.if %cond3A_138 {
        } else {
        }
        %convert_element_type3A_139 = arith.extui %eq3A_108 : i1 to i32
        %cond3A_140 = arith.constant 0 : i32
        %cond3A_141 = arith.cmpi ne, %convert_element_type3A_139, %cond3A_140 : i32
        scf.if %cond3A_141 {
          "tpu.trace_start"() <{level = 10 : i32, message = "ep_finalize"}> : () -> ()
          %rem3A_142 = arith.constant 2 : i32
          %rem3A_143 = arith.remui %while3A_90#3, %rem3A_142 : i32
          %mul3A_144 = arith.constant 256 : i32
          %mul3A_145 = arith.muli %mul3A_144, %add3A_109 : i32
          %dma_wait3A = arith.constant 0 : i32
          %dma_wait3A_146 = arith.constant 0 : i32
          %dma_wait3A_147 = tpu.memref_slice %run_scoped3A_18[%rem3A_143, %dma_wait3A, %dma_wait3A_146] : memref<2x256x128xf32, #tpu.memory_space<vmem>> -> memref<1x256x128xf32, #tpu.memory_space<vmem>>
          %dma_wait3A_148 = tpu.memref_squeeze %dma_wait3A_147 : memref<1x256x128xf32, #tpu.memory_space<vmem>> -> memref<256x128xf32, #tpu.memory_space<vmem>>
          %dma_wait3A_149 = arith.constant 0 : i32
          %dma_wait3A_150 = tpu.memref_slice %arg4[%mul3A_145, %dma_wait3A_149] : memref<320000x128xf32, #tpu.memory_space<hbm>> -> memref<256x128xf32, #tpu.memory_space<hbm>>
          %dma_wait3A_151 = tpu.memref_slice %run_scoped3A_19[%rem3A_143] : memref<2x!tpu.dma_semaphore, #tpu.memory_space<semaphore_mem>> -> memref<1x!tpu.dma_semaphore, #tpu.memory_space<semaphore_mem>>
          %dma_wait3A_152 = tpu.memref_squeeze %dma_wait3A_151 : memref<1x!tpu.dma_semaphore, #tpu.memory_space<semaphore_mem>> -> memref<!tpu.dma_semaphore, #tpu.memory_space<semaphore_mem>>
          %dma_wait3A_153 = arith.constant 0 : i32
          %dma_wait3A_154 = tpu.memref_slice %arg4[%mul3A_145, %dma_wait3A_153] : memref<320000x128xf32, #tpu.memory_space<hbm>> -> memref<256x128xf32, #tpu.memory_space<hbm>>
          %dma_wait3A_155 = arith.constant 0 : i32
          %dma_wait3A_156 = arith.constant 0 : i32
          %dma_wait3A_157 = tpu.memref_slice %run_scoped3A_18[%rem3A_143, %dma_wait3A_155, %dma_wait3A_156] : memref<2x256x128xf32, #tpu.memory_space<vmem>> -> memref<1x256x128xf32, #tpu.memory_space<vmem>>
          %dma_wait3A_158 = tpu.memref_squeeze %dma_wait3A_157 : memref<1x256x128xf32, #tpu.memory_space<vmem>> -> memref<256x128xf32, #tpu.memory_space<vmem>>
          tpu.wait_dma2 semaphore(%dma_wait3A_152 : memref<!tpu.dma_semaphore, #tpu.memory_space<semaphore_mem>>) src(%dma_wait3A_158 : memref<256x128xf32, #tpu.memory_space<vmem>>) dst(%dma_wait3A_154 : memref<256x128xf32, #tpu.memory_space<hbm>>)
          "tpu.trace_stop"() : () -> ()
        } else {
        }
      } else {
      }
      tpu.yield
    }) : () -> ()
    return
  }
}

module attributes {stable_mosaic.version = 14 : i64} {
  func.func @_k1_body(%arg0: i32, %arg1: memref<1000x128xf32, #tpu.memory_space<vmem>>, %arg2: memref<128x256xf32, #tpu.memory_space<vmem>>, %arg3: memref<1x256xf32, #tpu.memory_space<vmem>>, %arg4: memref<256x128xf32, #tpu.memory_space<vmem>>, %arg5: memref<1x128xf32, #tpu.memory_space<vmem>>, %arg6: memref<1000x128xf32, #tpu.memory_space<vmem>>) attributes {dimension_semantics = [#tpu.dimension_semantics<arbitrary>], iteration_bounds = array<i64: 10>, scalar_prefetch = 0 : i64, scratch_operands = 0 : i64, tpu.core_type = #tpu.core_type<tc>, window_params = [{transform_indices = @transform_0, window_bounds = array<i64: 1000, 128>}, {pipeline_mode = #tpu.pipeline_mode<synchronous>, transform_indices = @transform_1, window_bounds = array<i64: 128, 256>}, {pipeline_mode = #tpu.pipeline_mode<synchronous>, transform_indices = @transform_2, window_bounds = array<i64: 1, 256>}, {pipeline_mode = #tpu.pipeline_mode<synchronous>, transform_indices = @transform_3, window_bounds = array<i64: 256, 128>}, {pipeline_mode = #tpu.pipeline_mode<synchronous>, transform_indices = @transform_4, window_bounds = array<i64: 1, 128>}, {transform_indices = @transform_5, window_bounds = array<i64: 1000, 128>}]} {
    %get3A = arith.constant 0 : index
    %get3A_0 = arith.constant 0 : index
    %get3A_1 = vector.load %arg1[%get3A, %get3A_0] : memref<1000x128xf32, #tpu.memory_space<vmem>>, vector<1000x128xf32>
    %get3A_2 = arith.constant 0 : index
    %get3A_3 = arith.constant 0 : index
    %get3A_4 = vector.load %arg2[%get3A_2, %get3A_3] : memref<128x256xf32, #tpu.memory_space<vmem>>, vector<128x256xf32>
    %dot_general3A = arith.constant dense<0.000000e+00> : vector<1000x256xf32>
    %dot_general3A_5 = tpu.matmul %get3A_1, %get3A_4, %dot_general3A {dimension_numbers = #tpu.dot_dimension_numbers<[1], [0], [0], [1], [0, 0, 1, 1], [], []>, transpose_lhs_hint = false} : vector<1000x128xf32>, vector<128x256xf32>, vector<1000x256xf32> -> vector<1000x256xf32>
    %get3A_6 = arith.constant 0 : index
    %get3A_7 = arith.constant 0 : index
    %get3A_8 = vector.load %arg3[%get3A_6, %get3A_7] : memref<1x256xf32, #tpu.memory_space<vmem>>, vector<1x256xf32>
    %add3A = vector.broadcast %get3A_8 : vector<1x256xf32> to vector<1000x256xf32>
    %add3A_9 = arith.addf %dot_general3A_5, %add3A : vector<1000x256xf32>
    %custom_jvp_call3A = arith.constant 0.000000e+00 : f32
    %max3A = vector.broadcast %custom_jvp_call3A : f32 to vector<1000x256xf32>
    %max3A_10 = arith.maximumf %add3A_9, %max3A : vector<1000x256xf32>
    %sub3A = vector.broadcast %custom_jvp_call3A : f32 to vector<1000x256xf32>
    %sub3A_11 = arith.subf %add3A_9, %sub3A : vector<1000x256xf32>
    %ne3A = arith.cmpf one, %sub3A_11, %sub3A_11 : vector<1000x256xf32>
    %add3A_12 = vector.broadcast %custom_jvp_call3A : f32 to vector<1000x256xf32>
    %add3A_13 = arith.addf %add3A_9, %add3A_12 : vector<1000x256xf32>
    %abs3A = math.absf %sub3A_11 : vector<1000x256xf32>
    %neg3A = arith.constant 0.000000e+00 : f32
    %neg3A_14 = vector.broadcast %neg3A : f32 to vector<1000x256xf32>
    %neg3A_15 = arith.subf %neg3A_14, %abs3A : vector<1000x256xf32>
    %exp3A = math.exp %neg3A_15 : vector<1000x256xf32>
    %log1p3A = math.log1p %exp3A : vector<1000x256xf32>
    %add3A_16 = arith.addf %max3A_10, %log1p3A : vector<1000x256xf32>
    %select_n3A = arith.select %ne3A, %add3A_13, %add3A_16 : vector<1000x256xi1>, vector<1000x256xf32>
    %sub3A_17 = arith.constant 0.693147182 : f32
    %sub3A_18 = vector.broadcast %sub3A_17 : f32 to vector<1000x256xf32>
    %sub3A_19 = arith.subf %select_n3A, %sub3A_18 : vector<1000x256xf32>
    %get3A_20 = arith.constant 0 : index
    %get3A_21 = arith.constant 0 : index
    %get3A_22 = vector.load %arg4[%get3A_20, %get3A_21] : memref<256x128xf32, #tpu.memory_space<vmem>>, vector<256x128xf32>
    %dot_general3A_23 = arith.constant dense<0.000000e+00> : vector<1000x128xf32>
    %dot_general3A_24 = tpu.matmul %sub3A_19, %get3A_22, %dot_general3A_23 {dimension_numbers = #tpu.dot_dimension_numbers<[1], [0], [0], [1], [0, 0, 1, 1], [], []>, transpose_lhs_hint = false} : vector<1000x256xf32>, vector<256x128xf32>, vector<1000x128xf32> -> vector<1000x128xf32>
    %get3A_25 = arith.constant 0 : index
    %get3A_26 = arith.constant 0 : index
    %get3A_27 = vector.load %arg5[%get3A_25, %get3A_26] : memref<1x128xf32, #tpu.memory_space<vmem>>, vector<1x128xf32>
    %add3A_28 = vector.broadcast %get3A_27 : vector<1x128xf32> to vector<1000x128xf32>
    %add3A_29 = arith.addf %dot_general3A_24, %add3A_28 : vector<1000x128xf32>
    %custom_jvp_call3A_30 = arith.constant 0.000000e+00 : f32
    %max3A_31 = vector.broadcast %custom_jvp_call3A_30 : f32 to vector<1000x128xf32>
    %max3A_32 = arith.maximumf %add3A_29, %max3A_31 : vector<1000x128xf32>
    %sub3A_33 = vector.broadcast %custom_jvp_call3A_30 : f32 to vector<1000x128xf32>
    %sub3A_34 = arith.subf %add3A_29, %sub3A_33 : vector<1000x128xf32>
    %ne3A_35 = arith.cmpf one, %sub3A_34, %sub3A_34 : vector<1000x128xf32>
    %add3A_36 = vector.broadcast %custom_jvp_call3A_30 : f32 to vector<1000x128xf32>
    %add3A_37 = arith.addf %add3A_29, %add3A_36 : vector<1000x128xf32>
    %abs3A_38 = math.absf %sub3A_34 : vector<1000x128xf32>
    %neg3A_39 = arith.constant 0.000000e+00 : f32
    %neg3A_40 = vector.broadcast %neg3A_39 : f32 to vector<1000x128xf32>
    %neg3A_41 = arith.subf %neg3A_40, %abs3A_38 : vector<1000x128xf32>
    %exp3A_42 = math.exp %neg3A_41 : vector<1000x128xf32>
    %log1p3A_43 = math.log1p %exp3A_42 : vector<1000x128xf32>
    %add3A_44 = arith.addf %max3A_32, %log1p3A_43 : vector<1000x128xf32>
    %select_n3A_45 = arith.select %ne3A_35, %add3A_37, %add3A_44 : vector<1000x128xi1>, vector<1000x128xf32>
    %sub3A_46 = arith.constant 0.693147182 : f32
    %sub3A_47 = vector.broadcast %sub3A_46 : f32 to vector<1000x128xf32>
    %sub3A_48 = arith.subf %select_n3A_45, %sub3A_47 : vector<1000x128xf32>
    %swap3A = arith.constant 0 : index
    %swap3A_49 = arith.constant 0 : index
    %swap3A_50 = vector.load %arg6[%swap3A, %swap3A_49] : memref<1000x128xf32, #tpu.memory_space<vmem>>, vector<1000x128xf32>
    tpu.vector_store %arg6[%swap3A, %swap3A_49], %sub3A_48 {strides = array<i32>} : memref<1000x128xf32, #tpu.memory_space<vmem>>, vector<1000x128xf32>,
    return
  }
  func.func @transform_0(%arg0: i32) -> (i32, i32) {
    %c0_i32 = arith.constant 0 : i32
    %c0_i32_0 = arith.constant 0 : i32
    return %arg0, %c0_i32 : i32, i32
  }
  func.func @transform_1(%arg0: i32) -> (i32, i32) {
    %c0_i32 = arith.constant 0 : i32
    %c0_i32_0 = arith.constant 0 : i32
    %c0_i32_1 = arith.constant 0 : i32
    return %c0_i32, %c0_i32_0 : i32, i32
  }
  func.func @transform_2(%arg0: i32) -> (i32, i32) {
    %c0_i32 = arith.constant 0 : i32
    %c0_i32_0 = arith.constant 0 : i32
    %c0_i32_1 = arith.constant 0 : i32
    return %c0_i32, %c0_i32_0 : i32, i32
  }
  func.func @transform_3(%arg0: i32) -> (i32, i32) {
    %c0_i32 = arith.constant 0 : i32
    %c0_i32_0 = arith.constant 0 : i32
    %c0_i32_1 = arith.constant 0 : i32
    return %c0_i32, %c0_i32_0 : i32, i32
  }
  func.func @transform_4(%arg0: i32) -> (i32, i32) {
    %c0_i32 = arith.constant 0 : i32
    %c0_i32_0 = arith.constant 0 : i32
    %c0_i32_1 = arith.constant 0 : i32
    return %c0_i32, %c0_i32_0 : i32, i32
  }
  func.func @transform_5(%arg0: i32) -> (i32, i32) {
    %c0_i32 = arith.constant 0 : i32
    %c0_i32_0 = arith.constant 0 : i32
    return %arg0, %c0_i32 : i32, i32
  }
}

module attributes {stable_mosaic.version = 14 : i64} {
  func.func @_k0_body(%arg0: memref<128x128xf32, #tpu.memory_space<vmem>>, %arg1: memref<128x256xf32, #tpu.memory_space<vmem>>, %arg2: memref<1x256xf32, #tpu.memory_space<vmem>>, %arg3: memref<256x128xf32, #tpu.memory_space<vmem>>, %arg4: memref<1x128xf32, #tpu.memory_space<vmem>>, %arg5: memref<128x256xf32, #tpu.memory_space<vmem>>, %arg6: memref<128x256xf32, #tpu.memory_space<vmem>>, %arg7: memref<128x128xf32, #tpu.memory_space<vmem>>, %arg8: memref<128x256xf32, #tpu.memory_space<vmem>>, %arg9: memref<128x256xf32, #tpu.memory_space<vmem>>) attributes {dimension_semantics = [], scalar_prefetch = 0 : i64, scratch_operands = 0 : i64, tpu.core_type = #tpu.core_type<tc>} {
    %get3A = arith.constant 0 : index
    %get3A_0 = arith.constant 0 : index
    %get3A_1 = vector.load %arg0[%get3A, %get3A_0] : memref<128x128xf32, #tpu.memory_space<vmem>>, vector<128x128xf32>
    %get3A_2 = arith.constant 0 : index
    %get3A_3 = arith.constant 0 : index
    %get3A_4 = vector.load %arg1[%get3A_2, %get3A_3] : memref<128x256xf32, #tpu.memory_space<vmem>>, vector<128x256xf32>
    %dot_general3A = arith.constant dense<0.000000e+00> : vector<128x256xf32>
    %dot_general3A_5 = tpu.matmul %get3A_1, %get3A_4, %dot_general3A {dimension_numbers = #tpu.dot_dimension_numbers<[1], [0], [0], [1], [0, 0, 1, 1], [], []>, transpose_lhs_hint = false} : vector<128x128xf32>, vector<128x256xf32>, vector<128x256xf32> -> vector<128x256xf32>
    %get3A_6 = arith.constant 0 : index
    %get3A_7 = arith.constant 0 : index
    %get3A_8 = vector.load %arg2[%get3A_6, %get3A_7] : memref<1x256xf32, #tpu.memory_space<vmem>>, vector<1x256xf32>
    %add3A = vector.broadcast %get3A_8 : vector<1x256xf32> to vector<128x256xf32>
    %add3A_9 = arith.addf %dot_general3A_5, %add3A : vector<128x256xf32>
    %custom_jvp_call3A = arith.constant 0.000000e+00 : f32
    %max3A = vector.broadcast %custom_jvp_call3A : f32 to vector<128x256xf32>
    %max3A_10 = arith.maximumf %add3A_9, %max3A : vector<128x256xf32>
    %sub3A = vector.broadcast %custom_jvp_call3A : f32 to vector<128x256xf32>
    %sub3A_11 = arith.subf %add3A_9, %sub3A : vector<128x256xf32>
    %ne3A = arith.cmpf one, %sub3A_11, %sub3A_11 : vector<128x256xf32>
    %add3A_12 = vector.broadcast %custom_jvp_call3A : f32 to vector<128x256xf32>
    %add3A_13 = arith.addf %add3A_9, %add3A_12 : vector<128x256xf32>
    %abs3A = math.absf %sub3A_11 : vector<128x256xf32>
    %neg3A = arith.constant 0.000000e+00 : f32
    %neg3A_14 = vector.broadcast %neg3A : f32 to vector<128x256xf32>
    %neg3A_15 = arith.subf %neg3A_14, %abs3A : vector<128x256xf32>
    %exp3A = math.exp %neg3A_15 : vector<128x256xf32>
    %log1p3A = math.log1p %exp3A : vector<128x256xf32>
    %add3A_16 = arith.addf %max3A_10, %log1p3A : vector<128x256xf32>
    %select_n3A = arith.select %ne3A, %add3A_13, %add3A_16 : vector<128x256xi1>, vector<128x256xf32>
    %sub3A_17 = arith.constant 0.693147182 : f32
    %sub3A_18 = vector.broadcast %sub3A_17 : f32 to vector<128x256xf32>
    %sub3A_19 = arith.subf %select_n3A, %sub3A_18 : vector<128x256xf32>
    %get3A_20 = arith.constant 0 : index
    %get3A_21 = arith.constant 0 : index
    %get3A_22 = vector.load %arg3[%get3A_20, %get3A_21] : memref<256x128xf32, #tpu.memory_space<vmem>>, vector<256x128xf32>
    %dot_general3A_23 = arith.constant dense<0.000000e+00> : vector<128x128xf32>
    %dot_general3A_24 = tpu.matmul %sub3A_19, %get3A_22, %dot_general3A_23 {dimension_numbers = #tpu.dot_dimension_numbers<[1], [0], [0], [1], [0, 0, 1, 1], [], []>, transpose_lhs_hint = false} : vector<128x256xf32>, vector<256x128xf32>, vector<128x128xf32> -> vector<128x128xf32>
    %get3A_25 = arith.constant 0 : index
    %get3A_26 = arith.constant 0 : index
    %get3A_27 = vector.load %arg4[%get3A_25, %get3A_26] : memref<1x128xf32, #tpu.memory_space<vmem>>, vector<1x128xf32>
    %add3A_28 = vector.broadcast %get3A_27 : vector<1x128xf32> to vector<128x128xf32>
    %add3A_29 = arith.addf %dot_general3A_24, %add3A_28 : vector<128x128xf32>
    %custom_jvp_call3A_30 = arith.constant 0.000000e+00 : f32
    %max3A_31 = vector.broadcast %custom_jvp_call3A_30 : f32 to vector<128x128xf32>
    %max3A_32 = arith.maximumf %add3A_29, %max3A_31 : vector<128x128xf32>
    %sub3A_33 = vector.broadcast %custom_jvp_call3A_30 : f32 to vector<128x128xf32>
    %sub3A_34 = arith.subf %add3A_29, %sub3A_33 : vector<128x128xf32>
    %ne3A_35 = arith.cmpf one, %sub3A_34, %sub3A_34 : vector<128x128xf32>
    %add3A_36 = vector.broadcast %custom_jvp_call3A_30 : f32 to vector<128x128xf32>
    %add3A_37 = arith.addf %add3A_29, %add3A_36 : vector<128x128xf32>
    %abs3A_38 = math.absf %sub3A_34 : vector<128x128xf32>
    %neg3A_39 = arith.constant 0.000000e+00 : f32
    %neg3A_40 = vector.broadcast %neg3A_39 : f32 to vector<128x128xf32>
    %neg3A_41 = arith.subf %neg3A_40, %abs3A_38 : vector<128x128xf32>
    %exp3A_42 = math.exp %neg3A_41 : vector<128x128xf32>
    %log1p3A_43 = math.log1p %exp3A_42 : vector<128x128xf32>
    %add3A_44 = arith.addf %max3A_32, %log1p3A_43 : vector<128x128xf32>
    %select_n3A_45 = arith.select %ne3A_35, %add3A_37, %add3A_44 : vector<128x128xi1>, vector<128x128xf32>
    %sub3A_46 = arith.constant 0.693147182 : f32
    %sub3A_47 = vector.broadcast %sub3A_46 : f32 to vector<128x128xf32>
    %sub3A_48 = arith.subf %select_n3A_45, %sub3A_47 : vector<128x128xf32>
    %swap3A = arith.constant 0 : index
    %swap3A_49 = arith.constant 0 : index
    %swap3A_50 = vector.load %arg7[%swap3A, %swap3A_49] : memref<128x128xf32, #tpu.memory_space<vmem>>, vector<128x128xf32>
    tpu.vector_store %arg7[%swap3A, %swap3A_49], %sub3A_48 {strides = array<i32>} : memref<128x128xf32, #tpu.memory_space<vmem>>, vector<128x128xf32>,
    %get3A_51 = arith.constant 0 : index
    %get3A_52 = arith.constant 0 : index
    %get3A_53 = vector.load %arg5[%get3A_51, %get3A_52] : memref<128x256xf32, #tpu.memory_space<vmem>>, vector<128x256xf32>
    %dot_general3A_54 = arith.constant dense<0.000000e+00> : vector<128x256xf32>
    %dot_general3A_55 = tpu.matmul %sub3A_48, %get3A_53, %dot_general3A_54 {dimension_numbers = #tpu.dot_dimension_numbers<[1], [0], [0], [1], [0, 0, 1, 1], [], []>, transpose_lhs_hint = false} : vector<128x128xf32>, vector<128x256xf32>, vector<128x256xf32> -> vector<128x256xf32>
    %swap3A_56 = arith.constant 0 : index
    %swap3A_57 = arith.constant 0 : index
    %swap3A_58 = vector.load %arg8[%swap3A_56, %swap3A_57] : memref<128x256xf32, #tpu.memory_space<vmem>>, vector<128x256xf32>
    tpu.vector_store %arg8[%swap3A_56, %swap3A_57], %dot_general3A_55 {strides = array<i32>} : memref<128x256xf32, #tpu.memory_space<vmem>>, vector<128x256xf32>,
    %get3A_59 = arith.constant 0 : index
    %get3A_60 = arith.constant 0 : index
    %get3A_61 = vector.load %arg6[%get3A_59, %get3A_60] : memref<128x256xf32, #tpu.memory_space<vmem>>, vector<128x256xf32>
    %dot_general3A_62 = arith.constant dense<0.000000e+00> : vector<128x256xf32>
    %dot_general3A_63 = tpu.matmul %sub3A_48, %get3A_61, %dot_general3A_62 {dimension_numbers = #tpu.dot_dimension_numbers<[1], [0], [0], [1], [0, 0, 1, 1], [], []>, transpose_lhs_hint = false} : vector<128x128xf32>, vector<128x256xf32>, vector<128x256xf32> -> vector<128x256xf32>
    %swap3A_64 = arith.constant 0 : index
    %swap3A_65 = arith.constant 0 : index
    %swap3A_66 = vector.load %arg9[%swap3A_64, %swap3A_65] : memref<128x256xf32, #tpu.memory_space<vmem>>, vector<128x256xf32>
    tpu.vector_store %arg9[%swap3A_64, %swap3A_65], %dot_general3A_63 {strides = array<i32>} : memref<128x256xf32, #tpu.memory_space<vmem>>, vector<128x256xf32>,
    return
  }
}

module attributes {stable_mosaic.version = 14 : i64} {
  func.func @_k2_body(%arg0: i32, %arg1: memref<3200x128xf32, #tpu.memory_space<vmem>>, %arg2: memref<128x256xbf16, #tpu.memory_space<vmem>>, %arg3: memref<1x256xf32, #tpu.memory_space<vmem>>, %arg4: memref<256x128xbf16, #tpu.memory_space<vmem>>, %arg5: memref<1x128xf32, #tpu.memory_space<vmem>>, %arg6: memref<128x256xbf16, #tpu.memory_space<vmem>>, %arg7: memref<3200x256xbf16, #tpu.memory_space<vmem>>) attributes {dimension_semantics = [#tpu.dimension_semantics<arbitrary>], iteration_bounds = array<i64: 50>, scalar_prefetch = 0 : i64, scratch_operands = 0 : i64, tpu.core_type = #tpu.core_type<tc>, window_params = [{transform_indices = @transform_0, window_bounds = array<i64: 3200, 128>}, {pipeline_mode = #tpu.pipeline_mode<synchronous>, transform_indices = @transform_1, window_bounds = array<i64: 128, 256>}, {pipeline_mode = #tpu.pipeline_mode<synchronous>, transform_indices = @transform_2, window_bounds = array<i64: 1, 256>}, {pipeline_mode = #tpu.pipeline_mode<synchronous>, transform_indices = @transform_3, window_bounds = array<i64: 256, 128>}, {pipeline_mode = #tpu.pipeline_mode<synchronous>, transform_indices = @transform_4, window_bounds = array<i64: 1, 128>}, {pipeline_mode = #tpu.pipeline_mode<synchronous>, transform_indices = @transform_5, window_bounds = array<i64: 128, 256>}, {transform_indices = @transform_6, window_bounds = array<i64: 3200, 256>}]} {
    %get3A = arith.constant 0 : index
    %get3A_0 = arith.constant 0 : index
    %get3A_1 = vector.load %arg1[%get3A, %get3A_0] : memref<3200x128xf32, #tpu.memory_space<vmem>>, vector<3200x128xf32>
    %convert_element_type3A = arith.truncf %get3A_1 : vector<3200x128xf32> to vector<3200x128xbf16>
    %get3A_2 = arith.constant 0 : index
    %get3A_3 = arith.constant 0 : index
    %get3A_4 = vector.load %arg2[%get3A_2, %get3A_3] : memref<128x256xbf16, #tpu.memory_space<vmem>>, vector<128x256xbf16>
    %dot_general3A = arith.constant dense<0.000000e+00> : vector<3200x256xf32>
    %dot_general3A_5 = tpu.matmul %convert_element_type3A, %get3A_4, %dot_general3A {dimension_numbers = #tpu.dot_dimension_numbers<[1], [0], [0], [1], [0, 0, 1, 1], [], []>, transpose_lhs_hint = false} : vector<3200x128xbf16>, vector<128x256xbf16>, vector<3200x256xf32> -> vector<3200x256xf32>
    %get3A_6 = arith.constant 0 : index
    %get3A_7 = arith.constant 0 : index
    %get3A_8 = vector.load %arg3[%get3A_6, %get3A_7] : memref<1x256xf32, #tpu.memory_space<vmem>>, vector<1x256xf32>
    %add3A = vector.broadcast %get3A_8 : vector<1x256xf32> to vector<3200x256xf32>
    %add3A_9 = arith.addf %dot_general3A_5, %add3A : vector<3200x256xf32>
    %custom_jvp_call3A = arith.constant 0.000000e+00 : f32
    %max3A = vector.broadcast %custom_jvp_call3A : f32 to vector<3200x256xf32>
    %max3A_10 = arith.maximumf %add3A_9, %max3A : vector<3200x256xf32>
    %sub3A = vector.broadcast %custom_jvp_call3A : f32 to vector<3200x256xf32>
    %sub3A_11 = arith.subf %add3A_9, %sub3A : vector<3200x256xf32>
    %ne3A = arith.cmpf one, %sub3A_11, %sub3A_11 : vector<3200x256xf32>
    %add3A_12 = vector.broadcast %custom_jvp_call3A : f32 to vector<3200x256xf32>
    %add3A_13 = arith.addf %add3A_9, %add3A_12 : vector<3200x256xf32>
    %abs3A = math.absf %sub3A_11 : vector<3200x256xf32>
    %neg3A = arith.constant 0.000000e+00 : f32
    %neg3A_14 = vector.broadcast %neg3A : f32 to vector<3200x256xf32>
    %neg3A_15 = arith.subf %neg3A_14, %abs3A : vector<3200x256xf32>
    %exp3A = math.exp %neg3A_15 : vector<3200x256xf32>
    %log1p3A = math.log1p %exp3A : vector<3200x256xf32>
    %add3A_16 = arith.addf %max3A_10, %log1p3A : vector<3200x256xf32>
    %select_n3A = arith.select %ne3A, %add3A_13, %add3A_16 : vector<3200x256xi1>, vector<3200x256xf32>
    %sub3A_17 = arith.constant 0.693147182 : f32
    %sub3A_18 = vector.broadcast %sub3A_17 : f32 to vector<3200x256xf32>
    %sub3A_19 = arith.subf %select_n3A, %sub3A_18 : vector<3200x256xf32>
    %convert_element_type3A_20 = arith.truncf %sub3A_19 : vector<3200x256xf32> to vector<3200x256xbf16>
    %get3A_21 = arith.constant 0 : index
    %get3A_22 = arith.constant 0 : index
    %get3A_23 = vector.load %arg4[%get3A_21, %get3A_22] : memref<256x128xbf16, #tpu.memory_space<vmem>>, vector<256x128xbf16>
    %dot_general3A_24 = arith.constant dense<0.000000e+00> : vector<3200x128xf32>
    %dot_general3A_25 = tpu.matmul %convert_element_type3A_20, %get3A_23, %dot_general3A_24 {dimension_numbers = #tpu.dot_dimension_numbers<[1], [0], [0], [1], [0, 0, 1, 1], [], []>, transpose_lhs_hint = false} : vector<3200x256xbf16>, vector<256x128xbf16>, vector<3200x128xf32> -> vector<3200x128xf32>
    %get3A_26 = arith.constant 0 : index
    %get3A_27 = arith.constant 0 : index
    %get3A_28 = vector.load %arg5[%get3A_26, %get3A_27] : memref<1x128xf32, #tpu.memory_space<vmem>>, vector<1x128xf32>
    %add3A_29 = vector.broadcast %get3A_28 : vector<1x128xf32> to vector<3200x128xf32>
    %add3A_30 = arith.addf %dot_general3A_25, %add3A_29 : vector<3200x128xf32>
    %custom_jvp_call3A_31 = arith.constant 0.000000e+00 : f32
    %max3A_32 = vector.broadcast %custom_jvp_call3A_31 : f32 to vector<3200x128xf32>
    %max3A_33 = arith.maximumf %add3A_30, %max3A_32 : vector<3200x128xf32>
    %sub3A_34 = vector.broadcast %custom_jvp_call3A_31 : f32 to vector<3200x128xf32>
    %sub3A_35 = arith.subf %add3A_30, %sub3A_34 : vector<3200x128xf32>
    %ne3A_36 = arith.cmpf one, %sub3A_35, %sub3A_35 : vector<3200x128xf32>
    %add3A_37 = vector.broadcast %custom_jvp_call3A_31 : f32 to vector<3200x128xf32>
    %add3A_38 = arith.addf %add3A_30, %add3A_37 : vector<3200x128xf32>
    %abs3A_39 = math.absf %sub3A_35 : vector<3200x128xf32>
    %neg3A_40 = arith.constant 0.000000e+00 : f32
    %neg3A_41 = vector.broadcast %neg3A_40 : f32 to vector<3200x128xf32>
    %neg3A_42 = arith.subf %neg3A_41, %abs3A_39 : vector<3200x128xf32>
    %exp3A_43 = math.exp %neg3A_42 : vector<3200x128xf32>
    %log1p3A_44 = math.log1p %exp3A_43 : vector<3200x128xf32>
    %add3A_45 = arith.addf %max3A_33, %log1p3A_44 : vector<3200x128xf32>
    %select_n3A_46 = arith.select %ne3A_36, %add3A_38, %add3A_45 : vector<3200x128xi1>, vector<3200x128xf32>
    %sub3A_47 = arith.constant 0.693147182 : f32
    %sub3A_48 = vector.broadcast %sub3A_47 : f32 to vector<3200x128xf32>
    %sub3A_49 = arith.subf %select_n3A_46, %sub3A_48 : vector<3200x128xf32>
    %convert_element_type3A_50 = arith.truncf %sub3A_49 : vector<3200x128xf32> to vector<3200x128xbf16>
    %get3A_51 = arith.constant 0 : index
    %get3A_52 = arith.constant 0 : index
    %get3A_53 = vector.load %arg6[%get3A_51, %get3A_52] : memref<128x256xbf16, #tpu.memory_space<vmem>>, vector<128x256xbf16>
    %dot_general3A_54 = arith.constant dense<0.000000e+00> : vector<3200x256xf32>
    %dot_general3A_55 = tpu.matmul %convert_element_type3A_50, %get3A_53, %dot_general3A_54 {dimension_numbers = #tpu.dot_dimension_numbers<[1], [0], [0], [1], [0, 0, 1, 1], [], []>, transpose_lhs_hint = false} : vector<3200x128xbf16>, vector<128x256xbf16>, vector<3200x256xf32> -> vector<3200x256xf32>
    %convert_element_type3A_56 = arith.truncf %dot_general3A_55 : vector<3200x256xf32> to vector<3200x256xbf16>
    %swap3A = arith.constant 0 : index
    %swap3A_57 = arith.constant 0 : index
    %swap3A_58 = vector.load %arg7[%swap3A, %swap3A_57] : memref<3200x256xbf16, #tpu.memory_space<vmem>>, vector<3200x256xbf16>
    tpu.vector_store %arg7[%swap3A, %swap3A_57], %convert_element_type3A_56 {strides = array<i32>} : memref<3200x256xbf16, #tpu.memory_space<vmem>>, vector<3200x256xbf16>,
    return
  }
  func.func @transform_0(%arg0: i32) -> (i32, i32) {
    %c0_i32 = arith.constant 0 : i32
    %c0_i32_0 = arith.constant 0 : i32
    return %arg0, %c0_i32 : i32, i32
  }
  func.func @transform_1(%arg0: i32) -> (i32, i32) {
    %c0_i32 = arith.constant 0 : i32
    %c0_i32_0 = arith.constant 0 : i32
    %c0_i32_1 = arith.constant 0 : i32
    return %c0_i32, %c0_i32_0 : i32, i32
  }
  func.func @transform_2(%arg0: i32) -> (i32, i32) {
    %c0_i32 = arith.constant 0 : i32
    %c0_i32_0 = arith.constant 0 : i32
    %c0_i32_1 = arith.constant 0 : i32
    return %c0_i32, %c0_i32_0 : i32, i32
  }
  func.func @transform_3(%arg0: i32) -> (i32, i32) {
    %c0_i32 = arith.constant 0 : i32
    %c0_i32_0 = arith.constant 0 : i32
    %c0_i32_1 = arith.constant 0 : i32
    return %c0_i32, %c0_i32_0 : i32, i32
  }
  func.func @transform_4(%arg0: i32) -> (i32, i32) {
    %c0_i32 = arith.constant 0 : i32
    %c0_i32_0 = arith.constant 0 : i32
    %c0_i32_1 = arith.constant 0 : i32
    return %c0_i32, %c0_i32_0 : i32, i32
  }
  func.func @transform_5(%arg0: i32) -> (i32, i32) {
    %c0_i32 = arith.constant 0 : i32
    %c0_i32_0 = arith.constant 0 : i32
    %c0_i32_1 = arith.constant 0 : i32
    return %c0_i32, %c0_i32_0 : i32, i32
  }
  func.func @transform_6(%arg0: i32) -> (i32, i32) {
    %c0_i32 = arith.constant 0 : i32
    %c0_i32_0 = arith.constant 0 : i32
    return %arg0, %c0_i32 : i32, i32
  }
}

module attributes {stable_mosaic.version = 14 : i64} {
  func.func @_k3_body(%arg0: i32, %arg1: memref<1600x256xbf16, #tpu.memory_space<vmem>>, %arg2: memref<1600x128xf32, #tpu.memory_space<vmem>>, %arg3: memref<1600x128xf32, #tpu.memory_space<vmem>>, %arg4: memref<1600x128xf32, #tpu.memory_space<vmem>>, %arg5: memref<1x1x256xf32, #tpu.memory_space<vmem>>, %arg6: memref<1x1x1600xi32, #tpu.memory_space<vmem>>, %arg7: memref<128x256xbf16, #tpu.memory_space<vmem>>, %arg8: memref<128x256xbf16, #tpu.memory_space<vmem>>, %arg9: memref<1x256xf32, #tpu.memory_space<vmem>>, %arg10: memref<256x256xbf16, #tpu.memory_space<vmem>>, %arg11: memref<1x256xf32, #tpu.memory_space<vmem>>, %arg12: memref<256x128xbf16, #tpu.memory_space<vmem>>, %arg13: memref<1x128xf32, #tpu.memory_space<vmem>>, %arg14: memref<1600x128xf32, #tpu.memory_space<vmem>>, %arg15: memref<1600x128xf32, #tpu.memory_space<vmem>>, %arg16: memref<128x128xf32, #tpu.memory_space<vmem>>) attributes {dimension_semantics = [#tpu.dimension_semantics<arbitrary>], iteration_bounds = array<i64: 100>, scalar_prefetch = 0 : i64, scratch_operands = 0 : i64, tpu.core_type = #tpu.core_type<tc>, window_params = [{transform_indices = @transform_0, window_bounds = array<i64: 1600, 256>}, {transform_indices = @transform_1, window_bounds = array<i64: 1600, 128>}, {transform_indices = @transform_2, window_bounds = array<i64: 1600, 128>}, {transform_indices = @transform_3, window_bounds = array<i64: 1600, 128>}, {transform_indices = @transform_4, window_bounds = array<i64: 1, 1, 256>}, {transform_indices = @transform_5, window_bounds = array<i64: 1, 1, 1600>}, {pipeline_mode = #tpu.pipeline_mode<synchronous>, transform_indices = @transform_6, window_bounds = array<i64: 128, 256>}, {pipeline_mode = #tpu.pipeline_mode<synchronous>, transform_indices = @transform_7, window_bounds = array<i64: 128, 256>}, {pipeline_mode = #tpu.pipeline_mode<synchronous>, transform_indices = @transform_8, window_bounds = array<i64: 1, 256>}, {pipeline_mode = #tpu.pipeline_mode<synchronous>, transform_indices = @transform_9, window_bounds = array<i64: 256, 256>}, {pipeline_mode = #tpu.pipeline_mode<synchronous>, transform_indices = @transform_10, window_bounds = array<i64: 1, 256>}, {pipeline_mode = #tpu.pipeline_mode<synchronous>, transform_indices = @transform_11, window_bounds = array<i64: 256, 128>}, {pipeline_mode = #tpu.pipeline_mode<synchronous>, transform_indices = @transform_12, window_bounds = array<i64: 1, 128>}, {transform_indices = @transform_13, window_bounds = array<i64: 1600, 128>}, {transform_indices = @transform_14, window_bounds = array<i64: 1600, 128>}, {pipeline_mode = #tpu.pipeline_mode<synchronous>, transform_indices = @transform_15, window_bounds = array<i64: 128, 128>}]} {
    %get3A = arith.constant 0 : index
    %get3A_0 = arith.constant 0 : index
    %get3A_1 = vector.load %arg1[%get3A, %get3A_0] : memref<1600x256xbf16, #tpu.memory_space<vmem>>, vector<1600x256xbf16>
    %convert_element_type3A = arith.extf %get3A_1 : vector<1600x256xbf16> to vector<1600x256xf32>
    %get3A_2 = arith.constant 0 : index
    %get3A_3 = arith.constant 0 : index
    %get3A_4 = vector.load %arg2[%get3A_2, %get3A_3] : memref<1600x128xf32, #tpu.memory_space<vmem>>, vector<1600x128xf32>
    %convert_element_type3A_5 = arith.truncf %get3A_4 : vector<1600x128xf32> to vector<1600x128xbf16>
    %get3A_6 = arith.constant 0 : index
    %get3A_7 = arith.constant 0 : index
    %get3A_8 = vector.load %arg7[%get3A_6, %get3A_7] : memref<128x256xbf16, #tpu.memory_space<vmem>>, vector<128x256xbf16>
    %dot_general3A = arith.constant dense<0.000000e+00> : vector<1600x256xf32>
    %dot_general3A_9 = tpu.matmul %convert_element_type3A_5, %get3A_8, %dot_general3A {dimension_numbers = #tpu.dot_dimension_numbers<[1], [0], [0], [1], [0, 0, 1, 1], [], []>, transpose_lhs_hint = false} : vector<1600x128xbf16>, vector<128x256xbf16>, vector<1600x256xf32> -> vector<1600x256xf32>
    %add3A = arith.addf %convert_element_type3A, %dot_general3A_9 : vector<1600x256xf32>
    %get3A_10 = arith.constant 0 : index
    %get3A_11 = arith.constant 0 : index
    %get3A_12 = vector.load %arg3[%get3A_10, %get3A_11] : memref<1600x128xf32, #tpu.memory_space<vmem>>, vector<1600x128xf32>
    %convert_element_type3A_13 = arith.truncf %get3A_12 : vector<1600x128xf32> to vector<1600x128xbf16>
    %get3A_14 = arith.constant 0 : index
    %get3A_15 = arith.constant 0 : index
    %get3A_16 = vector.load %arg8[%get3A_14, %get3A_15] : memref<128x256xbf16, #tpu.memory_space<vmem>>, vector<128x256xbf16>
    %dot_general3A_17 = arith.constant dense<0.000000e+00> : vector<1600x256xf32>
    %dot_general3A_18 = tpu.matmul %convert_element_type3A_13, %get3A_16, %dot_general3A_17 {dimension_numbers = #tpu.dot_dimension_numbers<[1], [0], [0], [1], [0, 0, 1, 1], [], []>, transpose_lhs_hint = false} : vector<1600x128xbf16>, vector<128x256xbf16>, vector<1600x256xf32> -> vector<1600x256xf32>
    %add3A_19 = arith.addf %add3A, %dot_general3A_18 : vector<1600x256xf32>
    %get3A_20 = arith.constant 0 : index
    %get3A_21 = arith.constant 0 : index
    %get3A_22 = arith.constant 0 : index
    %get3A_23 = vector.load %arg5[%get3A_20, %get3A_21, %get3A_22] : memref<1x1x256xf32, #tpu.memory_space<vmem>>, vector<1x1x256xf32>
    %get3A_24 = vector.shape_cast %get3A_23 : vector<1x1x256xf32> to vector<1x256xf32>
    %add3A_25 = vector.broadcast %get3A_24 : vector<1x256xf32> to vector<1600x256xf32>
    %add3A_26 = arith.addf %add3A_19, %add3A_25 : vector<1600x256xf32>
    %get3A_27 = arith.constant 0 : index
    %get3A_28 = arith.constant 0 : index
    %get3A_29 = vector.load %arg9[%get3A_27, %get3A_28] : memref<1x256xf32, #tpu.memory_space<vmem>>, vector<1x256xf32>
    %add3A_30 = vector.broadcast %get3A_29 : vector<1x256xf32> to vector<1600x256xf32>
    %add3A_31 = arith.addf %add3A_26, %add3A_30 : vector<1600x256xf32>
    %custom_jvp_call3A = arith.constant 0.000000e+00 : f32
    %max3A = vector.broadcast %custom_jvp_call3A : f32 to vector<1600x256xf32>
    %max3A_32 = arith.maximumf %add3A_31, %max3A : vector<1600x256xf32>
    %sub3A = vector.broadcast %custom_jvp_call3A : f32 to vector<1600x256xf32>
    %sub3A_33 = arith.subf %add3A_31, %sub3A : vector<1600x256xf32>
    %ne3A = arith.cmpf one, %sub3A_33, %sub3A_33 : vector<1600x256xf32>
    %add3A_34 = vector.broadcast %custom_jvp_call3A : f32 to vector<1600x256xf32>
    %add3A_35 = arith.addf %add3A_31, %add3A_34 : vector<1600x256xf32>
    %abs3A = math.absf %sub3A_33 : vector<1600x256xf32>
    %neg3A = arith.constant 0.000000e+00 : f32
    %neg3A_36 = vector.broadcast %neg3A : f32 to vector<1600x256xf32>
    %neg3A_37 = arith.subf %neg3A_36, %abs3A : vector<1600x256xf32>
    %exp3A = math.exp %neg3A_37 : vector<1600x256xf32>
    %log1p3A = math.log1p %exp3A : vector<1600x256xf32>
    %add3A_38 = arith.addf %max3A_32, %log1p3A : vector<1600x256xf32>
    %select_n3A = arith.select %ne3A, %add3A_35, %add3A_38 : vector<1600x256xi1>, vector<1600x256xf32>
    %sub3A_39 = arith.constant 0.693147182 : f32
    %sub3A_40 = vector.broadcast %sub3A_39 : f32 to vector<1600x256xf32>
    %sub3A_41 = arith.subf %select_n3A, %sub3A_40 : vector<1600x256xf32>
    %convert_element_type3A_42 = arith.truncf %sub3A_41 : vector<1600x256xf32> to vector<1600x256xbf16>
    %get3A_43 = arith.constant 0 : index
    %get3A_44 = arith.constant 0 : index
    %get3A_45 = vector.load %arg10[%get3A_43, %get3A_44] : memref<256x256xbf16, #tpu.memory_space<vmem>>, vector<256x256xbf16>
    %dot_general3A_46 = arith.constant dense<0.000000e+00> : vector<1600x256xf32>
    %dot_general3A_47 = tpu.matmul %convert_element_type3A_42, %get3A_45, %dot_general3A_46 {dimension_numbers = #tpu.dot_dimension_numbers<[1], [0], [0], [1], [0, 0, 1, 1], [], []>, transpose_lhs_hint = false} : vector<1600x256xbf16>, vector<256x256xbf16>, vector<1600x256xf32> -> vector<1600x256xf32>
    %get3A_48 = arith.constant 0 : index
    %get3A_49 = arith.constant 0 : index
    %get3A_50 = vector.load %arg11[%get3A_48, %get3A_49] : memref<1x256xf32, #tpu.memory_space<vmem>>, vector<1x256xf32>
    %add3A_51 = vector.broadcast %get3A_50 : vector<1x256xf32> to vector<1600x256xf32>
    %add3A_52 = arith.addf %dot_general3A_47, %add3A_51 : vector<1600x256xf32>
    %custom_jvp_call3A_53 = arith.constant 0.000000e+00 : f32
    %max3A_54 = vector.broadcast %custom_jvp_call3A_53 : f32 to vector<1600x256xf32>
    %max3A_55 = arith.maximumf %add3A_52, %max3A_54 : vector<1600x256xf32>
    %sub3A_56 = vector.broadcast %custom_jvp_call3A_53 : f32 to vector<1600x256xf32>
    %sub3A_57 = arith.subf %add3A_52, %sub3A_56 : vector<1600x256xf32>
    %ne3A_58 = arith.cmpf one, %sub3A_57, %sub3A_57 : vector<1600x256xf32>
    %add3A_59 = vector.broadcast %custom_jvp_call3A_53 : f32 to vector<1600x256xf32>
    %add3A_60 = arith.addf %add3A_52, %add3A_59 : vector<1600x256xf32>
    %abs3A_61 = math.absf %sub3A_57 : vector<1600x256xf32>
    %neg3A_62 = arith.constant 0.000000e+00 : f32
    %neg3A_63 = vector.broadcast %neg3A_62 : f32 to vector<1600x256xf32>
    %neg3A_64 = arith.subf %neg3A_63, %abs3A_61 : vector<1600x256xf32>
    %exp3A_65 = math.exp %neg3A_64 : vector<1600x256xf32>
    %log1p3A_66 = math.log1p %exp3A_65 : vector<1600x256xf32>
    %add3A_67 = arith.addf %max3A_55, %log1p3A_66 : vector<1600x256xf32>
    %select_n3A_68 = arith.select %ne3A_58, %add3A_60, %add3A_67 : vector<1600x256xi1>, vector<1600x256xf32>
    %sub3A_69 = arith.constant 0.693147182 : f32
    %sub3A_70 = vector.broadcast %sub3A_69 : f32 to vector<1600x256xf32>
    %sub3A_71 = arith.subf %select_n3A_68, %sub3A_70 : vector<1600x256xf32>
    %convert_element_type3A_72 = arith.truncf %sub3A_71 : vector<1600x256xf32> to vector<1600x256xbf16>
    %get3A_73 = arith.constant 0 : index
    %get3A_74 = arith.constant 0 : index
    %get3A_75 = vector.load %arg12[%get3A_73, %get3A_74] : memref<256x128xbf16, #tpu.memory_space<vmem>>, vector<256x128xbf16>
    %dot_general3A_76 = arith.constant dense<0.000000e+00> : vector<1600x128xf32>
    %dot_general3A_77 = tpu.matmul %convert_element_type3A_72, %get3A_75, %dot_general3A_76 {dimension_numbers = #tpu.dot_dimension_numbers<[1], [0], [0], [1], [0, 0, 1, 1], [], []>, transpose_lhs_hint = false} : vector<1600x256xbf16>, vector<256x128xbf16>, vector<1600x128xf32> -> vector<1600x128xf32>
    %get3A_78 = arith.constant 0 : index
    %get3A_79 = arith.constant 0 : index
    %get3A_80 = vector.load %arg13[%get3A_78, %get3A_79] : memref<1x128xf32, #tpu.memory_space<vmem>>, vector<1x128xf32>
    %add3A_81 = vector.broadcast %get3A_80 : vector<1x128xf32> to vector<1600x128xf32>
    %add3A_82 = arith.addf %dot_general3A_77, %add3A_81 : vector<1600x128xf32>
    %custom_jvp_call3A_83 = arith.constant 0.000000e+00 : f32
    %max3A_84 = vector.broadcast %custom_jvp_call3A_83 : f32 to vector<1600x128xf32>
    %max3A_85 = arith.maximumf %add3A_82, %max3A_84 : vector<1600x128xf32>
    %sub3A_86 = vector.broadcast %custom_jvp_call3A_83 : f32 to vector<1600x128xf32>
    %sub3A_87 = arith.subf %add3A_82, %sub3A_86 : vector<1600x128xf32>
    %ne3A_88 = arith.cmpf one, %sub3A_87, %sub3A_87 : vector<1600x128xf32>
    %add3A_89 = vector.broadcast %custom_jvp_call3A_83 : f32 to vector<1600x128xf32>
    %add3A_90 = arith.addf %add3A_82, %add3A_89 : vector<1600x128xf32>
    %abs3A_91 = math.absf %sub3A_87 : vector<1600x128xf32>
    %neg3A_92 = arith.constant 0.000000e+00 : f32
    %neg3A_93 = vector.broadcast %neg3A_92 : f32 to vector<1600x128xf32>
    %neg3A_94 = arith.subf %neg3A_93, %abs3A_91 : vector<1600x128xf32>
    %exp3A_95 = math.exp %neg3A_94 : vector<1600x128xf32>
    %log1p3A_96 = math.log1p %exp3A_95 : vector<1600x128xf32>
    %add3A_97 = arith.addf %max3A_85, %log1p3A_96 : vector<1600x128xf32>
    %select_n3A_98 = arith.select %ne3A_88, %add3A_90, %add3A_97 : vector<1600x128xi1>, vector<1600x128xf32>
    %sub3A_99 = arith.constant 0.693147182 : f32
    %sub3A_100 = vector.broadcast %sub3A_99 : f32 to vector<1600x128xf32>
    %sub3A_101 = arith.subf %select_n3A_98, %sub3A_100 : vector<1600x128xf32>
    %swap3A = arith.constant 0 : index
    %swap3A_102 = arith.constant 0 : index
    %swap3A_103 = vector.load %arg15[%swap3A, %swap3A_102] : memref<1600x128xf32, #tpu.memory_space<vmem>>, vector<1600x128xf32>
    tpu.vector_store %arg15[%swap3A, %swap3A_102], %sub3A_101 {strides = array<i32>} : memref<1600x128xf32, #tpu.memory_space<vmem>>, vector<1600x128xf32>,
    %get3A_104 = arith.constant 0 : index
    %get3A_105 = arith.constant 0 : index
    %get3A_106 = vector.load %arg4[%get3A_104, %get3A_105] : memref<1600x128xf32, #tpu.memory_space<vmem>>, vector<1600x128xf32>
    %add3A_107 = arith.addf %get3A_106, %sub3A_101 : vector<1600x128xf32>
    %swap3A_108 = arith.constant 0 : index
    %swap3A_109 = arith.constant 0 : index
    %swap3A_110 = vector.load %arg14[%swap3A_108, %swap3A_109] : memref<1600x128xf32, #tpu.memory_space<vmem>>, vector<1600x128xf32>
    tpu.vector_store %arg14[%swap3A_108, %swap3A_109], %add3A_107 {strides = array<i32>} : memref<1600x128xf32, #tpu.memory_space<vmem>>, vector<1600x128xf32>,
    %get3A_111 = arith.constant 0 : index
    %get3A_112 = arith.constant 0 : index
    %get3A_113 = arith.constant 0 : index
    %get3A_114 = vector.load %arg6[%get3A_111, %get3A_112, %get3A_113] : memref<1x1x1600xi32, #tpu.memory_space<vmem>>, vector<1x1x1600xi32>
    %get3A_115 = vector.shape_cast %get3A_114 : vector<1x1x1600xi32> to vector<1x1600xi32>
    %iota3A = tpu.iota {dimensions = array<i32: 0>} : vector<128x1600xi32>
    %eq3A = vector.broadcast %get3A_115 : vector<1x1600xi32> to vector<128x1600xi32>
    %eq3A_116 = arith.cmpi eq, %iota3A, %eq3A : vector<128x1600xi32>
    %convert_element_type3A_117 = arith.extui %eq3A_116 : vector<128x1600xi1> to vector<128x1600xi32>
    %convert_element_type3A_118 = arith.sitofp %convert_element_type3A_117 : vector<128x1600xi32> to vector<128x1600xf32>
    %dot_general3A_119 = arith.constant dense<0.000000e+00> : vector<128x128xf32>
    %dot_general3A_120 = tpu.matmul %convert_element_type3A_118, %sub3A_101, %dot_general3A_119 {dimension_numbers = #tpu.dot_dimension_numbers<[1], [0], [0], [1], [0, 0, 1, 1], [], []>, transpose_lhs_hint = false} : vector<128x1600xf32>, vector<1600x128xf32>, vector<128x128xf32> -> vector<128x128xf32>
    %eq3A_121 = arith.constant 0 : i32
    %eq3A_122 = arith.cmpi eq, %arg0, %eq3A_121 : i32
    %convert_element_type3A_123 = arith.extui %eq3A_122 : i1 to i32
    %cond3A = arith.constant 0 : i32
    %cond3A_124 = arith.cmpi ne, %convert_element_type3A_123, %cond3A : i32
    scf.if %cond3A_124 {
      %swap3A_129 = arith.constant 0 : index
      %swap3A_130 = arith.constant 0 : index
      %swap3A_131 = vector.load %arg16[%swap3A_129, %swap3A_130] : memref<128x128xf32, #tpu.memory_space<vmem>>, vector<128x128xf32>
      tpu.vector_store %arg16[%swap3A_129, %swap3A_130], %dot_general3A_120 {strides = array<i32>} : memref<128x128xf32, #tpu.memory_space<vmem>>, vector<128x128xf32>,
    } else {
    }
    %gt3A = arith.constant 0 : i32
    %gt3A_125 = arith.cmpi sgt, %arg0, %gt3A : i32
    %convert_element_type3A_126 = arith.extui %gt3A_125 : i1 to i32
    %cond3A_127 = arith.constant 0 : i32
    %cond3A_128 = arith.cmpi ne, %convert_element_type3A_126, %cond3A_127 : i32
    scf.if %cond3A_128 {
      %get3A_129 = arith.constant 0 : index
      %get3A_130 = arith.constant 0 : index
      %get3A_131 = vector.load %arg16[%get3A_129, %get3A_130] : memref<128x128xf32, #tpu.memory_space<vmem>>, vector<128x128xf32>
      %add3A_132 = arith.addf %get3A_131, %dot_general3A_120 : vector<128x128xf32>
      %swap3A_133 = arith.constant 0 : index
      %swap3A_134 = arith.constant 0 : index
      %swap3A_135 = vector.load %arg16[%swap3A_133, %swap3A_134] : memref<128x128xf32, #tpu.memory_space<vmem>>, vector<128x128xf32>
      tpu.vector_store %arg16[%swap3A_133, %swap3A_134], %add3A_132 {strides = array<i32>} : memref<128x128xf32, #tpu.memory_space<vmem>>, vector<128x128xf32>,
    } else {
    }
    return
  }
  func.func @transform_0(%arg0: i32) -> (i32, i32) {
    %c0_i32 = arith.constant 0 : i32
    %c0_i32_0 = arith.constant 0 : i32
    return %arg0, %c0_i32 : i32, i32
  }
  func.func @transform_1(%arg0: i32) -> (i32, i32) {
    %c0_i32 = arith.constant 0 : i32
    %c0_i32_0 = arith.constant 0 : i32
    return %arg0, %c0_i32 : i32, i32
  }
  func.func @transform_2(%arg0: i32) -> (i32, i32) {
    %add3A = arith.constant 100 : i32
    %add3A_0 = arith.addi %arg0, %add3A : i32
    %c0_i32 = arith.constant 0 : i32
    %c0_i32_1 = arith.constant 0 : i32
    return %add3A_0, %c0_i32 : i32, i32
  }
  func.func @transform_3(%arg0: i32) -> (i32, i32) {
    %c0_i32 = arith.constant 0 : i32
    %c0_i32_0 = arith.constant 0 : i32
    return %arg0, %c0_i32 : i32, i32
  }
  func.func @transform_4(%arg0: i32) -> (i32, i32, i32) {
    %c0_i32 = arith.constant 0 : i32
    %c0_i32_0 = arith.constant 0 : i32
    %c0_i32_1 = arith.constant 0 : i32
    return %arg0, %c0_i32, %c0_i32_0 : i32, i32, i32
  }
  func.func @transform_5(%arg0: i32) -> (i32, i32, i32) {
    %c0_i32 = arith.constant 0 : i32
    %c0_i32_0 = arith.constant 0 : i32
    %c0_i32_1 = arith.constant 0 : i32
    return %arg0, %c0_i32, %c0_i32_0 : i32, i32, i32
  }
  func.func @transform_6(%arg0: i32) -> (i32, i32) {
    %c0_i32 = arith.constant 0 : i32
    %c0_i32_0 = arith.constant 0 : i32
    %c0_i32_1 = arith.constant 0 : i32
    return %c0_i32, %c0_i32_0 : i32, i32
  }
  func.func @transform_7(%arg0: i32) -> (i32, i32) {
    %c0_i32 = arith.constant 0 : i32
    %c0_i32_0 = arith.constant 0 : i32
    %c0_i32_1 = arith.constant 0 : i32
    return %c0_i32, %c0_i32_0 : i32, i32
  }
  func.func @transform_8(%arg0: i32) -> (i32, i32) {
    %c0_i32 = arith.constant 0 : i32
    %c0_i32_0 = arith.constant 0 : i32
    %c0_i32_1 = arith.constant 0 : i32
    return %c0_i32, %c0_i32_0 : i32, i32
  }
  func.func @transform_9(%arg0: i32) -> (i32, i32) {
    %c0_i32 = arith.constant 0 : i32
    %c0_i32_0 = arith.constant 0 : i32
    %c0_i32_1 = arith.constant 0 : i32
    return %c0_i32, %c0_i32_0 : i32, i32
  }
  func.func @transform_10(%arg0: i32) -> (i32, i32) {
    %c0_i32 = arith.constant 0 : i32
    %c0_i32_0 = arith.constant 0 : i32
    %c0_i32_1 = arith.constant 0 : i32
    return %c0_i32, %c0_i32_0 : i32, i32
  }
  func.func @transform_11(%arg0: i32) -> (i32, i32) {
    %c0_i32 = arith.constant 0 : i32
    %c0_i32_0 = arith.constant 0 : i32
    %c0_i32_1 = arith.constant 0 : i32
    return %c0_i32, %c0_i32_0 : i32, i32
  }
  func.func @transform_12(%arg0: i32) -> (i32, i32) {
    %c0_i32 = arith.constant 0 : i32
    %c0_i32_0 = arith.constant 0 : i32
    %c0_i32_1 = arith.constant 0 : i32
    return %c0_i32, %c0_i32_0 : i32, i32
  }
  func.func @transform_13(%arg0: i32) -> (i32, i32) {
    %c0_i32 = arith.constant 0 : i32
    %c0_i32_0 = arith.constant 0 : i32
    return %arg0, %c0_i32 : i32, i32
  }
  func.func @transform_14(%arg0: i32) -> (i32, i32) {
    %c0_i32 = arith.constant 0 : i32
    %c0_i32_0 = arith.constant 0 : i32
    return %arg0, %c0_i32 : i32, i32
  }
  func.func @transform_15(%arg0: i32) -> (i32, i32) {
    %c0_i32 = arith.constant 0 : i32
    %c0_i32_0 = arith.constant 0 : i32
    %c0_i32_1 = arith.constant 0 : i32
    return %c0_i32, %c0_i32_0 : i32, i32
  }
}

module attributes {stable_mosaic.version = 14 : i64} {
  func.func @_k4_body(%arg0: i32, %arg1: memref<1x1000x128xf32, #tpu.memory_space<vmem>>, %arg2: memref<1x1000x128xf32, #tpu.memory_space<vmem>>, %arg3: memref<1000x128xf32, #tpu.memory_space<vmem>>, %arg4: memref<1000x128xf32, #tpu.memory_space<vmem>>, %arg5: memref<128x256xf32, #tpu.memory_space<vmem>>, %arg6: memref<1x1x1000xi32, #tpu.memory_space<vmem>>, %arg7: memref<128x256xbf16, #tpu.memory_space<vmem>>, %arg8: memref<128x256xbf16, #tpu.memory_space<vmem>>, %arg9: memref<1x256xf32, #tpu.memory_space<vmem>>, %arg10: memref<256x256xbf16, #tpu.memory_space<vmem>>, %arg11: memref<1x256xf32, #tpu.memory_space<vmem>>, %arg12: memref<256x128xbf16, #tpu.memory_space<vmem>>, %arg13: memref<1x128xf32, #tpu.memory_space<vmem>>, %arg14: memref<1000x128xf32, #tpu.memory_space<vmem>>, %arg15: memref<128x128xf32, #tpu.memory_space<vmem>>) attributes {dimension_semantics = [#tpu.dimension_semantics<arbitrary>], iteration_bounds = array<i64: 10>, scalar_prefetch = 0 : i64, scratch_operands = 0 : i64, tpu.core_type = #tpu.core_type<tc>, window_params = [{transform_indices = @transform_0, window_bounds = array<i64: 1, 1000, 128>}, {transform_indices = @transform_1, window_bounds = array<i64: 1, 1000, 128>}, {transform_indices = @transform_2, window_bounds = array<i64: 1000, 128>}, {transform_indices = @transform_3, window_bounds = array<i64: 1000, 128>}, {pipeline_mode = #tpu.pipeline_mode<synchronous>, transform_indices = @transform_4, window_bounds = array<i64: 128, 256>}, {transform_indices = @transform_5, window_bounds = array<i64: 1, 1, 1000>}, {pipeline_mode = #tpu.pipeline_mode<synchronous>, transform_indices = @transform_6, window_bounds = array<i64: 128, 256>}, {pipeline_mode = #tpu.pipeline_mode<synchronous>, transform_indices = @transform_7, window_bounds = array<i64: 128, 256>}, {pipeline_mode = #tpu.pipeline_mode<synchronous>, transform_indices = @transform_8, window_bounds = array<i64: 1, 256>}, {pipeline_mode = #tpu.pipeline_mode<synchronous>, transform_indices = @transform_9, window_bounds = array<i64: 256, 256>}, {pipeline_mode = #tpu.pipeline_mode<synchronous>, transform_indices = @transform_10, window_bounds = array<i64: 1, 256>}, {pipeline_mode = #tpu.pipeline_mode<synchronous>, transform_indices = @transform_11, window_bounds = array<i64: 256, 128>}, {pipeline_mode = #tpu.pipeline_mode<synchronous>, transform_indices = @transform_12, window_bounds = array<i64: 1, 128>}, {transform_indices = @transform_13, window_bounds = array<i64: 1000, 128>}, {pipeline_mode = #tpu.pipeline_mode<synchronous>, transform_indices = @transform_14, window_bounds = array<i64: 128, 128>}]} {
    %mul3A = arith.constant 10 : i32
    %mul3A_0 = arith.muli %arg0, %mul3A : i32
    %iota3A = tpu.iota {dimensions = array<i32: 0>} : vector<1000x128xi32>
    %jit3A = arith.constant 100 : i32
    %div3A = vector.broadcast %jit3A : i32 to vector<1000x128xi32>
    %div3A_1 = arith.divsi %iota3A, %div3A : vector<1000x128xi32>
    %sign3A = arith.constant 0 : i32
    %sign3A_2 = vector.broadcast %sign3A : i32 to vector<1000x128xi32>
    %sign3A_3 = arith.cmpi sgt, %iota3A, %sign3A_2 : vector<1000x128xi32>
    %sign3A_4 = arith.extui %sign3A_3 : vector<1000x128xi1> to vector<1000x128xi32>
    %sign3A_5 = arith.constant 0 : i32
    %sign3A_6 = vector.broadcast %sign3A_5 : i32 to vector<1000x128xi32>
    %sign3A_7 = arith.cmpi slt, %iota3A, %sign3A_6 : vector<1000x128xi32>
    %sign3A_8 = arith.extui %sign3A_7 : vector<1000x128xi1> to vector<1000x128xi32>
    %sign3A_9 = arith.subi %sign3A_4, %sign3A_8 : vector<1000x128xi32>
    %sign3A_10 = arith.constant 0 : i32
    %sign3A_11 = arith.cmpi sgt, %jit3A, %sign3A_10 : i32
    %sign3A_12 = arith.extui %sign3A_11 : i1 to i32
    %sign3A_13 = arith.constant 0 : i32
    %sign3A_14 = arith.cmpi slt, %jit3A, %sign3A_13 : i32
    %sign3A_15 = arith.extui %sign3A_14 : i1 to i32
    %sign3A_16 = arith.subi %sign3A_12, %sign3A_15 : i32
    %ne3A = vector.broadcast %sign3A_16 : i32 to vector<1000x128xi32>
    %ne3A_17 = arith.cmpi ne, %sign3A_9, %ne3A : vector<1000x128xi32>
    %rem3A = vector.broadcast %jit3A : i32 to vector<1000x128xi32>
    %rem3A_18 = arith.remsi %iota3A, %rem3A : vector<1000x128xi32>
    %ne3A_19 = arith.constant 0 : i32
    %ne3A_20 = vector.broadcast %ne3A_19 : i32 to vector<1000x128xi32>
    %ne3A_21 = arith.cmpi ne, %rem3A_18, %ne3A_20 : vector<1000x128xi32>
    %and3A = arith.andi %ne3A_17, %ne3A_21 : vector<1000x128xi1>
    %sub3A = arith.constant 1 : i32
    %sub3A_22 = vector.broadcast %sub3A : i32 to vector<1000x128xi32>
    %sub3A_23 = arith.subi %div3A_1, %sub3A_22 : vector<1000x128xi32>
    %select_n3A = arith.select %and3A, %sub3A_23, %div3A_1 : vector<1000x128xi1>, vector<1000x128xi32>
    %add3A = vector.broadcast %mul3A_0 : i32 to vector<1000x128xi32>
    %add3A_24 = arith.addi %add3A, %select_n3A : vector<1000x128xi32>
    %iota3A_25 = tpu.iota {dimensions = array<i32: 1>} : vector<1000x128xi32>
    %eq3A = arith.cmpi eq, %add3A_24, %iota3A_25 : vector<1000x128xi32>
    %convert_element_type3A = arith.extui %eq3A : vector<1000x128xi1> to vector<1000x128xi32>
    %convert_element_type3A_26 = arith.sitofp %convert_element_type3A : vector<1000x128xi32> to vector<1000x128xf32>
    %get3A = arith.constant 0 : index
    %get3A_27 = arith.constant 0 : index
    %get3A_28 = vector.load %arg5[%get3A, %get3A_27] : memref<128x256xf32, #tpu.memory_space<vmem>>, vector<128x256xf32>
    %dot_general3A = arith.constant dense<0.000000e+00> : vector<1000x256xf32>
    %dot_general3A_29 = tpu.matmul %convert_element_type3A_26, %get3A_28, %dot_general3A {dimension_numbers = #tpu.dot_dimension_numbers<[1], [0], [0], [1], [0, 0, 1, 1], [], []>, transpose_lhs_hint = false} : vector<1000x128xf32>, vector<128x256xf32>, vector<1000x256xf32> -> vector<1000x256xf32>
    %get3A_30 = arith.constant 0 : index
    %get3A_31 = arith.constant 0 : index
    %get3A_32 = arith.constant 0 : index
    %get3A_33 = vector.load %arg1[%get3A_30, %get3A_31, %get3A_32] : memref<1x1000x128xf32, #tpu.memory_space<vmem>>, vector<1x1000x128xf32>
    %get3A_34 = vector.shape_cast %get3A_33 : vector<1x1000x128xf32> to vector<1000x128xf32>
    %get3A_35 = arith.constant 0 : index
    %get3A_36 = arith.constant 0 : index
    %get3A_37 = arith.constant 0 : index
    %get3A_38 = vector.load %arg2[%get3A_35, %get3A_36, %get3A_37] : memref<1x1000x128xf32, #tpu.memory_space<vmem>>, vector<1x1000x128xf32>
    %get3A_39 = vector.shape_cast %get3A_38 : vector<1x1000x128xf32> to vector<1000x128xf32>
    %add3A_40 = arith.addf %get3A_34, %get3A_39 : vector<1000x128xf32>
    %convert_element_type3A_41 = arith.truncf %add3A_40 : vector<1000x128xf32> to vector<1000x128xbf16>
    %get3A_42 = arith.constant 0 : index
    %get3A_43 = arith.constant 0 : index
    %get3A_44 = vector.load %arg7[%get3A_42, %get3A_43] : memref<128x256xbf16, #tpu.memory_space<vmem>>, vector<128x256xbf16>
    %dot_general3A_45 = arith.constant dense<0.000000e+00> : vector<1000x256xf32>
    %dot_general3A_46 = tpu.matmul %convert_element_type3A_41, %get3A_44, %dot_general3A_45 {dimension_numbers = #tpu.dot_dimension_numbers<[1], [0], [0], [1], [0, 0, 1, 1], [], []>, transpose_lhs_hint = false} : vector<1000x128xbf16>, vector<128x256xbf16>, vector<1000x256xf32> -> vector<1000x256xf32>
    %get3A_47 = arith.constant 0 : index
    %get3A_48 = arith.constant 0 : index
    %get3A_49 = vector.load %arg3[%get3A_47, %get3A_48] : memref<1000x128xf32, #tpu.memory_space<vmem>>, vector<1000x128xf32>
    %convert_element_type3A_50 = arith.truncf %get3A_49 : vector<1000x128xf32> to vector<1000x128xbf16>
    %get3A_51 = arith.constant 0 : index
    %get3A_52 = arith.constant 0 : index
    %get3A_53 = vector.load %arg8[%get3A_51, %get3A_52] : memref<128x256xbf16, #tpu.memory_space<vmem>>, vector<128x256xbf16>
    %dot_general3A_54 = arith.constant dense<0.000000e+00> : vector<1000x256xf32>
    %dot_general3A_55 = tpu.matmul %convert_element_type3A_50, %get3A_53, %dot_general3A_54 {dimension_numbers = #tpu.dot_dimension_numbers<[1], [0], [0], [1], [0, 0, 1, 1], [], []>, transpose_lhs_hint = false} : vector<1000x128xbf16>, vector<128x256xbf16>, vector<1000x256xf32> -> vector<1000x256xf32>
    %add3A_56 = arith.addf %dot_general3A_46, %dot_general3A_55 : vector<1000x256xf32>
    %add3A_57 = arith.addf %add3A_56, %dot_general3A_29 : vector<1000x256xf32>
    %get3A_58 = arith.constant 0 : index
    %get3A_59 = arith.constant 0 : index
    %get3A_60 = vector.load %arg9[%get3A_58, %get3A_59] : memref<1x256xf32, #tpu.memory_space<vmem>>, vector<1x256xf32>
    %add3A_61 = vector.broadcast %get3A_60 : vector<1x256xf32> to vector<1000x256xf32>
    %add3A_62 = arith.addf %add3A_57, %add3A_61 : vector<1000x256xf32>
    %custom_jvp_call3A = arith.constant 0.000000e+00 : f32
    %max3A = vector.broadcast %custom_jvp_call3A : f32 to vector<1000x256xf32>
    %max3A_63 = arith.maximumf %add3A_62, %max3A : vector<1000x256xf32>
    %sub3A_64 = vector.broadcast %custom_jvp_call3A : f32 to vector<1000x256xf32>
    %sub3A_65 = arith.subf %add3A_62, %sub3A_64 : vector<1000x256xf32>
    %ne3A_66 = arith.cmpf one, %sub3A_65, %sub3A_65 : vector<1000x256xf32>
    %add3A_67 = vector.broadcast %custom_jvp_call3A : f32 to vector<1000x256xf32>
    %add3A_68 = arith.addf %add3A_62, %add3A_67 : vector<1000x256xf32>
    %abs3A = math.absf %sub3A_65 : vector<1000x256xf32>
    %neg3A = arith.constant 0.000000e+00 : f32
    %neg3A_69 = vector.broadcast %neg3A : f32 to vector<1000x256xf32>
    %neg3A_70 = arith.subf %neg3A_69, %abs3A : vector<1000x256xf32>
    %exp3A = math.exp %neg3A_70 : vector<1000x256xf32>
    %log1p3A = math.log1p %exp3A : vector<1000x256xf32>
    %add3A_71 = arith.addf %max3A_63, %log1p3A : vector<1000x256xf32>
    %select_n3A_72 = arith.select %ne3A_66, %add3A_68, %add3A_71 : vector<1000x256xi1>, vector<1000x256xf32>
    %sub3A_73 = arith.constant 0.693147182 : f32
    %sub3A_74 = vector.broadcast %sub3A_73 : f32 to vector<1000x256xf32>
    %sub3A_75 = arith.subf %select_n3A_72, %sub3A_74 : vector<1000x256xf32>
    %convert_element_type3A_76 = arith.truncf %sub3A_75 : vector<1000x256xf32> to vector<1000x256xbf16>
    %get3A_77 = arith.constant 0 : index
    %get3A_78 = arith.constant 0 : index
    %get3A_79 = vector.load %arg10[%get3A_77, %get3A_78] : memref<256x256xbf16, #tpu.memory_space<vmem>>, vector<256x256xbf16>
    %dot_general3A_80 = arith.constant dense<0.000000e+00> : vector<1000x256xf32>
    %dot_general3A_81 = tpu.matmul %convert_element_type3A_76, %get3A_79, %dot_general3A_80 {dimension_numbers = #tpu.dot_dimension_numbers<[1], [0], [0], [1], [0, 0, 1, 1], [], []>, transpose_lhs_hint = false} : vector<1000x256xbf16>, vector<256x256xbf16>, vector<1000x256xf32> -> vector<1000x256xf32>
    %get3A_82 = arith.constant 0 : index
    %get3A_83 = arith.constant 0 : index
    %get3A_84 = vector.load %arg11[%get3A_82, %get3A_83] : memref<1x256xf32, #tpu.memory_space<vmem>>, vector<1x256xf32>
    %add3A_85 = vector.broadcast %get3A_84 : vector<1x256xf32> to vector<1000x256xf32>
    %add3A_86 = arith.addf %dot_general3A_81, %add3A_85 : vector<1000x256xf32>
    %custom_jvp_call3A_87 = arith.constant 0.000000e+00 : f32
    %max3A_88 = vector.broadcast %custom_jvp_call3A_87 : f32 to vector<1000x256xf32>
    %max3A_89 = arith.maximumf %add3A_86, %max3A_88 : vector<1000x256xf32>
    %sub3A_90 = vector.broadcast %custom_jvp_call3A_87 : f32 to vector<1000x256xf32>
    %sub3A_91 = arith.subf %add3A_86, %sub3A_90 : vector<1000x256xf32>
    %ne3A_92 = arith.cmpf one, %sub3A_91, %sub3A_91 : vector<1000x256xf32>
    %add3A_93 = vector.broadcast %custom_jvp_call3A_87 : f32 to vector<1000x256xf32>
    %add3A_94 = arith.addf %add3A_86, %add3A_93 : vector<1000x256xf32>
    %abs3A_95 = math.absf %sub3A_91 : vector<1000x256xf32>
    %neg3A_96 = arith.constant 0.000000e+00 : f32
    %neg3A_97 = vector.broadcast %neg3A_96 : f32 to vector<1000x256xf32>
    %neg3A_98 = arith.subf %neg3A_97, %abs3A_95 : vector<1000x256xf32>
    %exp3A_99 = math.exp %neg3A_98 : vector<1000x256xf32>
    %log1p3A_100 = math.log1p %exp3A_99 : vector<1000x256xf32>
    %add3A_101 = arith.addf %max3A_89, %log1p3A_100 : vector<1000x256xf32>
    %select_n3A_102 = arith.select %ne3A_92, %add3A_94, %add3A_101 : vector<1000x256xi1>, vector<1000x256xf32>
    %sub3A_103 = arith.constant 0.693147182 : f32
    %sub3A_104 = vector.broadcast %sub3A_103 : f32 to vector<1000x256xf32>
    %sub3A_105 = arith.subf %select_n3A_102, %sub3A_104 : vector<1000x256xf32>
    %convert_element_type3A_106 = arith.truncf %sub3A_105 : vector<1000x256xf32> to vector<1000x256xbf16>
    %get3A_107 = arith.constant 0 : index
    %get3A_108 = arith.constant 0 : index
    %get3A_109 = vector.load %arg12[%get3A_107, %get3A_108] : memref<256x128xbf16, #tpu.memory_space<vmem>>, vector<256x128xbf16>
    %dot_general3A_110 = arith.constant dense<0.000000e+00> : vector<1000x128xf32>
    %dot_general3A_111 = tpu.matmul %convert_element_type3A_106, %get3A_109, %dot_general3A_110 {dimension_numbers = #tpu.dot_dimension_numbers<[1], [0], [0], [1], [0, 0, 1, 1], [], []>, transpose_lhs_hint = false} : vector<1000x256xbf16>, vector<256x128xbf16>, vector<1000x128xf32> -> vector<1000x128xf32>
    %get3A_112 = arith.constant 0 : index
    %get3A_113 = arith.constant 0 : index
    %get3A_114 = vector.load %arg13[%get3A_112, %get3A_113] : memref<1x128xf32, #tpu.memory_space<vmem>>, vector<1x128xf32>
    %add3A_115 = vector.broadcast %get3A_114 : vector<1x128xf32> to vector<1000x128xf32>
    %add3A_116 = arith.addf %dot_general3A_111, %add3A_115 : vector<1000x128xf32>
    %custom_jvp_call3A_117 = arith.constant 0.000000e+00 : f32
    %max3A_118 = vector.broadcast %custom_jvp_call3A_117 : f32 to vector<1000x128xf32>
    %max3A_119 = arith.maximumf %add3A_116, %max3A_118 : vector<1000x128xf32>
    %sub3A_120 = vector.broadcast %custom_jvp_call3A_117 : f32 to vector<1000x128xf32>
    %sub3A_121 = arith.subf %add3A_116, %sub3A_120 : vector<1000x128xf32>
    %ne3A_122 = arith.cmpf one, %sub3A_121, %sub3A_121 : vector<1000x128xf32>
    %add3A_123 = vector.broadcast %custom_jvp_call3A_117 : f32 to vector<1000x128xf32>
    %add3A_124 = arith.addf %add3A_116, %add3A_123 : vector<1000x128xf32>
    %abs3A_125 = math.absf %sub3A_121 : vector<1000x128xf32>
    %neg3A_126 = arith.constant 0.000000e+00 : f32
    %neg3A_127 = vector.broadcast %neg3A_126 : f32 to vector<1000x128xf32>
    %neg3A_128 = arith.subf %neg3A_127, %abs3A_125 : vector<1000x128xf32>
    %exp3A_129 = math.exp %neg3A_128 : vector<1000x128xf32>
    %log1p3A_130 = math.log1p %exp3A_129 : vector<1000x128xf32>
    %add3A_131 = arith.addf %max3A_119, %log1p3A_130 : vector<1000x128xf32>
    %select_n3A_132 = arith.select %ne3A_122, %add3A_124, %add3A_131 : vector<1000x128xi1>, vector<1000x128xf32>
    %sub3A_133 = arith.constant 0.693147182 : f32
    %sub3A_134 = vector.broadcast %sub3A_133 : f32 to vector<1000x128xf32>
    %sub3A_135 = arith.subf %select_n3A_132, %sub3A_134 : vector<1000x128xf32>
    %get3A_136 = arith.constant 0 : index
    %get3A_137 = arith.constant 0 : index
    %get3A_138 = vector.load %arg4[%get3A_136, %get3A_137] : memref<1000x128xf32, #tpu.memory_space<vmem>>, vector<1000x128xf32>
    %add3A_139 = arith.addf %get3A_138, %sub3A_135 : vector<1000x128xf32>
    %swap3A = arith.constant 0 : index
    %swap3A_140 = arith.constant 0 : index
    %swap3A_141 = vector.load %arg14[%swap3A, %swap3A_140] : memref<1000x128xf32, #tpu.memory_space<vmem>>, vector<1000x128xf32>
    tpu.vector_store %arg14[%swap3A, %swap3A_140], %add3A_139 {strides = array<i32>} : memref<1000x128xf32, #tpu.memory_space<vmem>>, vector<1000x128xf32>,
    %get3A_142 = arith.constant 0 : index
    %get3A_143 = arith.constant 0 : index
    %get3A_144 = arith.constant 0 : index
    %get3A_145 = vector.load %arg6[%get3A_142, %get3A_143, %get3A_144] : memref<1x1x1000xi32, #tpu.memory_space<vmem>>, vector<1x1x1000xi32>
    %get3A_146 = vector.shape_cast %get3A_145 : vector<1x1x1000xi32> to vector<1x1000xi32>
    %iota3A_147 = tpu.iota {dimensions = array<i32: 0>} : vector<128x1000xi32>
    %eq3A_148 = vector.broadcast %get3A_146 : vector<1x1000xi32> to vector<128x1000xi32>
    %eq3A_149 = arith.cmpi eq, %iota3A_147, %eq3A_148 : vector<128x1000xi32>
    %convert_element_type3A_150 = arith.extui %eq3A_149 : vector<128x1000xi1> to vector<128x1000xi32>
    %convert_element_type3A_151 = arith.sitofp %convert_element_type3A_150 : vector<128x1000xi32> to vector<128x1000xf32>
    %dot_general3A_152 = arith.constant dense<0.000000e+00> : vector<128x128xf32>
    %dot_general3A_153 = tpu.matmul %convert_element_type3A_151, %sub3A_135, %dot_general3A_152 {dimension_numbers = #tpu.dot_dimension_numbers<[1], [0], [0], [1], [0, 0, 1, 1], [], []>, transpose_lhs_hint = false} : vector<128x1000xf32>, vector<1000x128xf32>, vector<128x128xf32> -> vector<128x128xf32>
    %eq3A_154 = arith.constant 0 : i32
    %eq3A_155 = arith.cmpi eq, %arg0, %eq3A_154 : i32
    %convert_element_type3A_156 = arith.extui %eq3A_155 : i1 to i32
    %cond3A = arith.constant 0 : i32
    %cond3A_157 = arith.cmpi ne, %convert_element_type3A_156, %cond3A : i32
    scf.if %cond3A_157 {
      %swap3A_162 = arith.constant 0 : index
      %swap3A_163 = arith.constant 0 : index
      %swap3A_164 = vector.load %arg15[%swap3A_162, %swap3A_163] : memref<128x128xf32, #tpu.memory_space<vmem>>, vector<128x128xf32>
      tpu.vector_store %arg15[%swap3A_162, %swap3A_163], %dot_general3A_153 {strides = array<i32>} : memref<128x128xf32, #tpu.memory_space<vmem>>, vector<128x128xf32>,
    } else {
    }
    %gt3A = arith.constant 0 : i32
    %gt3A_158 = arith.cmpi sgt, %arg0, %gt3A : i32
    %convert_element_type3A_159 = arith.extui %gt3A_158 : i1 to i32
    %cond3A_160 = arith.constant 0 : i32
    %cond3A_161 = arith.cmpi ne, %convert_element_type3A_159, %cond3A_160 : i32
    scf.if %cond3A_161 {
      %get3A_162 = arith.constant 0 : index
      %get3A_163 = arith.constant 0 : index
      %get3A_164 = vector.load %arg15[%get3A_162, %get3A_163] : memref<128x128xf32, #tpu.memory_space<vmem>>, vector<128x128xf32>
      %add3A_165 = arith.addf %get3A_164, %dot_general3A_153 : vector<128x128xf32>
      %swap3A_166 = arith.constant 0 : index
      %swap3A_167 = arith.constant 0 : index
      %swap3A_168 = vector.load %arg15[%swap3A_166, %swap3A_167] : memref<128x128xf32, #tpu.memory_space<vmem>>, vector<128x128xf32>
      tpu.vector_store %arg15[%swap3A_166, %swap3A_167], %add3A_165 {strides = array<i32>} : memref<128x128xf32, #tpu.memory_space<vmem>>, vector<128x128xf32>,
    } else {
    }
    return
  }
  func.func @transform_0(%arg0: i32) -> (i32, i32, i32) {
    %c0_i32 = arith.constant 0 : i32
    %c0_i32_0 = arith.constant 0 : i32
    %c0_i32_1 = arith.constant 0 : i32
    return %c0_i32, %arg0, %c0_i32_0 : i32, i32, i32
  }
  func.func @transform_1(%arg0: i32) -> (i32, i32, i32) {
    %c1_i32 = arith.constant 1 : i32
    %c0_i32 = arith.constant 0 : i32
    %c0_i32_0 = arith.constant 0 : i32
    return %c1_i32, %arg0, %c0_i32 : i32, i32, i32
  }
  func.func @transform_2(%arg0: i32) -> (i32, i32) {
    %c0_i32 = arith.constant 0 : i32
    %c0_i32_0 = arith.constant 0 : i32
    return %arg0, %c0_i32 : i32, i32
  }
  func.func @transform_3(%arg0: i32) -> (i32, i32) {
    %c0_i32 = arith.constant 0 : i32
    %c0_i32_0 = arith.constant 0 : i32
    return %arg0, %c0_i32 : i32, i32
  }
  func.func @transform_4(%arg0: i32) -> (i32, i32) {
    %c0_i32 = arith.constant 0 : i32
    %c0_i32_0 = arith.constant 0 : i32
    %c0_i32_1 = arith.constant 0 : i32
    return %c0_i32, %c0_i32_0 : i32, i32
  }
  func.func @transform_5(%arg0: i32) -> (i32, i32, i32) {
    %c0_i32 = arith.constant 0 : i32
    %c0_i32_0 = arith.constant 0 : i32
    %c0_i32_1 = arith.constant 0 : i32
    return %arg0, %c0_i32, %c0_i32_0 : i32, i32, i32
  }
  func.func @transform_6(%arg0: i32) -> (i32, i32) {
    %c0_i32 = arith.constant 0 : i32
    %c0_i32_0 = arith.constant 0 : i32
    %c0_i32_1 = arith.constant 0 : i32
    return %c0_i32, %c0_i32_0 : i32, i32
  }
  func.func @transform_7(%arg0: i32) -> (i32, i32) {
    %c0_i32 = arith.constant 0 : i32
    %c0_i32_0 = arith.constant 0 : i32
    %c0_i32_1 = arith.constant 0 : i32
    return %c0_i32, %c0_i32_0 : i32, i32
  }
  func.func @transform_8(%arg0: i32) -> (i32, i32) {
    %c0_i32 = arith.constant 0 : i32
    %c0_i32_0 = arith.constant 0 : i32
    %c0_i32_1 = arith.constant 0 : i32
    return %c0_i32, %c0_i32_0 : i32, i32
  }
  func.func @transform_9(%arg0: i32) -> (i32, i32) {
    %c0_i32 = arith.constant 0 : i32
    %c0_i32_0 = arith.constant 0 : i32
    %c0_i32_1 = arith.constant 0 : i32
    return %c0_i32, %c0_i32_0 : i32, i32
  }
  func.func @transform_10(%arg0: i32) -> (i32, i32) {
    %c0_i32 = arith.constant 0 : i32
    %c0_i32_0 = arith.constant 0 : i32
    %c0_i32_1 = arith.constant 0 : i32
    return %c0_i32, %c0_i32_0 : i32, i32
  }
  func.func @transform_11(%arg0: i32) -> (i32, i32) {
    %c0_i32 = arith.constant 0 : i32
    %c0_i32_0 = arith.constant 0 : i32
    %c0_i32_1 = arith.constant 0 : i32
    return %c0_i32, %c0_i32_0 : i32, i32
  }
  func.func @transform_12(%arg0: i32) -> (i32, i32) {
    %c0_i32 = arith.constant 0 : i32
    %c0_i32_0 = arith.constant 0 : i32
    %c0_i32_1 = arith.constant 0 : i32
    return %c0_i32, %c0_i32_0 : i32, i32
  }
  func.func @transform_13(%arg0: i32) -> (i32, i32) {
    %c0_i32 = arith.constant 0 : i32
    %c0_i32_0 = arith.constant 0 : i32
    return %arg0, %c0_i32 : i32, i32
  }
  func.func @transform_14(%arg0: i32) -> (i32, i32) {
    %c0_i32 = arith.constant 0 : i32
    %c0_i32_0 = arith.constant 0 : i32
    %c0_i32_1 = arith.constant 0 : i32
    return %c0_i32, %c0_i32_0 : i32, i32
  }
}

module attributes {stable_mosaic.version = 14 : i64} {
  func.func @_k5_body(%arg0: memref<128x128xf32, #tpu.memory_space<vmem>>, %arg1: memref<128x128xf32, #tpu.memory_space<vmem>>, %arg2: memref<128x128xf32, #tpu.memory_space<vmem>>, %arg3: memref<128x128xf32, #tpu.memory_space<vmem>>, %arg4: memref<128x256xf32, #tpu.memory_space<vmem>>, %arg5: memref<128x256xf32, #tpu.memory_space<vmem>>, %arg6: memref<128x256xf32, #tpu.memory_space<vmem>>, %arg7: memref<1x256xf32, #tpu.memory_space<vmem>>, %arg8: memref<256x256xf32, #tpu.memory_space<vmem>>, %arg9: memref<1x256xf32, #tpu.memory_space<vmem>>, %arg10: memref<256x128xf32, #tpu.memory_space<vmem>>, %arg11: memref<1x128xf32, #tpu.memory_space<vmem>>, %arg12: memref<128x128xf32, #tpu.memory_space<vmem>>) attributes {dimension_semantics = [], scalar_prefetch = 0 : i64, scratch_operands = 0 : i64, tpu.core_type = #tpu.core_type<tc>} {
    %get3A = arith.constant 0 : index
    %get3A_0 = arith.constant 0 : index
    %get3A_1 = vector.load %arg0[%get3A, %get3A_0] : memref<128x128xf32, #tpu.memory_space<vmem>>, vector<128x128xf32>
    %get3A_2 = arith.constant 0 : index
    %get3A_3 = arith.constant 0 : index
    %get3A_4 = vector.load %arg4[%get3A_2, %get3A_3] : memref<128x256xf32, #tpu.memory_space<vmem>>, vector<128x256xf32>
    %dot_general3A = arith.constant dense<0.000000e+00> : vector<128x256xf32>
    %dot_general3A_5 = tpu.matmul %get3A_1, %get3A_4, %dot_general3A {dimension_numbers = #tpu.dot_dimension_numbers<[1], [0], [0], [1], [0, 0, 1, 1], [], []>, transpose_lhs_hint = false} : vector<128x128xf32>, vector<128x256xf32>, vector<128x256xf32> -> vector<128x256xf32>
    %get3A_6 = arith.constant 0 : index
    %get3A_7 = arith.constant 0 : index
    %get3A_8 = vector.load %arg1[%get3A_6, %get3A_7] : memref<128x128xf32, #tpu.memory_space<vmem>>, vector<128x128xf32>
    %get3A_9 = arith.constant 0 : index
    %get3A_10 = arith.constant 0 : index
    %get3A_11 = vector.load %arg5[%get3A_9, %get3A_10] : memref<128x256xf32, #tpu.memory_space<vmem>>, vector<128x256xf32>
    %dot_general3A_12 = arith.constant dense<0.000000e+00> : vector<128x256xf32>
    %dot_general3A_13 = tpu.matmul %get3A_8, %get3A_11, %dot_general3A_12 {dimension_numbers = #tpu.dot_dimension_numbers<[1], [0], [0], [1], [0, 0, 1, 1], [], []>, transpose_lhs_hint = false} : vector<128x128xf32>, vector<128x256xf32>, vector<128x256xf32> -> vector<128x256xf32>
    %add3A = arith.addf %dot_general3A_5, %dot_general3A_13 : vector<128x256xf32>
    %get3A_14 = arith.constant 0 : index
    %get3A_15 = arith.constant 0 : index
    %get3A_16 = vector.load %arg2[%get3A_14, %get3A_15] : memref<128x128xf32, #tpu.memory_space<vmem>>, vector<128x128xf32>
    %get3A_17 = arith.constant 0 : index
    %get3A_18 = arith.constant 0 : index
    %get3A_19 = vector.load %arg6[%get3A_17, %get3A_18] : memref<128x256xf32, #tpu.memory_space<vmem>>, vector<128x256xf32>
    %dot_general3A_20 = arith.constant dense<0.000000e+00> : vector<128x256xf32>
    %dot_general3A_21 = tpu.matmul %get3A_16, %get3A_19, %dot_general3A_20 {dimension_numbers = #tpu.dot_dimension_numbers<[1], [0], [0], [1], [0, 0, 1, 1], [], []>, transpose_lhs_hint = false} : vector<128x128xf32>, vector<128x256xf32>, vector<128x256xf32> -> vector<128x256xf32>
    %add3A_22 = arith.addf %add3A, %dot_general3A_21 : vector<128x256xf32>
    %get3A_23 = arith.constant 0 : index
    %get3A_24 = arith.constant 0 : index
    %get3A_25 = vector.load %arg7[%get3A_23, %get3A_24] : memref<1x256xf32, #tpu.memory_space<vmem>>, vector<1x256xf32>
    %add3A_26 = vector.broadcast %get3A_25 : vector<1x256xf32> to vector<128x256xf32>
    %add3A_27 = arith.addf %add3A_22, %add3A_26 : vector<128x256xf32>
    %custom_jvp_call3A = arith.constant 0.000000e+00 : f32
    %max3A = vector.broadcast %custom_jvp_call3A : f32 to vector<128x256xf32>
    %max3A_28 = arith.maximumf %add3A_27, %max3A : vector<128x256xf32>
    %sub3A = vector.broadcast %custom_jvp_call3A : f32 to vector<128x256xf32>
    %sub3A_29 = arith.subf %add3A_27, %sub3A : vector<128x256xf32>
    %ne3A = arith.cmpf one, %sub3A_29, %sub3A_29 : vector<128x256xf32>
    %add3A_30 = vector.broadcast %custom_jvp_call3A : f32 to vector<128x256xf32>
    %add3A_31 = arith.addf %add3A_27, %add3A_30 : vector<128x256xf32>
    %abs3A = math.absf %sub3A_29 : vector<128x256xf32>
    %neg3A = arith.constant 0.000000e+00 : f32
    %neg3A_32 = vector.broadcast %neg3A : f32 to vector<128x256xf32>
    %neg3A_33 = arith.subf %neg3A_32, %abs3A : vector<128x256xf32>
    %exp3A = math.exp %neg3A_33 : vector<128x256xf32>
    %log1p3A = math.log1p %exp3A : vector<128x256xf32>
    %add3A_34 = arith.addf %max3A_28, %log1p3A : vector<128x256xf32>
    %select_n3A = arith.select %ne3A, %add3A_31, %add3A_34 : vector<128x256xi1>, vector<128x256xf32>
    %sub3A_35 = arith.constant 0.693147182 : f32
    %sub3A_36 = vector.broadcast %sub3A_35 : f32 to vector<128x256xf32>
    %sub3A_37 = arith.subf %select_n3A, %sub3A_36 : vector<128x256xf32>
    %get3A_38 = arith.constant 0 : index
    %get3A_39 = arith.constant 0 : index
    %get3A_40 = vector.load %arg8[%get3A_38, %get3A_39] : memref<256x256xf32, #tpu.memory_space<vmem>>, vector<256x256xf32>
    %dot_general3A_41 = arith.constant dense<0.000000e+00> : vector<128x256xf32>
    %dot_general3A_42 = tpu.matmul %sub3A_37, %get3A_40, %dot_general3A_41 {dimension_numbers = #tpu.dot_dimension_numbers<[1], [0], [0], [1], [0, 0, 1, 1], [], []>, transpose_lhs_hint = false} : vector<128x256xf32>, vector<256x256xf32>, vector<128x256xf32> -> vector<128x256xf32>
    %get3A_43 = arith.constant 0 : index
    %get3A_44 = arith.constant 0 : index
    %get3A_45 = vector.load %arg9[%get3A_43, %get3A_44] : memref<1x256xf32, #tpu.memory_space<vmem>>, vector<1x256xf32>
    %add3A_46 = vector.broadcast %get3A_45 : vector<1x256xf32> to vector<128x256xf32>
    %add3A_47 = arith.addf %dot_general3A_42, %add3A_46 : vector<128x256xf32>
    %custom_jvp_call3A_48 = arith.constant 0.000000e+00 : f32
    %max3A_49 = vector.broadcast %custom_jvp_call3A_48 : f32 to vector<128x256xf32>
    %max3A_50 = arith.maximumf %add3A_47, %max3A_49 : vector<128x256xf32>
    %sub3A_51 = vector.broadcast %custom_jvp_call3A_48 : f32 to vector<128x256xf32>
    %sub3A_52 = arith.subf %add3A_47, %sub3A_51 : vector<128x256xf32>
    %ne3A_53 = arith.cmpf one, %sub3A_52, %sub3A_52 : vector<128x256xf32>
    %add3A_54 = vector.broadcast %custom_jvp_call3A_48 : f32 to vector<128x256xf32>
    %add3A_55 = arith.addf %add3A_47, %add3A_54 : vector<128x256xf32>
    %abs3A_56 = math.absf %sub3A_52 : vector<128x256xf32>
    %neg3A_57 = arith.constant 0.000000e+00 : f32
    %neg3A_58 = vector.broadcast %neg3A_57 : f32 to vector<128x256xf32>
    %neg3A_59 = arith.subf %neg3A_58, %abs3A_56 : vector<128x256xf32>
    %exp3A_60 = math.exp %neg3A_59 : vector<128x256xf32>
    %log1p3A_61 = math.log1p %exp3A_60 : vector<128x256xf32>
    %add3A_62 = arith.addf %max3A_50, %log1p3A_61 : vector<128x256xf32>
    %select_n3A_63 = arith.select %ne3A_53, %add3A_55, %add3A_62 : vector<128x256xi1>, vector<128x256xf32>
    %sub3A_64 = arith.constant 0.693147182 : f32
    %sub3A_65 = vector.broadcast %sub3A_64 : f32 to vector<128x256xf32>
    %sub3A_66 = arith.subf %select_n3A_63, %sub3A_65 : vector<128x256xf32>
    %get3A_67 = arith.constant 0 : index
    %get3A_68 = arith.constant 0 : index
    %get3A_69 = vector.load %arg10[%get3A_67, %get3A_68] : memref<256x128xf32, #tpu.memory_space<vmem>>, vector<256x128xf32>
    %dot_general3A_70 = arith.constant dense<0.000000e+00> : vector<128x128xf32>
    %dot_general3A_71 = tpu.matmul %sub3A_66, %get3A_69, %dot_general3A_70 {dimension_numbers = #tpu.dot_dimension_numbers<[1], [0], [0], [1], [0, 0, 1, 1], [], []>, transpose_lhs_hint = false} : vector<128x256xf32>, vector<256x128xf32>, vector<128x128xf32> -> vector<128x128xf32>
    %get3A_72 = arith.constant 0 : index
    %get3A_73 = arith.constant 0 : index
    %get3A_74 = vector.load %arg11[%get3A_72, %get3A_73] : memref<1x128xf32, #tpu.memory_space<vmem>>, vector<1x128xf32>
    %add3A_75 = vector.broadcast %get3A_74 : vector<1x128xf32> to vector<128x128xf32>
    %add3A_76 = arith.addf %dot_general3A_71, %add3A_75 : vector<128x128xf32>
    %custom_jvp_call3A_77 = arith.constant 0.000000e+00 : f32
    %max3A_78 = vector.broadcast %custom_jvp_call3A_77 : f32 to vector<128x128xf32>
    %max3A_79 = arith.maximumf %add3A_76, %max3A_78 : vector<128x128xf32>
    %sub3A_80 = vector.broadcast %custom_jvp_call3A_77 : f32 to vector<128x128xf32>
    %sub3A_81 = arith.subf %add3A_76, %sub3A_80 : vector<128x128xf32>
    %ne3A_82 = arith.cmpf one, %sub3A_81, %sub3A_81 : vector<128x128xf32>
    %add3A_83 = vector.broadcast %custom_jvp_call3A_77 : f32 to vector<128x128xf32>
    %add3A_84 = arith.addf %add3A_76, %add3A_83 : vector<128x128xf32>
    %abs3A_85 = math.absf %sub3A_81 : vector<128x128xf32>
    %neg3A_86 = arith.constant 0.000000e+00 : f32
    %neg3A_87 = vector.broadcast %neg3A_86 : f32 to vector<128x128xf32>
    %neg3A_88 = arith.subf %neg3A_87, %abs3A_85 : vector<128x128xf32>
    %exp3A_89 = math.exp %neg3A_88 : vector<128x128xf32>
    %log1p3A_90 = math.log1p %exp3A_89 : vector<128x128xf32>
    %add3A_91 = arith.addf %max3A_79, %log1p3A_90 : vector<128x128xf32>
    %select_n3A_92 = arith.select %ne3A_82, %add3A_84, %add3A_91 : vector<128x128xi1>, vector<128x128xf32>
    %sub3A_93 = arith.constant 0.693147182 : f32
    %sub3A_94 = vector.broadcast %sub3A_93 : f32 to vector<128x128xf32>
    %sub3A_95 = arith.subf %select_n3A_92, %sub3A_94 : vector<128x128xf32>
    %get3A_96 = arith.constant 0 : index
    %get3A_97 = arith.constant 0 : index
    %get3A_98 = vector.load %arg3[%get3A_96, %get3A_97] : memref<128x128xf32, #tpu.memory_space<vmem>>, vector<128x128xf32>
    %add3A_99 = arith.addf %get3A_98, %sub3A_95 : vector<128x128xf32>
    %swap3A = arith.constant 0 : index
    %swap3A_100 = arith.constant 0 : index
    %swap3A_101 = vector.load %arg12[%swap3A, %swap3A_100] : memref<128x128xf32, #tpu.memory_space<vmem>>, vector<128x128xf32>
    tpu.vector_store %arg12[%swap3A, %swap3A_100], %add3A_99 {strides = array<i32>} : memref<128x128xf32, #tpu.memory_space<vmem>>, vector<128x128xf32>,
    return
  }
}

</mosaic_0001>

<sc_bundles>
// kernel: kernel.10.cloned.1.call-start
scs
__scs_entry_jumppad:
0x0: {  	(pc) =	sbr.rel $0x88, $3  }
0x1: {  	(tag) =	ssettag $0x0;
	lr =	simm.s32 $0x1  }
0x2: {  	[smem:$0x3F7D] =	sst lr;
	_ =	strace $0xD0000000  }
0x3: {  	_ = 	snop  }
0x4: {  	_ = 	snop  }
0x5: {  	_ = 	snop  }
0x6: {  	_ = 	snop  }
0x7: {  	_ = 	snop  }
__scs_overlays_trampoline_lowered:
0x8: {  	[smem:$0x3F8C] =	sst s0  }
0x9: {  	[smem:$0x3F8D] =	sst s1  }
0xa: {  	[smem:$0x3F8E] =	sst s2  }
0xb: {  	[smem:$0x3F8F] =	sst s3  }
0xc: {  	[smem:$0x3F90] =	sst s4  }
0xd: {  	[smem:$0x3F91] =	sst s5  }
0xe: {  	[smem:$0x3F92] =	sst s6  }
0xf: {  	[smem:$0x3F93] =	sst s7  }
0x10: {  	[smem:$0x3F94] =	sst s8  }
0x11: {  	[smem:$0x3F95] =	sst s9;
	s0 =	simm.s32 @!p0 $0x0  }
0x12: {  	s1 =	sld [smem:$0x3F7B];
	s0 =	simm.s32 @p0 $0x1  }
0x13: {  	[smem:$0x3F96] =	sst s0;
	s0 =	simm.s32 @!p1 $0x0  }
0x14: {  	s2 =	sld [smem:$0x3F7A];
	s0 =	simm.s32 @p1 $0x1  }
0x15: {  	[smem:$0x3F97] =	sst s0;
	s0 =	simm.s32 @!p2 $0x0  }
0x16: {  	s3 =	sld [smem:$0x3FDB];
	s0 =	simm.s32 @p2 $0x1  }
0x17: {  	s4 =	simm.s32 $0x1BF5;
	[smem:$0x3F99] =	sst s0  }
0x18: {  	s0 =	sld [smem:$0x3F7C];
	_ =	swait.ge [sflag:s4], $0x0  }
0x19: {  	s7 =	sld [smem:$0x3F7D]  }
0x1a: {  	s8 =	sadd.s32 $0xFFFFE003, lr  }
0x1b: {  	s9 =	sadd.s32 $0xFFFFFEF7, lr;
	s5 =	simm.s32 $0xFFFFFFFF;
	p2 =	slt.u32 s8, $0xFFFFF086  }
0x1c: {  	p1 =	slt.u32 s9, $0xF7A;
	s5 =	simm.s32 @!p2 $0x0  }
0x1d: {  	s5 =	simm.s32 @p1 $0x1;
	p0 =	seq.s32 s7, s2  }
0x1e: {  	s7 =	smul.u32 @!p0 $0xF7A, s2;
	p2 =	seq.s32 @!p0 s5, $0x0  }
0x1f: {  	s9 =	smul.u32 $0xF7A, s1;
	s8 =	simm.s32 @!p0 $0x1BF5;
	p2 =	por !p2, p0  }
0x20: {  	[sflag:s8] =	ssyncset.s32 @!p0 $0xFFFFF086;
	s6 =	sadd.s32 @!p0 s3, s7;
	s7 =	simm.s32 @!p0 $0x108  }
0x21: {  	s3 =	sadd.s32 s3, s9;
	s6 =	sadd.s32 @!p0 $0x88, s6;
	s7 =	simm.s32 @p2 $0x1082  }
0x22: {  	[simem:s7], [sflag:s8] =	dma.local @!p0 [hbm:s6], $0xF7A  }
0x23: {  	s9 =	sor.u32 $0xD0000000, s2;
	s6 =	simm.s32 $0x108;
	_ =	swait.ge @!p0 [sflag:s8], $0x0  }
0x24: {  	s3 =	sadd.s32 $0x88, s3;
	s6 =	simm.s32 @!p1 $0x1082;
	[sflag:s4] =	ssyncset.s32 $0xFFFFF086  }
0x25: {  	[simem:s6], [sflag:s4] =	dma.local [hbm:s3], $0xF7A  }
0x26: {  	[smem:$0x3F7D] =	sst s1;
	(tag) =	ssettag s2;
	_ =	strace s9  }
0x27: {  	s1 =	sld [smem:$0x3F8D]  }
0x28: {  	s2 =	sld [smem:$0x3F8E]  }
0x29: {  	s4 =	sld [smem:$0x3F90]  }
0x2a: {  	p0 =	seq.s32 s5, $0x0;
	s5 =	sld [smem:$0x3F91]  }
0x2b: {  	s6 =	sld [smem:$0x3F92]  }
0x2c: {  	s7 =	sld [smem:$0x3F93]  }
0x2d: {  	s3 =	simm.s32 $0x108;
	s8 =	sld [smem:$0x3F94]  }
0x2e: {  	s3 =	simm.s32 @!p0 $0x1082;
	s9 =	sld [smem:$0x3F95]  }
0x2f: {  	lr =	sadd.s32 s0, s3;
	s0 =	sld [smem:$0x3F8C]  }
0x30: {  	s3 =	sld [smem:$0x3F8F]  }
0x31: {  	[smem:$0x3F98] =	sst s10  }
0x32: {  	s10 =	sld [smem:$0x3F96];
	_ =	sdelay $0x3  }
0x33: {  	p0 =	seq.s32 s10, $0x1;
	s10 =	sld [smem:$0x3F98];
	_ =	sdelay $0x3  }
0x34: {  	[smem:$0x3F98] =	sst s10  }
0x35: {  	s10 =	sld [smem:$0x3F97];
	_ =	sdelay $0x3  }
0x36: {  	p1 =	seq.s32 s10, $0x1;
	s10 =	sld [smem:$0x3F98];
	_ =	sdelay $0x3  }
0x37: {  	[smem:$0x3F98] =	sst s10  }
0x38: {  	s10 =	sld [smem:$0x3F99]  }
0x39: {  	_ = 	snop;
	(pc) =	sbr.ind lr, $3  }
0x3a: {  	_ = 	snop  }
0x3b: {  	_ = 	snop  }
0x3c: {  	p2 =	seq.s32 s10, $0x1;
	s10 =	sld [smem:$0x3F98]  }
0x3d: {  	_ =	shalt  }
0x3e: {  	_ =	shalt  }
0x3f: {  	_ =	shalt  }
0x40: {  	_ =	shalt  }
0x41: {  	_ =	shalt  }
0x42: {  	_ =	shalt  }
0x43: {  	_ =	shalt  }
0x44: {  	_ =	shalt  }
0x45: {  	_ =	shalt  }
0x46: {  	_ =	shalt  }
0x47: {  	_ =	shalt  }
0x48: {  	_ =	shalt  }
0x49: {  	_ =	shalt  }
0x4a: {  	_ =	shalt  }
0x4b: {  	_ =	shalt  }
0x4c: {  	_ =	shalt  }
0x4d: {  	_ =	shalt  }
0x4e: {  	_ =	shalt  }
0x4f: {  	_ =	shalt  }
0x50: {  	_ =	shalt  }
0x51: {  	_ =	shalt  }
0x52: {  	_ =	shalt  }
0x53: {  	_ =	shalt  }
0x54: {  	_ =	shalt  }
0x55: {  	_ =	shalt  }
0x56: {  	_ =	shalt  }
0x57: {  	_ =	shalt  }
0x58: {  	_ =	shalt  }
0x59: {  	_ =	shalt  }
0x5a: {  	_ =	shalt  }
0x5b: {  	_ =	shalt  }
0x5c: {  	_ =	shalt  }
0x5d: {  	_ =	shalt  }
0x5e: {  	_ =	shalt  }
0x5f: {  	_ =	shalt  }
0x60: {  	_ =	shalt  }
0x61: {  	_ =	shalt  }
0x62: {  	_ =	shalt  }
0x63: {  	_ =	shalt  }
0x64: {  	_ =	shalt  }
0x65: {  	_ =	shalt  }
0x66: {  	_ =	shalt  }
0x67: {  	_ =	shalt  }
0x68: {  	_ =	shalt  }
0x69: {  	_ =	shalt  }
0x6a: {  	_ =	shalt  }
0x6b: {  	_ =	shalt  }
0x6c: {  	_ =	shalt  }
0x6d: {  	_ =	shalt  }
0x6e: {  	_ =	shalt  }
0x6f: {  	_ =	shalt  }
0x70: {  	_ =	shalt  }
0x71: {  	_ =	shalt  }
0x72: {  	_ =	shalt  }
0x73: {  	_ =	shalt  }
0x74: {  	_ =	shalt  }
0x75: {  	_ =	shalt  }
0x76: {  	_ =	shalt  }
0x77: {  	_ =	shalt  }
0x78: {  	_ =	shalt  }
0x79: {  	_ =	shalt  }
0x7a: {  	_ =	shalt  }
0x7b: {  	_ =	shalt  }
0x7c: {  	_ =	shalt  }
0x7d: {  	_ =	shalt  }
0x7e: {  	_ =	shalt  }
0x7f: {  	_ =	shalt  }
0x80: {  	_ =	shalt  }
0x81: {  	_ =	shalt  }
0x82: {  	_ =	shalt  }
0x83: {  	_ =	shalt  }
0x84: {  	_ =	shalt  }
0x85: {  	_ =	shalt  }
0x86: {  	_ =	shalt  }
0x87: {  	_ =	shalt  }
.Lfunc_end0:
.L_simem_size_0:
called_computation_lowered:
.L_overlay_start_0:
0x88: {  	s2 =	sld [smem:$0x3FD9]  }
0x89: {  	s3 =	sld [smem:$0x3FFE];
	_ =	sdelay $0x1  }
0x8a: {  	s1 =	srdreg.scid  }
0x8b: {  	s0 =	sand.u32 $0x1, s1  }
0x8c: {  	s14 =	sshll.u32 s0, $0xA;
	s2 =	sadd.s32 s3, s2  }
0x8d: {  	s2 =	sadd.s32 s2, s14  }
0x8e: {  	[smem:$0x3FA4] =	sst s2  }
0x8f: {  	_ = 	snop  }
0x90: {  	s2 =	sld [smem:$0x3FD0];
	_ =	sdelay $0x2  }
0x91: {  	s15 =	simm.s32 $0xA;
	s4 =	simm.s32 $0x10  }
0x92: {  	[smem:s4], [sflag:s15] =	dma.local [hbm:s2], $0x1  }
0x93: {  	_ =	swait.eq [sflag:s15], $0x1  }
0x94: {  	[sflag:s15] =	ssyncset.done $0x0  }
0x95: {  	s16 =	sld [smem:$0x10];
	[sflag:s15] =	ssyncadd.s32 $0xFFFFFFFF  }
0x96: {  	s17 =	sld [smem:$0x11];
	(tm) =	ssettm $0x1  }
0x97: {  	s18 =	sld [smem:$0x3FFB];
	_ =	sdelay $0x3  }
0x98: {  	_ =	strace s18  }
0x99: {  	s4 =	sld [smem:$0x3FFC];
	_ =	sdelay $0x3  }
0x9a: {  	_ =	strace s4  }
0x9b: {  	s4 =	sld [smem:$0x3FFD];
	_ =	sdelay $0x3  }
0x9c: {  	_ =	strace s4  }
0x9d: {  	_ =	strace $0x8FFFFFFF  }
0x9e: {  	s19 =	sld [smem:$0x3FDB];
	_ =	sdelay $0x1  }
0x9f: {  	s5 =	simm.s32 $_scs_section_size  }
0xa0: {  	s6 =	simm.s32 $_size__tile_overlayer_lowered;
	s7 =	simm.s32 $_tile_overlayer_lowered  }
0xa1: {  	s22 =	simm.s32 $0x1BFF;
	s21 =	sshll.u32 s7, $0x1;
	s4 =	sadd.s32 s5, s19  }
0xa2: {  	s8 =	simm.s32 $0x0;
	s20 =	sshll.u32 s6, $0x1;
	s6 =	sadd.s32 s21, s4  }
0xa3: {  	[timem:s8], [sflag:s22] =	dma.local [hbm:s6], s20  }
0xa4: {  	_ =	swait.ge [sflag:s22], s20  }
0xa5: {  	s5 =	ssub.s32 $0x0, s20;
	[sflag:s22] =	ssyncset.done $0x0  }
0xa6: {  	[sflag:s22] =	ssyncadd.s32 s5;
	_ =	sdelay $0x1  }
0xa7: {  	s23 =	simm.s32 $0x1B8B  }
0xa8: {  	_ =	swait.ge [sflag:s23], $0x1  }
0xa9: {  	[sflag:s23] =	ssyncset.done $0x0  }
0xaa: {  	s25 =	simm.s32 $0x1B8E;
	s24 =	sld [smem:$0x3FFE];
	[sflag:s23] =	ssyncadd.s32 $0xFFFFFFFF  }
0xab: {  	s26 =	simm.s32 $execute0_lowered;
	[smem:$0x3FD2] =	sst s25  }
0xac: {  	s6 =	sshll.u32 s26, $0x1;
	_ =	strace $0x80000046;
	[dreg:$0x1] =	wrdreg $0xFFFFFFFF  }
0xad: {  	s28 =	simm.s32 $_size_execute0_lowered;
	s4 =	sadd.s32 s4, s6;
	[dreg:$0x0] =	wrdreg $0x0  }
0xae: {  	s6 =	sshll.u32 s28, $0x1;
	[dreg:$0x2] =	wrdreg s4  }
0xaf: {  	[dreg:$0x3] =	wrdreg s6  }
0xb0: {  	[dreg:$0x4] =	wrdreg $0xC0  }
0xb1: {  	_ =	task [dreg:s8], $0x5FFFF  }
0xb2: {  	[dreg:$0x1] =	wrdreg $0xFFFFFFFF  }
0xb3: {  	[dreg:$0x0] =	wrdreg $0x60  }
0xb4: {  	[dreg:$0x2] =	wrdreg s17  }
0xb5: {  	[dreg:$0x3] =	wrdreg s16  }
0xb6: {  	[dreg:$0x4] =	wrdreg s24  }
0xb7: {  	[dreg:$0x5] =	wrdreg $0x9  }
0xb8: {  	_ =	task.clear_ibuf [dreg:s8], $0x6FFFF;
	_ =	strace $0x90000046  }
0xb9: {  	s29 =	simm.s32 $0x9;
	_ =	strace $0x8000004F  }
0xba: {  	_ =	swait.ge [sflag:s29], $0x1  }
0xbb: {  	[sflag:s29] =	ssyncadd.s32 $0xFFFFFFFF  }
0xbc: {  	_ =	strace $0x9000004F  }
0xbd: {  	_ =	sfence  }
0xbe: {  	s30 =	sld [smem:$0x0];
	_ =	sdelay $0x2  }
0xbf: {  	s31 =	sshll.u32 s1, $0xD;
	s1 =	sshrl.u32 s1, $0x2  }
0xc0: {  	s3 =	sand.u32 $0x4000, s31;
	s1 =	sadd.s32 s1, s30  }
0xc1: {  	s0 =	sor.u32 s3, s0;
	s1 =	sshll.u32 s1, $0x11  }
0xc2: {  	s0 =	sor.u32 s1, s0  }
0xc3: {  	s0 =	sadd.s32 $0x8F2B, s0  }
0xc4: {  	[sflag:s0] =	ssyncadd.remote.s32 $0x1  }
0xc5: {  	_ =	sfence.sel $0xFFFF  }
0xc6: {  	[dreg:$0x0] =	wrdreg $0xFFFFFFFF;
	(pc) =	sbr.abs _section_cstart, $3  }
0xc7: {  	[dreg:$0x1] =	wrdreg $0xFFFFFFFF  }
0xc8: {  	_ =	task.clear_ibuf [dreg:s8], $0x2FFFF;
	_ =	strace $0x9FFFFFFF  }
0xc9: {  	(tm) =	ssettm $0x7FFFFFFF  }
tec
execute0_lowered:
.L_overlay_start_1:
0x0: {  	(tag) =	ssettag $0x1  }
0x1: {  	s0 =	rddreg [dreg:$0x0]  }
0x2: {  	s28 =	srdreg.scid;
	s2 =	rddreg [dreg:$0x1]  }
0x3: {  	s4 =	rddreg [dreg:$0x2];
	s1 =	stileid.u32  }
0x4: {  	s3 =	simm.s32 $0x0;
	[dreg:$0x4] =	wrdreg s0;
	s5 =	sand.u32 $0x1, s28  }
0x5: {  	s10 =	simm.s32 $0x100;
	s0 =	rddreg [dreg:$0x3];
	s6 =	sshll.u32 s5, $0x4  }
0x6: {  	s11 =	simm.s32 $0x0;
	[smem:$0x7FF] =	sst s3;
	s6 =	sor.u32 s1, s6  }
0x7: {  	s9 =	sadd.s32 $0xB400, s4;
	_ =	strace $0x80000047;
	s7 =	smul.u32 $0x27, s6  }
0x8: {  	[dreg:$0x6] =	wrdreg s9;
	s29 =	ssub.s32 $0x2, s5;
	s8 =	smul.u32 $0x28, s6  }
0x9: {  	s5 =	simm.s32 $0x28;
	p0 =	slt.u32 s6, $0x2;
	s4 =	sadd.s32 $0x2, s7  }
0xa: {  	s9 =	simm.s32 $0x1;
	[dreg:$0x5] =	wrdreg s10;
	s4 =	smov.u32 @p0 s8  }
0xb: {  	s10 =	simm.s32 $0x5;
	s31 =	sshrl.u32 s29, $0x1;
	s30 =	sshll.u32 s4, $0x5  }
0xc: {  	s5 =	simm.s32 @!p0 $0x27;
	s8 =	ssub.s32 s29, s31;
	s7 =	sand.u32 $0x1FFFFFE0, s30  }
0xd: {  	s8 =	smax.u32 s8, $0x1;
	s6 =	sadd.s32 s2, s7;
	s7 =	sadd.s32 $0xFFFFFFFF, s5  }
.LBB2_1:
0xe: {  	_ =	strace $0x80000048;
	p2 =	sne.s32 s5, $0x1  }
.Ltmp0:
0xf: {  	p0 =	seq.s32 s5, $0x1;
	s13 =	simm.s32 $0x1;
	(pc) =	sbr.rel @!p2 .LBB2_2-.Ltmp0, $4  }
0x10: {  	[tilespmem:s3], [sflag:$0x1] =	stream.linear.gather [hbm4b:s6+s3], $0x100, $0x200038;
	[tilespmem:$0x10200] =	vst v63  }
0x11: {  	s12 =	simm.s32 $0x1;
	p1 =	por $0x1, $0x1;
	s13 =	simm.s32 @p0 $0x0  }
0x12: {  	p6 =	sgt.u32 s7, $0x0;
	p4 =	por p1, p1;
	p3 =	sne.s32 s13, $0x0  }
0x13: {  	_ =	strace $0x90000048;
	p5 =	por !p6, !p3;
	p6 =	por $0x0, $0x0  }
0x14: {  	p2 =	por !p5, !p5  }
0x15: {  	s21 =	sand.u32 $0x1, s3;
	s19 =	simm.s32 $0x2;
	s14 =	sadd.s32 @p2 s4, s13  }
0x16: {  	p1 =	por p3, p3;
	s15 =	sand.u32 @p2 $0x1, s9;
	s14 =	sshll.u32 @p2 s14, $0x5  }
0x17: {  	_ =	strace @p2 $0x80000049;
	s17 =	simm.s32 @p2 $0x0;
	s14 =	sand.u32 @p2 $0x1FFFFFE0, s14  }
0x18: {  	s16 =	sshll.u32 @p2 s15, $0x8;
	s15 =	sadd.s32 @p2 $0x1, s15;
	s14 =	sadd.s32 @p2 s2, s14  }
0x19: {  	[tilespmem:s16], [sflag:s15] =	stream.linear.gather @p2 [hbm4b:s14+s17], $0x100, $0x200038;
	[tilespmem:$0x10200] =	vst v63  }
0x1a: {  	s30 =	simm.s32 $0x0;
	p6 =	por $0x0, $0x0;
	_ =	strace @p2 $0x90000049  }
0x1b: {  	p0 =	sne.s32 s5, $0x2;
	s29 =	sadd.s32 $0x1, s21;
	_ =	strace $0x8000004A  }
0x1c: {  	s24 =	sadd.s32 $0x0, s4;
	p5 =	sgt.u32 s7, $0x1;
	_ =	swait.ge [sflag:s29], $0x100  }
0x1d: {  	s23 =	simm.s32 $0x1;
	s22 =	sshll.u32 s21, $0xF;
	[sflag:s29] =	ssyncset.done $0x0  }
0x1e: {  	s22 =	sor.u32 $0x200, s22;
	s16 =	sand.u32 @!p4 $0x1, s3;
	[sflag:s29] =	ssyncadd.s32 $0xFFFFFF00  }
0x1f: {  	s15 =	simm.s32 $0x1;
	s17 =	sadd.s32 $0x1, s13;
	_ =	strace $0x9000004A  }
0x20: {  	s14 =	sand.u32 $0x100, s30;
	s15 =	simm.s32 @!p2 $0x0;
	_ =	strace $0x8000004B  }
0x21: {  	p2 =	por p4, p4;
	p4 =	por p6, p6;
	s20 =	rddreg [dreg:$0x5]  }
0x22: {  	p3 =	seq.s32 s17, s5;
	p6 =	seq.s32 s7, $0x0;
	s31 =	rddreg [dreg:$0x4]  }
0x23: {  	[tilespmem:s22], [sflag:$0x5] =	stream.indirect.gather [hbm4b:s31+s20], $0x80, s14, s20, $0x2000b8;
	[tilespmem:$0x10200] =	vst v63  }
.Ltmp1:
0x24: {  	s18 =	sadd.s32 $0x1, s15;
	s17 =	simm.s32 @p3 $0x0;
	(pc) =	sbr.rel @!p0 .LBB2_4-.Ltmp1, $4  }
0x25: {  	p1 =	por p6, p1;
	p6 =	por $0x0, $0x0;
	_ =	swait.ge [sflag:s10], $0x8000  }
0x26: {  	s15 =	simm.s32 $0x0;
	p3 =	sne.s32 s13, s17;
	[sflag:s10] =	ssyncset.done $0x0  }
0x27: {  	s23 =	simm.s32 @!p6 $0x0;
	p5 =	por !p5, !p3;
	[sflag:s10] =	ssyncadd.s32 $0xFFFF8000  }
0x28: {  	s14 =	simm.s32 $0x0;
	s20 =	simm.s32 $0x0;
	_ =	strace $0x9000004B  }
.LBB2_5:
0x29: {  	_ =	strace @p1 $0x8000004C;
	s14 =	sadd.s32 s23, s14;
	s23 =	smov.u32 s12  }
0x2a: {  	s12 =	smov.u32 s19;
	s19 =	sadd.s32 $0x1, s19;
	p0 =	por p3, p3  }
0x2b: {  	s29 =	sshll.u32 @p1 s24, $0xC;
	s21 =	sadd.s32 @p1 $0x3, s21;
	s25 =	simm.s32 @!p0 $0x0  }
0x2c: {  	s26 =	rddreg [dreg:$0x6];
	s29 =	sand.u32 @p1 $0x1FFFF000, s29;
	s25 =	simm.s32 @p0 $0x1  }
0x2d: {  	s26 =	sadd.s32 @p1 s26, s29;
	s29 =	simm.s32 @p1 $0x0;
	p0 =	sne.s32 s5, s19  }
0x2e: {  	[hbm4b:s26+s29] =	stream.linear.scatter @p1 [tilespmem:s22], [sflag:s21], $0x8000, $0x200038;
	[tilespmem:$0x10200] =	vst v63  }
0x2f: {  	s21 =	sadd.s32 @!p2 $0x3, s16;
	s16 =	simm.s32 @!p0 $0x0  }
0x30: {  	s28 =	simm.s32 $0x1;
	[smem:$0x7FC] =	sst s25;
	s16 =	simm.s32 @p0 $0x1  }
0x31: {  	s28 =	simm.s32 @!p1 $0x0;
	_ =	strace @p1 $0x9000004C;
	[smem:$0x7FD] =	sst s16  }
0x32: {  	s20 =	sadd.s32 s28, s20;
	s25 =	sand.u32 @!p4 $0x1, s14;
	_ =	strace @!p2 $0x8000004D  }
0x33: {  	p1 =	por !p5, !p5;
	s16 =	smov.u32 s25;
	_ =	swait.ge @!p2 [sflag:s21], $0x8000  }
0x34: {  	s22 =	sand.u32 @p1 $0x1, s18;
	s25 =	sadd.s32 @p1 s4, s17;
	[sflag:s21] =	ssyncset.done @!p2 $0x0  }
0x35: {  	s26 =	sshll.u32 @p1 s22, $0x8;
	s25 =	sshll.u32 @p1 s25, $0x5;
	[sflag:s21] =	ssyncadd.s32 @!p2 $0xFFFF8000  }
0x36: {  	s21 =	sadd.s32 @p1 $0x1, s22;
	s22 =	sand.u32 @p1 $0x1FFFFFE0, s25;
	_ =	strace @!p2 $0x9000004D  }
0x37: {  	s25 =	simm.s32 @p1 $0x0;
	s22 =	sadd.s32 @p1 s2, s22;
	_ =	strace @p1 $0x80000049  }
0x38: {  	[tilespmem:s26], [sflag:s21] =	stream.linear.gather @p1 [hbm4b:s22+s25], $0x100, $0x200038;
	[tilespmem:$0x10200] =	vst v63  }
0x39: {  	s15 =	sadd.s32 s28, s15;
	s28 =	sand.u32 $0x1, s20;
	_ =	strace @p1 $0x90000049  }
0x3a: {  	s28 =	sadd.s32 $0x1, s28;
	_ =	strace $0x8000004A  }
0x3b: {  	_ =	swait.ge [sflag:s28], $0x100  }
0x3c: {  	[sflag:s28] =	ssyncset.done $0x0  }
0x3d: {  	s21 =	simm.s32 $0x1;
	[sflag:s28] =	ssyncadd.s32 $0xFFFFFF00  }
0x3e: {  	s21 =	simm.s32 @!p1 $0x0;
	_ =	strace $0x9000004A  }
0x3f: {  	s18 =	sadd.s32 s21, s18;
	s21 =	sand.u32 $0x1, s15;
	_ =	strace $0x8000004B  }
0x40: {  	s31 =	sshll.u32 s20, $0x8;
	s29 =	sshll.u32 s21, $0xF;
	s25 =	rddreg [dreg:$0x5]  }
0x41: {  	s31 =	sand.u32 $0x100, s31;
	s22 =	sor.u32 $0x200, s29;
	s26 =	rddreg [dreg:$0x4]  }
0x42: {  	[tilespmem:s22], [sflag:$0x5] =	stream.indirect.gather [hbm4b:s26+s25], $0x80, s31, s25, $0x2000b8;
	[tilespmem:$0x10200] =	vst v63  }
0x43: {  	_ =	swait.ge [sflag:s10], $0x8000  }
0x44: {  	[sflag:s10] =	ssyncset.done $0x0  }
0x45: {  	[sflag:s10] =	ssyncadd.s32 $0xFFFF8000  }
0x46: {  	s30 =	sadd.s32 $0x1, s17;
	_ =	strace $0x9000004B  }
0x47: {  	s24 =	sadd.s32 s4, s13;
	s13 =	smov.u32 s17;
	s31 =	sld [smem:$0x7FD]  }
0x48: {  	p0 =	sne.s32 s23, $0x0;
	s17 =	smov.u32 s30;
	p1 =	seq.s32 s30, s5  }
0x49: {  	s17 =	simm.s32 @p1 $0x0;
	p1 =	seq.s32 s7, s23;
	s23 =	simm.s32 $0x1  }
0x4a: {  	s23 =	simm.s32 @!p0 $0x0;
	p0 =	seq.s32 s31, $0x1  }
.Ltmp2:
0x4b: {  	s30 =	sld [smem:$0x7FC];
	(pc) =	sbr.rel @p0 .LBB2_5-.Ltmp2, $4  }
0x4c: {  	p3 =	seq.s32 s12, $0x0  }
0x4d: {  	p6 =	por p3, p3;
	p5 =	slt.u32 s12, s7  }
0x4e: {  	p2 =	por p4, p4;
	p3 =	sne.s32 s13, s17;
	p4 =	seq.s32 s30, $0x1  }
0x4f: {  	p5 =	por !p5, !p3;
	p1 =	por p1, p4;
	p4 =	por p6, p6  }
0x50: {  	p6 =	por $0x1, $0x1  }
.LBB2_7:
0x51: {  	p0 =	por !p1, !p6  }
0x52: {  	s25 =	simm.s32 $0x1;
	_ =	strace @!p0 $0x8000004C;
	s24 =	sshll.u32 @!p0 s24, $0xC  }
0x53: {  	p2 =	por p2, !p6;
	s19 =	rddreg [dreg:$0x6];
	s24 =	sand.u32 @!p0 $0x1FFFF000, s24  }
0x54: {  	s21 =	sadd.s32 @!p0 $0x3, s21;
	s19 =	sadd.s32 @!p0 s19, s24;
	s24 =	simm.s32 @!p0 $0x0  }
0x55: {  	[hbm4b:s19+s24] =	stream.linear.scatter @!p0 [tilespmem:s22], [sflag:s21], $0x8000, $0x200038;
	[tilespmem:$0x10200] =	vst v63  }
0x56: {  	p1 =	por !p5, !p5;
	s25 =	simm.s32 @p0 $0x0;
	_ =	strace @!p0 $0x9000004C  }
0x57: {  	s16 =	sadd.s32 @!p2 $0x3, s16;
	s17 =	sadd.s32 @p1 s4, s17;
	_ =	strace @!p2 $0x8000004D  }
0x58: {  	s18 =	sand.u32 @p1 $0x1, s18;
	s17 =	sshll.u32 @p1 s17, $0x5;
	_ =	swait.ge @!p2 [sflag:s16], $0x8000  }
0x59: {  	s17 =	sand.u32 @p1 $0x1FFFFFE0, s17;
	s19 =	sadd.s32 @p6 s25, s20;
	[sflag:s16] =	ssyncset.done @!p2 $0x0  }
0x5a: {  	s20 =	simm.s32 $0x0;
	s17 =	sadd.s32 @p1 s2, s17;
	[sflag:s16] =	ssyncadd.s32 @!p2 $0xFFFF8000  }
0x5b: {  	s20 =	smov.u32 @p6 s19;
	s19 =	sshll.u32 @p1 s18, $0x8;
	_ =	strace @!p2 $0x9000004D  }
0x5c: {  	s16 =	sadd.s32 @p1 $0x1, s18;
	s18 =	simm.s32 @p1 $0x0;
	_ =	strace @p1 $0x80000049  }
0x5d: {  	[tilespmem:s19], [sflag:s16] =	stream.linear.gather @p1 [hbm4b:s17+s18], $0x100, $0x200038;
	[tilespmem:$0x10200] =	vst v63  }
0x5e: {  	s26 =	sand.u32 $0x1, s20;
	_ =	strace @p1 $0x90000049  }
0x5f: {  	s16 =	sadd.s32 $0x1, s26;
	_ =	strace $0x8000004A  }
0x60: {  	_ =	swait.ge [sflag:s16], $0x100  }
0x61: {  	[sflag:s16] =	ssyncset.done $0x0  }
0x62: {  	s15 =	sadd.s32 @p6 s25, s15;
	[sflag:s16] =	ssyncadd.s32 $0xFFFFFF00;
	s16 =	simm.s32 $0x0  }
0x63: {  	_ =	strace $0x9000004A;
	s16 =	smov.u32 @p6 s15  }
0x64: {  	_ =	strace $0x8000004B;
	s16 =	sand.u32 $0x1, s16  }
0x65: {  	s30 =	sshll.u32 s20, $0x8;
	s28 =	rddreg [dreg:$0x5];
	s31 =	sshll.u32 s16, $0xF  }
0x66: {  	s18 =	sand.u32 $0x100, s30;
	s29 =	rddreg [dreg:$0x4];
	s19 =	sor.u32 $0x200, s31  }
0x67: {  	[tilespmem:s19], [sflag:$0x5] =	stream.indirect.gather [hbm4b:s29+s28], $0x80, s18, s28, $0x2000b8;
	[tilespmem:$0x10200] =	vst v63  }
0x68: {  	_ =	swait.ge [sflag:s10], $0x8000  }
0x69: {  	p3 =	por p3, p3;
	[sflag:s10] =	ssyncset.done $0x0  }
0x6a: {  	p5 =	seq.s32 s7, s12;
	s13 =	sadd.s32 s4, s13;
	[sflag:s10] =	ssyncadd.s32 $0xFFFF8000  }
0x6b: {  	s14 =	sadd.s32 @p6 s23, s14;
	p1 =	por p5, p3;
	_ =	strace $0x9000004B  }
0x6c: {  	s17 =	simm.s32 $0x0;
	s13 =	sshll.u32 @p1 s13, $0xC;
	_ =	strace @p1 $0x8000004C  }
0x6d: {  	s17 =	smov.u32 @p6 s14;
	s13 =	sand.u32 @p1 $0x1FFFF000, s13;
	s15 =	rddreg [dreg:$0x6]  }
0x6e: {  	s14 =	sadd.s32 @p1 $0x3, s16;
	s13 =	sadd.s32 @p1 s15, s13;
	s15 =	simm.s32 @p1 $0x0  }
0x6f: {  	[hbm4b:s13+s15] =	stream.linear.scatter @p1 [tilespmem:s19], [sflag:s14], $0x8000, $0x200038;
	[tilespmem:$0x10200] =	vst v63  }
0x70: {  	p0 =	por p4, p4;
	s13 =	sand.u32 @!p4 $0x1, s17;
	_ =	strace @p1 $0x9000004C  }
0x71: {  	s13 =	sadd.s32 @!p0 $0x3, s13;
	_ =	strace @!p0 $0x8000004D  }
0x72: {  	p1 =	sne.s32 s12, $0x0;
	s12 =	simm.s32 $0x1;
	_ =	swait.ge @!p0 [sflag:s13], $0x8000  }
0x73: {  	s12 =	simm.s32 @!p1 $0x0;
	[sflag:s13] =	ssyncset.done @!p0 $0x0  }
0x74: {  	s11 =	sadd.s32 $0x1, s11;
	s12 =	sadd.s32 s12, s17;
	[sflag:s13] =	ssyncadd.s32 @!p0 $0xFFFF8000  }
0x75: {  	s12 =	sand.u32 $0x1, s12;
	_ =	strace @!p0 $0x9000004D;
	p0 =	sne.s32 s11, s8  }
.Ltmp3:
0x76: {  	s12 =	sadd.s32 $0x3, s12;
	_ =	strace $0x8000004E;
	(pc) =	sbr.rel @p0 .LBB2_1-.Ltmp3, $4  }
.Ltmp4:
0x77: {  	_ =	swait.ge [sflag:s12], $0x8000;
	(pc) =	sbr.rel @!p0 .LBB2_8-.Ltmp4, $4  }
0x78: {  	[sflag:s12] =	ssyncset.done $0x0  }
0x79: {  	[sflag:s12] =	ssyncadd.s32 $0xFFFF8000  }
0x7a: {  	_ =	strace $0x9000004E  }
0x7b: {  	_ = 	snop  }
.LBB2_2:
.Ltmp5:
0x7c: {  	(pc) =	sbr.rel .LBB2_7-.Ltmp5, $4  }
0x7d: {  	_ = 	snop  }
0x7e: {  	s14 =	simm.s32 $0x0  }
0x7f: {  	s12 =	simm.s32 $0x0;
	s15 =	simm.s32 $0x0;
	s17 =	smov.u32 s13  }
0x80: {  	s20 =	simm.s32 $0x0;
	s18 =	simm.s32 $0x1;
	s13 =	simm.s32 $0x0  }
.LBB2_4:
.Ltmp6:
0x81: {  	(pc) =	sbr.rel .LBB2_7-.Ltmp6, $3  }
0x82: {  	_ =	sdelay $0x1  }
0x83: {  	s14 =	simm.s32 $0x0  }
0x84: {  	s15 =	simm.s32 $0x0;
	s20 =	simm.s32 $0x0;
	p6 =	por $0x1, $0x1  }
.LBB2_8:
0x85: {  	_ =	sfence.sel $0x180000  }
0x86: {  	[bflag:$0x0] =	sbarrier.arrive $0xFFFF  }
0x87: {  	p0 =	sne.s32 s1, $0x0;
	_ =	strace $0x90000047  }
0x88: {  	s0 =	sadd.s32 @!p0 $0x100000, s0;
	[bflag:$0x2] =	sbarrier.arrive $0xFFFF  }
0x89: {  	[sflag:s0] =	ssyncadd.tile.s32 @!p0 $0x1;
	_ =	shalt  }
.Lfunc_end2:
_tile_overlayer_lowered:
.L_overlay_start_2:
0x8a: {  	(tag) =	ssettag $0x2  }
0x8b: {  	s0 =	rddreg [dreg:$0x0];
	s2 =	stileid.u32  }
0x8c: {  	s1 =	rddreg [dreg:$0x1];
	p0 =	sne.s32 s2, $0x0  }
0x8d: {  	s3 =	rddreg [dreg:$0x2];
	[bflag:$0x3] =	sbarrier.arrive $0xFFFF;
	s2 =	simm.s32 @!p0 $0x1C01  }
0x8e: {  	[timem:s3], [sflag:s2] =	dma.local @!p0 [hbm:s0], s1  }
0x8f: {  	s0 =	simm.s32 @!p0 $0x1  }
0x90: {  	_ =	swait.ge @!p0 [sflag:s0], s1  }
0x91: {  	s1 =	ssub.s32 @!p0 $0x0, s1;
	[sflag:s0] =	ssyncset.done @!p0 $0x0  }
0x92: {  	[sflag:s0] =	ssyncadd.s32 @!p0 s1  }
0x93: {  	[bflag:$0x3] =	sbarrier.arrive $0xFFFF  }
0x94: {  	_ =	shalt  }

// kernel: kernel.13.cloned.1.call-start
scs
__scs_entry_jumppad:
0x0: {  	(pc) =	sbr.rel $0x88, $3  }
0x1: {  	(tag) =	ssettag $0x0;
	lr =	simm.s32 $0x1  }
0x2: {  	[smem:$0x3F7D] =	sst lr;
	_ =	strace $0xD0000000  }
0x3: {  	_ = 	snop  }
0x4: {  	_ = 	snop  }
0x5: {  	_ = 	snop  }
0x6: {  	_ = 	snop  }
0x7: {  	_ = 	snop  }
__scs_overlays_trampoline_lowered:
0x8: {  	[smem:$0x3F8C] =	sst s0  }
0x9: {  	[smem:$0x3F8D] =	sst s1  }
0xa: {  	[smem:$0x3F8E] =	sst s2  }
0xb: {  	[smem:$0x3F8F] =	sst s3  }
0xc: {  	[smem:$0x3F90] =	sst s4  }
0xd: {  	[smem:$0x3F91] =	sst s5  }
0xe: {  	[smem:$0x3F92] =	sst s6  }
0xf: {  	[smem:$0x3F93] =	sst s7  }
0x10: {  	[smem:$0x3F94] =	sst s8  }
0x11: {  	[smem:$0x3F95] =	sst s9;
	s0 =	simm.s32 @!p0 $0x0  }
0x12: {  	s1 =	sld [smem:$0x3F7B];
	s0 =	simm.s32 @p0 $0x1  }
0x13: {  	[smem:$0x3F96] =	sst s0;
	s0 =	simm.s32 @!p1 $0x0  }
0x14: {  	s2 =	sld [smem:$0x3F7A];
	s0 =	simm.s32 @p1 $0x1  }
0x15: {  	[smem:$0x3F97] =	sst s0;
	s0 =	simm.s32 @!p2 $0x0  }
0x16: {  	s3 =	sld [smem:$0x3FDB];
	s0 =	simm.s32 @p2 $0x1  }
0x17: {  	s4 =	simm.s32 $0x1BF5;
	[smem:$0x3F99] =	sst s0  }
0x18: {  	s0 =	sld [smem:$0x3F7C];
	_ =	swait.ge [sflag:s4], $0x0  }
0x19: {  	s7 =	sld [smem:$0x3F7D]  }
0x1a: {  	s8 =	sadd.s32 $0xFFFFE003, lr  }
0x1b: {  	s9 =	sadd.s32 $0xFFFFFEF7, lr;
	s5 =	simm.s32 $0xFFFFFFFF;
	p2 =	slt.u32 s8, $0xFFFFF086  }
0x1c: {  	p1 =	slt.u32 s9, $0xF7A;
	s5 =	simm.s32 @!p2 $0x0  }
0x1d: {  	s5 =	simm.s32 @p1 $0x1;
	p0 =	seq.s32 s7, s2  }
0x1e: {  	s7 =	smul.u32 @!p0 $0xF7A, s2;
	p2 =	seq.s32 @!p0 s5, $0x0  }
0x1f: {  	s9 =	smul.u32 $0xF7A, s1;
	s8 =	simm.s32 @!p0 $0x1BF5;
	p2 =	por !p2, p0  }
0x20: {  	[sflag:s8] =	ssyncset.s32 @!p0 $0xFFFFF086;
	s6 =	sadd.s32 @!p0 s3, s7;
	s7 =	simm.s32 @!p0 $0x108  }
0x21: {  	s3 =	sadd.s32 s3, s9;
	s6 =	sadd.s32 @!p0 $0x88, s6;
	s7 =	simm.s32 @p2 $0x1082  }
0x22: {  	[simem:s7], [sflag:s8] =	dma.local @!p0 [hbm:s6], $0xF7A  }
0x23: {  	s9 =	sor.u32 $0xD0000000, s2;
	s6 =	simm.s32 $0x108;
	_ =	swait.ge @!p0 [sflag:s8], $0x0  }
0x24: {  	s3 =	sadd.s32 $0x88, s3;
	s6 =	simm.s32 @!p1 $0x1082;
	[sflag:s4] =	ssyncset.s32 $0xFFFFF086  }
0x25: {  	[simem:s6], [sflag:s4] =	dma.local [hbm:s3], $0xF7A  }
0x26: {  	[smem:$0x3F7D] =	sst s1;
	(tag) =	ssettag s2;
	_ =	strace s9  }
0x27: {  	s1 =	sld [smem:$0x3F8D]  }
0x28: {  	s2 =	sld [smem:$0x3F8E]  }
0x29: {  	s4 =	sld [smem:$0x3F90]  }
0x2a: {  	p0 =	seq.s32 s5, $0x0;
	s5 =	sld [smem:$0x3F91]  }
0x2b: {  	s6 =	sld [smem:$0x3F92]  }
0x2c: {  	s7 =	sld [smem:$0x3F93]  }
0x2d: {  	s3 =	simm.s32 $0x108;
	s8 =	sld [smem:$0x3F94]  }
0x2e: {  	s3 =	simm.s32 @!p0 $0x1082;
	s9 =	sld [smem:$0x3F95]  }
0x2f: {  	lr =	sadd.s32 s0, s3;
	s0 =	sld [smem:$0x3F8C]  }
0x30: {  	s3 =	sld [smem:$0x3F8F]  }
0x31: {  	[smem:$0x3F98] =	sst s10  }
0x32: {  	s10 =	sld [smem:$0x3F96];
	_ =	sdelay $0x3  }
0x33: {  	p0 =	seq.s32 s10, $0x1;
	s10 =	sld [smem:$0x3F98];
	_ =	sdelay $0x3  }
0x34: {  	[smem:$0x3F98] =	sst s10  }
0x35: {  	s10 =	sld [smem:$0x3F97];
	_ =	sdelay $0x3  }
0x36: {  	p1 =	seq.s32 s10, $0x1;
	s10 =	sld [smem:$0x3F98];
	_ =	sdelay $0x3  }
0x37: {  	[smem:$0x3F98] =	sst s10  }
0x38: {  	s10 =	sld [smem:$0x3F99]  }
0x39: {  	_ = 	snop;
	(pc) =	sbr.ind lr, $3  }
0x3a: {  	_ = 	snop  }
0x3b: {  	_ = 	snop  }
0x3c: {  	p2 =	seq.s32 s10, $0x1;
	s10 =	sld [smem:$0x3F98]  }
0x3d: {  	_ =	shalt  }
0x3e: {  	_ =	shalt  }
0x3f: {  	_ =	shalt  }
0x40: {  	_ =	shalt  }
0x41: {  	_ =	shalt  }
0x42: {  	_ =	shalt  }
0x43: {  	_ =	shalt  }
0x44: {  	_ =	shalt  }
0x45: {  	_ =	shalt  }
0x46: {  	_ =	shalt  }
0x47: {  	_ =	shalt  }
0x48: {  	_ =	shalt  }
0x49: {  	_ =	shalt  }
0x4a: {  	_ =	shalt  }
0x4b: {  	_ =	shalt  }
0x4c: {  	_ =	shalt  }
0x4d: {  	_ =	shalt  }
0x4e: {  	_ =	shalt  }
0x4f: {  	_ =	shalt  }
0x50: {  	_ =	shalt  }
0x51: {  	_ =	shalt  }
0x52: {  	_ =	shalt  }
0x53: {  	_ =	shalt  }
0x54: {  	_ =	shalt  }
0x55: {  	_ =	shalt  }
0x56: {  	_ =	shalt  }
0x57: {  	_ =	shalt  }
0x58: {  	_ =	shalt  }
0x59: {  	_ =	shalt  }
0x5a: {  	_ =	shalt  }
0x5b: {  	_ =	shalt  }
0x5c: {  	_ =	shalt  }
0x5d: {  	_ =	shalt  }
0x5e: {  	_ =	shalt  }
0x5f: {  	_ =	shalt  }
0x60: {  	_ =	shalt  }
0x61: {  	_ =	shalt  }
0x62: {  	_ =	shalt  }
0x63: {  	_ =	shalt  }
0x64: {  	_ =	shalt  }
0x65: {  	_ =	shalt  }
0x66: {  	_ =	shalt  }
0x67: {  	_ =	shalt  }
0x68: {  	_ =	shalt  }
0x69: {  	_ =	shalt  }
0x6a: {  	_ =	shalt  }
0x6b: {  	_ =	shalt  }
0x6c: {  	_ =	shalt  }
0x6d: {  	_ =	shalt  }
0x6e: {  	_ =	shalt  }
0x6f: {  	_ =	shalt  }
0x70: {  	_ =	shalt  }
0x71: {  	_ =	shalt  }
0x72: {  	_ =	shalt  }
0x73: {  	_ =	shalt  }
0x74: {  	_ =	shalt  }
0x75: {  	_ =	shalt  }
0x76: {  	_ =	shalt  }
0x77: {  	_ =	shalt  }
0x78: {  	_ =	shalt  }
0x79: {  	_ =	shalt  }
0x7a: {  	_ =	shalt  }
0x7b: {  	_ =	shalt  }
0x7c: {  	_ =	shalt  }
0x7d: {  	_ =	shalt  }
0x7e: {  	_ =	shalt  }
0x7f: {  	_ =	shalt  }
0x80: {  	_ =	shalt  }
0x81: {  	_ =	shalt  }
0x82: {  	_ =	shalt  }
0x83: {  	_ =	shalt  }
0x84: {  	_ =	shalt  }
0x85: {  	_ =	shalt  }
0x86: {  	_ =	shalt  }
0x87: {  	_ =	shalt  }
.Lfunc_end0:
.L_simem_size_0:
called_computation.1_lowered:
.L_overlay_start_0:
0x88: {  	s2 =	sld [smem:$0x3FD9]  }
0x89: {  	s3 =	sld [smem:$0x3FFE];
	_ =	sdelay $0x1  }
0x8a: {  	s1 =	srdreg.scid  }
0x8b: {  	s0 =	sand.u32 $0x1, s1  }
0x8c: {  	s16 =	sshll.u32 s0, $0xA;
	s2 =	sadd.s32 s3, s2  }
0x8d: {  	s2 =	sadd.s32 s2, s16  }
0x8e: {  	[smem:$0x3FA4] =	sst s2  }
0x8f: {  	_ = 	snop  }
0x90: {  	(tm) =	ssettm $0x1  }
0x91: {  	s17 =	sld [smem:$0x3FFB];
	_ =	sdelay $0x3  }
0x92: {  	_ =	strace s17  }
0x93: {  	s2 =	sld [smem:$0x3FFC];
	_ =	sdelay $0x3  }
0x94: {  	_ =	strace s2  }
0x95: {  	s2 =	sld [smem:$0x3FFD];
	_ =	sdelay $0x3  }
0x96: {  	_ =	strace s2  }
0x97: {  	_ =	strace $0x8FFFFFFF  }
0x98: {  	s18 =	sld [smem:$0x3FDB];
	_ =	sdelay $0x1  }
0x99: {  	s19 =	simm.s32 $_scs_section_size  }
0x9a: {  	s4 =	simm.s32 $_size__tile_overlayer_lowered;
	s5 =	simm.s32 $_tile_overlayer_lowered  }
0x9b: {  	s22 =	simm.s32 $0x1BFF;
	s21 =	sshll.u32 s5, $0x1;
	s2 =	sadd.s32 s19, s18  }
0x9c: {  	s6 =	simm.s32 $0x0;
	s20 =	sshll.u32 s4, $0x1;
	s4 =	sadd.s32 s21, s2  }
0x9d: {  	[timem:s6], [sflag:s22] =	dma.local [hbm:s4], s20  }
0x9e: {  	_ =	swait.ge [sflag:s22], s20  }
0x9f: {  	s3 =	ssub.s32 $0x0, s20;
	[sflag:s22] =	ssyncset.done $0x0  }
0xa0: {  	[sflag:s22] =	ssyncadd.s32 s3;
	_ =	sdelay $0x1  }
0xa1: {  	s23 =	simm.s32 $0x1B8B  }
0xa2: {  	_ =	swait.ge [sflag:s23], $0x1  }
0xa3: {  	[sflag:s23] =	ssyncset.done $0x0  }
0xa4: {  	s25 =	simm.s32 $0x1B8E;
	s24 =	sld [smem:$0x3FFE];
	[sflag:s23] =	ssyncadd.s32 $0xFFFFFFFF  }
0xa5: {  	s26 =	simm.s32 $execute0_lowered;
	[smem:$0x3FD2] =	sst s25  }
0xa6: {  	s4 =	sshll.u32 s26, $0x1;
	_ =	strace $0x80000050;
	[dreg:$0x1] =	wrdreg $0xFFFFFFFF  }
0xa7: {  	s28 =	simm.s32 $_size_execute0_lowered;
	s2 =	sadd.s32 s2, s4;
	[dreg:$0x0] =	wrdreg $0x0  }
0xa8: {  	s4 =	sshll.u32 s28, $0x1;
	[dreg:$0x2] =	wrdreg s2  }
0xa9: {  	[dreg:$0x3] =	wrdreg s4  }
0xaa: {  	[dreg:$0x4] =	wrdreg $0xC0  }
0xab: {  	_ =	task [dreg:s6], $0x5FFFF  }
0xac: {  	[dreg:$0x1] =	wrdreg $0xFFFFFFFF  }
0xad: {  	[dreg:$0x0] =	wrdreg $0x60  }
0xae: {  	[dreg:$0x2] =	wrdreg s24  }
0xaf: {  	[dreg:$0x3] =	wrdreg $0x0  }
0xb0: {  	[dreg:$0x4] =	wrdreg $0x9  }
0xb1: {  	_ =	task.clear_ibuf [dreg:s6], $0x5FFFF;
	_ =	strace $0x90000050  }
0xb2: {  	s29 =	simm.s32 $0x9;
	_ =	strace $0x80000058  }
0xb3: {  	_ =	swait.ge [sflag:s29], $0x1  }
0xb4: {  	[sflag:s29] =	ssyncadd.s32 $0xFFFFFFFF  }
0xb5: {  	_ =	strace $0x90000058  }
0xb6: {  	_ =	sfence  }
0xb7: {  	s30 =	sld [smem:$0x0];
	_ =	sdelay $0x2  }
0xb8: {  	s31 =	sshll.u32 s1, $0xD;
	s1 =	sshrl.u32 s1, $0x2  }
0xb9: {  	s3 =	sand.u32 $0x4000, s31;
	s1 =	sadd.s32 s1, s30  }
0xba: {  	s0 =	sor.u32 s3, s0;
	s1 =	sshll.u32 s1, $0x11  }
0xbb: {  	s0 =	sor.u32 s1, s0  }
0xbc: {  	s0 =	sadd.s32 $0x8F2B, s0  }
0xbd: {  	[sflag:s0] =	ssyncadd.remote.s32 $0x1  }
0xbe: {  	_ =	sfence.sel $0xFFFF  }
0xbf: {  	[dreg:$0x0] =	wrdreg $0xFFFFFFFF;
	(pc) =	sbr.abs _section_cstart, $3  }
0xc0: {  	[dreg:$0x1] =	wrdreg $0xFFFFFFFF  }
0xc1: {  	_ =	task.clear_ibuf [dreg:s6], $0x2FFFF;
	_ =	strace $0x9FFFFFFF  }
0xc2: {  	(tm) =	ssettm $0x7FFFFFFF  }
0xc3: {  	_ =	shalt  }
tec
execute0_lowered:
.L_overlay_start_1:
0x0: {  	(tag) =	ssettag $0x1  }
0x1: {  	s7 =	rddreg [dreg:$0x0]  }
0x2: {  	s1 =	rddreg [dreg:$0x1];
	s2 =	simm.s32 $0x0;
	s4 =	srdreg.scid  }
0x3: {  	s0 =	stileid.u32;
	s16 =	simm.s32 $0x80;
	s17 =	simm.s32 $0x5  }
0x4: {  	s18 =	simm.s32 $0x1;
	[smem:$0x7FF] =	sst s2;
	s3 =	sadd.s32 $0x760400, s7  }
0x5: {  	s5 =	sadd.s32 $0x6400, s7;
	s6 =	sadd.s32 $0x4EF400, s7;
	s11 =	smul.u32 $0x4F000, s0  }
0x6: {  	s8 =	sand.u32 $0x1, s4;
	s14 =	sshll.u32 s0, $0x6;
	s20 =	smul.u32 $0x2780, s0  }
0x7: {  	s9 =	smul.u32 $0x27800, s8;
	s10 =	sshll.u32 s8, $0x4;
	s8 =	ssub.s32 $0x2, s8  }
0x8: {  	_ =	strace $0x80000051;
	s10 =	sor.u32 s0, s10;
	s26 =	sshrl.u32 s8, $0x1  }
0x9: {  	s29 =	sshrl.u32 s11, $0x2;
	s12 =	sadd.s32 s9, s7;
	s28 =	smul.u32 $0x27, s10  }
0xa: {  	s13 =	ssub.s32 s8, s26;
	s11 =	smul.u32 $0x28, s10;
	p0 =	slt.u32 s10, $0x2  }
0xb: {  	s15 =	sadd.s32 s29, s1;
	s8 =	sor.u32 $0x1C01, s14;
	s9 =	simm.s32 $0x28  }
0xc: {  	s14 =	simm.s32 $0x13C00;
	s9 =	simm.s32 @!p0 $0x27;
	s19 =	sadd.s32 $0x4F1C00, s12  }
0xd: {  	s12 =	smax.u32 s13, $0x1;
	s13 =	sshrl.u32 s15, $0x3;
	s7 =	sadd.s32 $0x2, s28  }
0xe: {  	s15 =	simm.s32 $0x1BC00;
	s31 =	sadd.s32 $0xFFFFFFFF, s9;
	s7 =	smov.u32 @p0 s11  }
0xf: {  	s19 =	sadd.s32 s20, s19;
	s30 =	sshll.u32 s7, $0xB;
	s11 =	sshll.u32 s7, $0x4  }
0x10: {  	s20 =	simm.s32 $0x0;
	s10 =	sand.u32 $0x1FFFF800, s30;
	s11 =	sand.u32 $0x1FFFFFF0, s11  }
0x11: {  	[dreg:$0x3] =	wrdreg s31;
	s10 =	sadd.s32 s3, s10;
	s11 =	sadd.s32 s5, s11  }
.LBB2_1:
0x12: {  	[spmem:s13], [sflag:s8] =	dma.local [hbm:s6], $0x2780  }
0x13: {  	_ =	swait.ge [sflag:s18], $0x2780  }
0x14: {  	[sflag:s18] =	ssyncset.done $0x0  }
0x15: {  	[sflag:s18] =	ssyncadd.s32 $0xFFFFD880  }
0x16: {  	[bflag:$0x0] =	sbarrier.arrive $0xFFFF  }
0x17: {  	s23 =	simm.s32 $0x0;
	_ =	strace $0x80000052  }
0x18: {  	[tilespmem:s14], [sflag:$0x1] =	stream.linear.gather [hbm4b:s10+s2], $0x4000, $0x200038;
	[tilespmem:$0x1BD00] =	vst v63  }
0x19: {  	s21 =	simm.s32 $0x0;
	s24 =	simm.s32 $0x1;
	s22 =	simm.s32 $0x0  }
0x1a: {  	[tilespmem:s15], [sflag:$0x3] =	stream.linear.gather [hbm4b:s11+s2], $0x80, $0x200038;
	[tilespmem:$0x1BD00] =	vst v63  }
0x1b: {  	s26 =	simm.s32 $0x1;
	s25 =	simm.s32 $0x0;
	_ =	strace $0x90000052  }
.LBB2_2:
0x1c: {  	s28 =	smov.u32 s23;
	s23 =	sadd.s32 $0x1, s23  }
0x1d: {  	p0 =	seq.s32 s23, s9  }
0x1e: {  	s23 =	simm.s32 @p0 $0x0  }
0x1f: {  	s29 =	smov.u32 s26;
	p0 =	seq.s32 s28, s23  }
0x20: {  	s26 =	sadd.s32 @!p0 s7, s23;
	s30 =	sand.u32 @!p0 $0x1, s29  }
0x21: {  	_ =	strace @!p0 $0x80000053;
	s4 =	simm.s32 @!p0 $0x0;
	s0 =	sshll.u32 @!p0 s26, $0xB  }
0x22: {  	s31 =	sshll.u32 @!p0 s30, $0xE;
	s30 =	sadd.s32 @!p0 $0x1, s30;
	s0 =	sand.u32 @!p0 $0x1FFFF800, s0  }
0x23: {  	s26 =	sshll.u32 @!p0 s26, $0x4;
	s31 =	sor.u32 @!p0 $0x13C00, s31;
	s0 =	sadd.s32 @!p0 s3, s0  }
0x24: {  	[tilespmem:s31], [sflag:s30] =	stream.linear.gather @!p0 [hbm4b:s0+s4], $0x4000, $0x200038;
	[tilespmem:$0x1BD00] =	vst v63  }
0x25: {  	s26 =	sand.u32 @!p0 $0x1FFFFFF0, s26;
	s0 =	sand.u32 @!p0 $0x1, s24  }
0x26: {  	s26 =	sadd.s32 @!p0 s5, s26;
	_ =	strace @!p0 $0x90000053;
	s30 =	sshll.u32 @!p0 s0, $0x7  }
0x27: {  	s0 =	sadd.s32 @!p0 $0x3, s0;
	_ =	strace @!p0 $0x80000054;
	s30 =	sor.u32 @!p0 $0x1BC00, s30  }
0x28: {  	[tilespmem:s30], [sflag:s0] =	stream.linear.gather @!p0 [hbm4b:s26+s4], $0x80, $0x200038;
	[tilespmem:$0x1BD00] =	vst v63  }
0x29: {  	s31 =	sand.u32 $0x1, s22;
	_ =	strace @!p0 $0x90000054  }
0x2a: {  	s0 =	sadd.s32 $0x1, s31;
	_ =	strace $0x80000055  }
0x2b: {  	_ =	swait.ge [sflag:s0], $0x4000  }
0x2c: {  	[sflag:s0] =	ssyncset.done $0x0  }
0x2d: {  	[sflag:s0] =	ssyncadd.s32 $0xFFFFC000  }
0x2e: {  	s4 =	sand.u32 $0x1, s21;
	_ =	strace $0x90000055  }
0x2f: {  	s0 =	sadd.s32 $0x3, s4;
	_ =	strace $0x80000056  }
0x30: {  	_ =	swait.ge [sflag:s0], $0x80  }
0x31: {  	[sflag:s0] =	ssyncset.done $0x0  }
0x32: {  	s26 =	sshll.u32 s22, $0xE;
	s30 =	sshll.u32 s21, $0x7;
	[sflag:s0] =	ssyncadd.s32 $0xFFFFFF80  }
0x33: {  	s4 =	sand.u32 $0x80, s30;
	s0 =	sand.u32 $0x4000, s26;
	_ =	strace $0x90000056  }
0x34: {  	s4 =	sor.u32 $0x1BC00, s4;
	s0 =	sor.u32 $0x13C00, s0;
	_ =	strace $0x80000057  }
0x35: {  	[spmem:s1] =	stream.indirect.scatter.add.f32 [tilespmem:s0], [sflag:$0x5], $0x80, s4, s16, $0x2000b8;
	[tilespmem:$0x1BD00] =	vst v63  }
0x36: {  	_ =	swait.ge [sflag:s17], $0x4000  }
0x37: {  	[sflag:s17] =	ssyncset.done $0x0  }
0x38: {  	[sflag:s17] =	ssyncadd.s32 $0xFFFFC000  }
0x39: {  	s25 =	sadd.s32 $0x1, s25;
	_ =	strace $0x90000057  }
0x3a: {  	s26 =	sadd.s32 @!p0 $0x1, s29;
	s4 =	simm.s32 @!p0 $0x1;
	s31 =	rddreg [dreg:$0x3]  }
0x3b: {  	s26 =	smov.u32 @p0 s29;
	s4 =	simm.s32 @p0 $0x0;
	p0 =	sne.s32 s31, s25  }
.Ltmp0:
0x3c: {  	_ = 	snop;
	(pc) =	sbr.rel @p0 .LBB2_2-.Ltmp0, $4  }
0x3d: {  	_ = 	snop  }
0x3e: {  	p1 =	sne.s32 s28, s23;
	s28 =	simm.s32 $0x1  }
0x3f: {  	s28 =	simm.s32 @!p1 $0x0  }
0x40: {  	s22 =	sadd.s32 s28, s22;
	s21 =	sadd.s32 s28, s21;
	s24 =	sadd.s32 s24, s4  }
0x41: {  	s0 =	sand.u32 $0x1, s22  }
0x42: {  	_ =	strace $0x80000055;
	s0 =	sadd.s32 $0x1, s0  }
0x43: {  	_ =	swait.ge [sflag:s0], $0x4000  }
0x44: {  	[sflag:s0] =	ssyncset.done $0x0  }
0x45: {  	[sflag:s0] =	ssyncadd.s32 $0xFFFFC000  }
0x46: {  	s30 =	sand.u32 $0x1, s21;
	_ =	strace $0x90000055  }
0x47: {  	s0 =	sadd.s32 $0x3, s30;
	_ =	strace $0x80000056  }
0x48: {  	_ =	swait.ge [sflag:s0], $0x80  }
0x49: {  	[sflag:s0] =	ssyncset.done $0x0  }
0x4a: {  	s31 =	sshll.u32 s22, $0xE;
	s4 =	sshll.u32 s21, $0x7;
	[sflag:s0] =	ssyncadd.s32 $0xFFFFFF80  }
0x4b: {  	s4 =	sand.u32 $0x80, s4;
	s0 =	sand.u32 $0x4000, s31;
	_ =	strace $0x90000056  }
0x4c: {  	s4 =	sor.u32 $0x1BC00, s4;
	s0 =	sor.u32 $0x13C00, s0;
	_ =	strace $0x80000057  }
0x4d: {  	[spmem:s1] =	stream.indirect.scatter.add.f32 [tilespmem:s0], [sflag:$0x5], $0x80, s4, s16, $0x2000b8;
	[tilespmem:$0x1BD00] =	vst v63  }
0x4e: {  	_ =	swait.ge [sflag:s17], $0x4000  }
0x4f: {  	[sflag:s17] =	ssyncset.done $0x0  }
0x50: {  	s20 =	sadd.s32 $0x1, s20;
	[sflag:s17] =	ssyncadd.s32 $0xFFFFC000  }
0x51: {  	p0 =	sne.s32 s20, s12;
	_ =	strace $0x90000057  }
.Ltmp1:
0x52: {  	[bflag:$0x0] =	sbarrier.arrive $0xFFFF;
	(pc) =	sbr.rel @p0 .LBB2_1-.Ltmp1, $4  }
0x53: {  	[hbm:s19], [sflag:s8] =	dma.local [spmem:s13], $0x2780  }
0x54: {  	_ =	swait.ge [sflag:s18], $0x2780  }
0x55: {  	[sflag:s18] =	ssyncset.done $0x0  }
0x56: {  	[sflag:s18] =	ssyncadd.s32 $0xFFFFD880  }
0x57: {  	_ =	sfence.sel $0x180000  }
0x58: {  	[bflag:$0x0] =	sbarrier.arrive $0xFFFF  }
0x59: {  	_ =	strace $0x90000051  }
0x5a: {  	s0 =	stileid.u32;
	[bflag:$0x2] =	sbarrier.arrive $0xFFFF  }
0x5b: {  	p0 =	sne.s32 s0, $0x0;
	s0 =	rddreg [dreg:$0x2]  }
0x5c: {  	s0 =	sadd.s32 @!p0 $0x100000, s0  }
0x5d: {  	[sflag:s0] =	ssyncadd.tile.s32 @!p0 $0x1;
	_ =	shalt  }
.Lfunc_end2:
_tile_overlayer_lowered:
.L_overlay_start_2:
0x5e: {  	(tag) =	ssettag $0x2  }
0x5f: {  	s0 =	rddreg [dreg:$0x0];
	s2 =	stileid.u32  }
0x60: {  	s1 =	rddreg [dreg:$0x1];
	p0 =	sne.s32 s2, $0x0  }
0x61: {  	s3 =	rddreg [dreg:$0x2];
	[bflag:$0x3] =	sbarrier.arrive $0xFFFF;
	s2 =	simm.s32 @!p0 $0x1C01  }
0x62: {  	[timem:s3], [sflag:s2] =	dma.local @!p0 [hbm:s0], s1  }
0x63: {  	s0 =	simm.s32 @!p0 $0x1  }
0x64: {  	_ =	swait.ge @!p0 [sflag:s0], s1  }
0x65: {  	s1 =	ssub.s32 @!p0 $0x0, s1;
	[sflag:s0] =	ssyncset.done @!p0 $0x0  }
0x66: {  	[sflag:s0] =	ssyncadd.s32 @!p0 s1  }
0x67: {  	[bflag:$0x3] =	sbarrier.arrive $0xFFFF  }
0x68: {  	_ =	shalt  }

</sc_bundles>
